<compile_context>
chip_gen: v7x
topology: tpu7x:2x2x1
jax: 0.10.2.dev20260603
libtpu: 0.0.44.dev20260713+nightly
codegen_flags: <defaults>
</compile_context>

<pallas_src>
import functools

import jax
import jax.numpy as jnp
from jax import lax
from jax.experimental import pallas as pl
from jax.experimental.pallas import tpu as pltpu
from jax.experimental.pallas import tpu_sc as plsc

N = 10000
D = 128
E = 320000
DH = D // 2
T = 16
B = 128
NBUF = 4
CB = E // B
CT = 157
CMAIN = 156
N_PAD = 10240
RPT = N_PAD // T


@functools.partial(
    pl.kernel,
    out_type=jax.ShapeDtypeStruct((N, D), jnp.float32),
    mesh=plsc.VectorSubcoreMesh(core_axis_name="c", subcore_axis_name="s"),
    compiler_params=pltpu.CompilerParams(use_tc_tiling_on_sc=False),
    scratch_types=[
        pltpu.VMEM((CT, 2, B), jnp.int32),
        pltpu.VMEM((NBUF, B, DH), jnp.float32),
        pltpu.VMEM_SHARED((N_PAD, DH), jnp.float32),
        pltpu.SemaphoreType.DMA((NBUF,)),
        pltpu.SemaphoreType.DMA((NBUF,)),
    ],
)
def _gcn_scatter(feat_hbm, eit_hbm, zeros_hbm, out_hbm,
                 idx, rows, acc, gsem, ssem):
    c = lax.axis_index("c")
    s = lax.axis_index("s")

    o = jnp.where(s < 4, s * CT, 4 * CT + CMAIN * (s - 4))
    o = jnp.where(s == T - 1, CB - CT, o)
    ro = jnp.where(s == T - 1, 1, 0)

    pltpu.sync_copy(eit_hbm.at[pl.ds(o, CT)], idx)
    zcp = pltpu.async_copy(zeros_hbm, acc.at[pl.ds(s * RPT, RPT)], ssem.at[0])

    def double_idx(j):
        for m in range(B // 16):
            v = idx[j, 0, pl.ds(m * 16, 16)]
            idx[j, 0, pl.ds(m * 16, 16)] = v * 2 + c

    for b in range(NBUF):
        double_idx(b + ro)
        pltpu.async_copy(feat_hbm.at[idx.at[b + ro, 0]], rows.at[b],
                         gsem.at[b])

    zcp.wait()
    plsc.subcore_barrier()

    def group(g, carry):
        j0 = g * NBUF + ro
        for b in range(NBUF):
            pltpu.make_async_copy(feat_hbm.at[idx.at[j0 + b, 0]], rows.at[b],
                                  gsem.at[b]).wait()
            pltpu.async_copy(rows.at[b], acc.at[idx.at[j0 + b, 1]],
                             ssem.at[b], add=True)
        for b in range(NBUF):
            jn = g * NBUF + NBUF + b

            @pl.when(jn < CMAIN)
            def _():
                double_idx(jn + ro)
                pltpu.make_async_copy(rows.at[b], acc.at[idx.at[j0 + b, 1]],
                                      ssem.at[b]).wait()
                pltpu.async_copy(feat_hbm.at[idx.at[jn + ro, 0]], rows.at[b],
                                 gsem.at[b])
        return carry

    lax.fori_loop(0, CMAIN // NBUF, group, 0)

    for b in range(NBUF):
        pltpu.make_async_copy(rows.at[b],
                              acc.at[idx.at[CMAIN - NBUF + b + ro, 1]],
                              ssem.at[b]).wait()

    @pl.when(s < 4)
    def _():
        double_idx(CMAIN)
        pltpu.async_copy(feat_hbm.at[idx.at[CMAIN, 0]], rows.at[0],
                         gsem.at[0]).wait()
        pltpu.sync_copy(rows.at[0], acc.at[idx.at[CMAIN, 1]], add=True)

    plsc.subcore_barrier()

    @pl.when(s < T - 1)
    def _():
        pltpu.sync_copy(acc.at[pl.ds(s * RPT, RPT)],
                        out_hbm.at[pl.ds(s * RPT, RPT), pl.ds(c * DH, DH)])

    @pl.when(s == T - 1)
    def _():
        last = N - (T - 1) * RPT
        pltpu.sync_copy(acc.at[pl.ds((T - 1) * RPT, last)],
                        out_hbm.at[pl.ds((T - 1) * RPT, last),
                                   pl.ds(c * DH, DH)])


def kernel(features, edge_index):
    eit = edge_index.reshape(2, CB, B).transpose(1, 0, 2)
    feat2 = features.reshape(2 * N, DH)
    zeros = jnp.zeros((RPT, DH), jnp.float32)
    return _gcn_scatter(feat2, eit, zeros)

# --- scband reference (transcript-rebuilt; emitter-appended) ---
"""Pipeline reference for scband-gcnlayer-21672404975784 (READ-ONLY COPY).

The authoritative reference and input builder live on the scoring server;
editing this copy changes nothing except your own understanding.
"""

import jax, jax.numpy as jnp
import numpy as np

N = 10000
E = 320000
D = 128

def setup_inputs(seed: int = 0) -> dict:
    key = jax.random.key(seed)
    k1, k2 = jax.random.split(key)
    features = jax.random.normal(k1, (N, D), dtype=jnp.float32)
    edge_index = jax.random.randint(k2, (2, E), 0, N, dtype=jnp.int32)
    return {"features": features, "edge_index": edge_index}

def reference(features, edge_index):
    # DGL update_all(message: m = src h, reduce: h = sum(mailbox m))
    # == scatter-add of source features into destination nodes.
    src = edge_index[0]
    dst = edge_index[1]
    msgs = jnp.take(features, src, axis=0)          # gather: edges.src['h']
    h = jax.ops.segment_sum(msgs, dst, num_segments=N)  # sum over in-edges per node
    return h

if __name__ == "__main__":
    import jax
    _d = setup_inputs()
    print(jax.jit(kernel)(*tuple(_d.values())))

</pallas_src>

<mosaic_0001>
#map = affine_map<(d0, d1) -> (0, 0)>
#map1 = affine_map<(d0, d1) -> (0, 0, 0)>
module attributes {stable_mosaic.version = 14 : i64} {
  func.func @_gcn_scatter(%arg0: i32, %arg1: i32, %arg2: memref<20000x64xf32, #tpu.memory_space<hbm>>, %arg3: memref<2500x2x128xi32, #tpu.memory_space<hbm>>, %arg4: memref<640x64xf32, #tpu.memory_space<hbm>>, %arg5: memref<10000x128xf32, #tpu.memory_space<hbm>>, %arg6: memref<157x2x128xi32, #tpu.memory_space<vmem>>, %arg7: memref<4x128x64xf32, #tpu.memory_space<vmem>>, %arg8: memref<10240x64xf32, #tpu.memory_space<vmem_shared>>, %arg9: memref<4x!tpu.dma_semaphore, #tpu.memory_space<semaphore_mem>>, %arg10: memref<4x!tpu.dma_semaphore, #tpu.memory_space<semaphore_mem>>) attributes {dimension_semantics = [#tpu.dimension_semantics<core_parallel>, #tpu.dimension_semantics<subcore_parallel>], iteration_bounds = array<i64: 2, 16>, scalar_prefetch = 0 : i64, scratch_operands = 5 : i64, tpu.core_type = #tpu.core_type<sc_vector_subcore>, window_params = [{transform_indices = #map}, {transform_indices = #map1}, {transform_indices = #map}, {transform_indices = #map}]} {
    %lt3A = arith.constant 4 : i32
    %lt3A_0 = arith.cmpi slt, %arg1, %lt3A : i32
    %mul3A = arith.constant 157 : i32
    %mul3A_1 = arith.muli %arg1, %mul3A : i32
    %sub3A = arith.constant 4 : i32
    %sub3A_2 = arith.subi %arg1, %sub3A : i32
    %mul3A_3 = arith.constant 156 : i32
    %mul3A_4 = arith.muli %mul3A_3, %sub3A_2 : i32
    %add3A = arith.constant 628 : i32
    %add3A_5 = arith.addi %add3A, %mul3A_4 : i32
    %select_n3A = arith.select %lt3A_0, %mul3A_1, %add3A_5 : i32
    %eq3A = arith.constant 15 : i32
    %eq3A_6 = arith.cmpi eq, %arg1, %eq3A : i32
    %jit3A = arith.constant 2343 : i32
    %select_n3A_7 = arith.select %eq3A_6, %jit3A, %select_n3A : i32
    %eq3A_8 = arith.constant 15 : i32
    %eq3A_9 = arith.cmpi eq, %arg1, %eq3A_8 : i32
    %jit3A_10 = arith.constant 1 : i32
    %jit3A_11 = arith.constant 0 : i32
    %select_n3A_12 = arith.select %eq3A_9, %jit3A_10, %jit3A_11 : i32
    "tpu.region"() ({
      %run_scoped3A = tpu.sem_alloc : memref<!tpu.dma_semaphore, #tpu.memory_space<semaphore_mem>>
      %dma_start3A_760 = arith.constant 0 : i32
      %dma_start3A_761 = arith.constant 0 : i32
      %dma_start3A_762 = tpu.memref_slice %arg3[%select_n3A_7, %dma_start3A_760, %dma_start3A_761] : memref<2500x2x128xi32, #tpu.memory_space<hbm>> -> memref<157x2x128xi32, #tpu.memory_space<hbm>>
      %dma_start3A_763 = arith.constant 0 : i32
      %dma_start3A_764 = arith.constant 0 : i32
      %dma_start3A_765 = tpu.memref_slice %arg3[%select_n3A_7, %dma_start3A_763, %dma_start3A_764] : memref<2500x2x128xi32, #tpu.memory_space<hbm>> -> memref<157x2x128xi32, #tpu.memory_space<hbm>>
      tpu.enqueue_dma source(%dma_start3A_765 : memref<157x2x128xi32, #tpu.memory_space<hbm>>) target(%arg6 : memref<157x2x128xi32, #tpu.memory_space<vmem>>) target_semaphore(%run_scoped3A : memref<!tpu.dma_semaphore, #tpu.memory_space<semaphore_mem>>)
      %dma_wait3A_766 = arith.constant 0 : i32
      %dma_wait3A_767 = arith.constant 0 : i32
      %dma_wait3A_768 = tpu.memref_slice %arg3[%select_n3A_7, %dma_wait3A_766, %dma_wait3A_767] : memref<2500x2x128xi32, #tpu.memory_space<hbm>> -> memref<157x2x128xi32, #tpu.memory_space<hbm>>
      %dma_wait3A_769 = arith.constant 0 : i32
      %dma_wait3A_770 = arith.constant 0 : i32
      %dma_wait3A_771 = tpu.memref_slice %arg3[%select_n3A_7, %dma_wait3A_769, %dma_wait3A_770] : memref<2500x2x128xi32, #tpu.memory_space<hbm>> -> memref<157x2x128xi32, #tpu.memory_space<hbm>>
      tpu.wait_dma2 semaphore(%run_scoped3A : memref<!tpu.dma_semaphore, #tpu.memory_space<semaphore_mem>>) src(%dma_wait3A_771 : memref<157x2x128xi32, #tpu.memory_space<hbm>>) dst(%arg6 : memref<157x2x128xi32, #tpu.memory_space<vmem>>)
      tpu.yield
    }) : () -> ()
    %mul3A_13 = arith.constant 640 : i32
    %mul3A_14 = arith.muli %arg1, %mul3A_13 : i32
    %dma_start3A = arith.constant 0 : i32
    %dma_start3A_15 = tpu.memref_slice %arg10[%dma_start3A] : memref<4x!tpu.dma_semaphore, #tpu.memory_space<semaphore_mem>> -> memref<1x!tpu.dma_semaphore, #tpu.memory_space<semaphore_mem>>
    %dma_start3A_16 = tpu.memref_squeeze %dma_start3A_15 : memref<1x!tpu.dma_semaphore, #tpu.memory_space<semaphore_mem>> -> memref<!tpu.dma_semaphore, #tpu.memory_space<semaphore_mem>>
    %dma_start3A_17 = arith.constant 0 : i32
    %dma_start3A_18 = tpu.memref_slice %arg8[%mul3A_14, %dma_start3A_17] : memref<10240x64xf32, #tpu.memory_space<vmem_shared>> -> memref<640x64xf32, #tpu.memory_space<vmem_shared>>
    tpu.enqueue_dma source(%arg4 : memref<640x64xf32, #tpu.memory_space<hbm>>) target(%dma_start3A_18 : memref<640x64xf32, #tpu.memory_space<vmem_shared>>) target_semaphore(%dma_start3A_16 : memref<!tpu.dma_semaphore, #tpu.memory_space<semaphore_mem>>)
    %add3A_19 = arith.constant 0 : i32
    %add3A_20 = arith.addi %add3A_19, %select_n3A_12 : i32
    %get3A = arith.constant 0 : i32
    %get3A_21 = arith.index_cast %add3A_20 : i32 to index
    %get3A_22 = arith.index_cast %get3A : i32 to index
    %get3A_23 = arith.constant 0 : index
    %get3A_24 = tpu.vector_load %arg6[%get3A_21, %get3A_22, %get3A_23] {strides = array<i32>} : memref<157x2x128xi32, #tpu.memory_space<vmem>>, vector<1x1x16xi32>,
    %get3A_25 = vector.shape_cast %get3A_24 : vector<1x1x16xi32> to vector<16xi32>
    %mul3A_26 = arith.constant 2 : i32
    %mul3A_27 = vector.broadcast %mul3A_26 : i32 to vector<16xi32>
    %mul3A_28 = arith.muli %get3A_25, %mul3A_27 : vector<16xi32>
    %add3A_29 = vector.broadcast %arg0 : i32 to vector<16xi32>
    %add3A_30 = arith.addi %mul3A_28, %add3A_29 : vector<16xi32>
    %swap3A = arith.constant 0 : i32
    %swap3A_31 = arith.index_cast %add3A_20 : i32 to index
    %swap3A_32 = arith.index_cast %swap3A : i32 to index
    %swap3A_33 = arith.constant 0 : index
    %swap3A_34 = tpu.vector_load %arg6[%swap3A_31, %swap3A_32, %swap3A_33] {strides = array<i32>} : memref<157x2x128xi32, #tpu.memory_space<vmem>>, vector<1x1x16xi32>,
    %swap3A_35 = vector.shape_cast %swap3A_34 : vector<1x1x16xi32> to vector<16xi32>
    %swap3A_36 = vector.shape_cast %add3A_30 : vector<16xi32> to vector<1x1x16xi32>
    tpu.vector_store %arg6[%swap3A_31, %swap3A_32, %swap3A_33], %swap3A_36 {strides = array<i32>} : memref<157x2x128xi32, #tpu.memory_space<vmem>>, vector<1x1x16xi32>,
    %get3A_37 = arith.constant 0 : i32
    %get3A_38 = arith.index_cast %add3A_20 : i32 to index
    %get3A_39 = arith.index_cast %get3A_37 : i32 to index
    %get3A_40 = arith.constant 16 : index
    %get3A_41 = tpu.vector_load %arg6[%get3A_38, %get3A_39, %get3A_40] {strides = array<i32>} : memref<157x2x128xi32, #tpu.memory_space<vmem>>, vector<1x1x16xi32>,
    %get3A_42 = vector.shape_cast %get3A_41 : vector<1x1x16xi32> to vector<16xi32>
    %mul3A_43 = arith.constant 2 : i32
    %mul3A_44 = vector.broadcast %mul3A_43 : i32 to vector<16xi32>
    %mul3A_45 = arith.muli %get3A_42, %mul3A_44 : vector<16xi32>
    %add3A_46 = vector.broadcast %arg0 : i32 to vector<16xi32>
    %add3A_47 = arith.addi %mul3A_45, %add3A_46 : vector<16xi32>
    %swap3A_48 = arith.constant 0 : i32
    %swap3A_49 = arith.index_cast %add3A_20 : i32 to index
    %swap3A_50 = arith.index_cast %swap3A_48 : i32 to index
    %swap3A_51 = arith.constant 16 : index
    %swap3A_52 = tpu.vector_load %arg6[%swap3A_49, %swap3A_50, %swap3A_51] {strides = array<i32>} : memref<157x2x128xi32, #tpu.memory_space<vmem>>, vector<1x1x16xi32>,
    %swap3A_53 = vector.shape_cast %swap3A_52 : vector<1x1x16xi32> to vector<16xi32>
    %swap3A_54 = vector.shape_cast %add3A_47 : vector<16xi32> to vector<1x1x16xi32>
    tpu.vector_store %arg6[%swap3A_49, %swap3A_50, %swap3A_51], %swap3A_54 {strides = array<i32>} : memref<157x2x128xi32, #tpu.memory_space<vmem>>, vector<1x1x16xi32>,
    %get3A_55 = arith.constant 0 : i32
    %get3A_56 = arith.index_cast %add3A_20 : i32 to index
    %get3A_57 = arith.index_cast %get3A_55 : i32 to index
    %get3A_58 = arith.constant 32 : index
    %get3A_59 = tpu.vector_load %arg6[%get3A_56, %get3A_57, %get3A_58] {strides = array<i32>} : memref<157x2x128xi32, #tpu.memory_space<vmem>>, vector<1x1x16xi32>,
    %get3A_60 = vector.shape_cast %get3A_59 : vector<1x1x16xi32> to vector<16xi32>
    %mul3A_61 = arith.constant 2 : i32
    %mul3A_62 = vector.broadcast %mul3A_61 : i32 to vector<16xi32>
    %mul3A_63 = arith.muli %get3A_60, %mul3A_62 : vector<16xi32>
    %add3A_64 = vector.broadcast %arg0 : i32 to vector<16xi32>
    %add3A_65 = arith.addi %mul3A_63, %add3A_64 : vector<16xi32>
    %swap3A_66 = arith.constant 0 : i32
    %swap3A_67 = arith.index_cast %add3A_20 : i32 to index
    %swap3A_68 = arith.index_cast %swap3A_66 : i32 to index
    %swap3A_69 = arith.constant 32 : index
    %swap3A_70 = tpu.vector_load %arg6[%swap3A_67, %swap3A_68, %swap3A_69] {strides = array<i32>} : memref<157x2x128xi32, #tpu.memory_space<vmem>>, vector<1x1x16xi32>,
    %swap3A_71 = vector.shape_cast %swap3A_70 : vector<1x1x16xi32> to vector<16xi32>
    %swap3A_72 = vector.shape_cast %add3A_65 : vector<16xi32> to vector<1x1x16xi32>
    tpu.vector_store %arg6[%swap3A_67, %swap3A_68, %swap3A_69], %swap3A_72 {strides = array<i32>} : memref<157x2x128xi32, #tpu.memory_space<vmem>>, vector<1x1x16xi32>,
    %get3A_73 = arith.constant 0 : i32
    %get3A_74 = arith.index_cast %add3A_20 : i32 to index
    %get3A_75 = arith.index_cast %get3A_73 : i32 to index
    %get3A_76 = arith.constant 48 : index
    %get3A_77 = tpu.vector_load %arg6[%get3A_74, %get3A_75, %get3A_76] {strides = array<i32>} : memref<157x2x128xi32, #tpu.memory_space<vmem>>, vector<1x1x16xi32>,
    %get3A_78 = vector.shape_cast %get3A_77 : vector<1x1x16xi32> to vector<16xi32>
    %mul3A_79 = arith.constant 2 : i32
    %mul3A_80 = vector.broadcast %mul3A_79 : i32 to vector<16xi32>
    %mul3A_81 = arith.muli %get3A_78, %mul3A_80 : vector<16xi32>
    %add3A_82 = vector.broadcast %arg0 : i32 to vector<16xi32>
    %add3A_83 = arith.addi %mul3A_81, %add3A_82 : vector<16xi32>
    %swap3A_84 = arith.constant 0 : i32
    %swap3A_85 = arith.index_cast %add3A_20 : i32 to index
    %swap3A_86 = arith.index_cast %swap3A_84 : i32 to index
    %swap3A_87 = arith.constant 48 : index
    %swap3A_88 = tpu.vector_load %arg6[%swap3A_85, %swap3A_86, %swap3A_87] {strides = array<i32>} : memref<157x2x128xi32, #tpu.memory_space<vmem>>, vector<1x1x16xi32>,
    %swap3A_89 = vector.shape_cast %swap3A_88 : vector<1x1x16xi32> to vector<16xi32>
    %swap3A_90 = vector.shape_cast %add3A_83 : vector<16xi32> to vector<1x1x16xi32>
    tpu.vector_store %arg6[%swap3A_85, %swap3A_86, %swap3A_87], %swap3A_90 {strides = array<i32>} : memref<157x2x128xi32, #tpu.memory_space<vmem>>, vector<1x1x16xi32>,
    %get3A_91 = arith.constant 0 : i32
    %get3A_92 = arith.index_cast %add3A_20 : i32 to index
    %get3A_93 = arith.index_cast %get3A_91 : i32 to index
    %get3A_94 = arith.constant 64 : index
    %get3A_95 = tpu.vector_load %arg6[%get3A_92, %get3A_93, %get3A_94] {strides = array<i32>} : memref<157x2x128xi32, #tpu.memory_space<vmem>>, vector<1x1x16xi32>,
    %get3A_96 = vector.shape_cast %get3A_95 : vector<1x1x16xi32> to vector<16xi32>
    %mul3A_97 = arith.constant 2 : i32
    %mul3A_98 = vector.broadcast %mul3A_97 : i32 to vector<16xi32>
    %mul3A_99 = arith.muli %get3A_96, %mul3A_98 : vector<16xi32>
    %add3A_100 = vector.broadcast %arg0 : i32 to vector<16xi32>
    %add3A_101 = arith.addi %mul3A_99, %add3A_100 : vector<16xi32>
    %swap3A_102 = arith.constant 0 : i32
    %swap3A_103 = arith.index_cast %add3A_20 : i32 to index
    %swap3A_104 = arith.index_cast %swap3A_102 : i32 to index
    %swap3A_105 = arith.constant 64 : index
    %swap3A_106 = tpu.vector_load %arg6[%swap3A_103, %swap3A_104, %swap3A_105] {strides = array<i32>} : memref<157x2x128xi32, #tpu.memory_space<vmem>>, vector<1x1x16xi32>,
    %swap3A_107 = vector.shape_cast %swap3A_106 : vector<1x1x16xi32> to vector<16xi32>
    %swap3A_108 = vector.shape_cast %add3A_101 : vector<16xi32> to vector<1x1x16xi32>
    tpu.vector_store %arg6[%swap3A_103, %swap3A_104, %swap3A_105], %swap3A_108 {strides = array<i32>} : memref<157x2x128xi32, #tpu.memory_space<vmem>>, vector<1x1x16xi32>,
    %get3A_109 = arith.constant 0 : i32
    %get3A_110 = arith.index_cast %add3A_20 : i32 to index
    %get3A_111 = arith.index_cast %get3A_109 : i32 to index
    %get3A_112 = arith.constant 80 : index
    %get3A_113 = tpu.vector_load %arg6[%get3A_110, %get3A_111, %get3A_112] {strides = array<i32>} : memref<157x2x128xi32, #tpu.memory_space<vmem>>, vector<1x1x16xi32>,
    %get3A_114 = vector.shape_cast %get3A_113 : vector<1x1x16xi32> to vector<16xi32>
    %mul3A_115 = arith.constant 2 : i32
    %mul3A_116 = vector.broadcast %mul3A_115 : i32 to vector<16xi32>
    %mul3A_117 = arith.muli %get3A_114, %mul3A_116 : vector<16xi32>
    %add3A_118 = vector.broadcast %arg0 : i32 to vector<16xi32>
    %add3A_119 = arith.addi %mul3A_117, %add3A_118 : vector<16xi32>
    %swap3A_120 = arith.constant 0 : i32
    %swap3A_121 = arith.index_cast %add3A_20 : i32 to index
    %swap3A_122 = arith.index_cast %swap3A_120 : i32 to index
    %swap3A_123 = arith.constant 80 : index
    %swap3A_124 = tpu.vector_load %arg6[%swap3A_121, %swap3A_122, %swap3A_123] {strides = array<i32>} : memref<157x2x128xi32, #tpu.memory_space<vmem>>, vector<1x1x16xi32>,
    %swap3A_125 = vector.shape_cast %swap3A_124 : vector<1x1x16xi32> to vector<16xi32>
    %swap3A_126 = vector.shape_cast %add3A_119 : vector<16xi32> to vector<1x1x16xi32>
    tpu.vector_store %arg6[%swap3A_121, %swap3A_122, %swap3A_123], %swap3A_126 {strides = array<i32>} : memref<157x2x128xi32, #tpu.memory_space<vmem>>, vector<1x1x16xi32>,
    %get3A_127 = arith.constant 0 : i32
    %get3A_128 = arith.index_cast %add3A_20 : i32 to index
    %get3A_129 = arith.index_cast %get3A_127 : i32 to index
    %get3A_130 = arith.constant 96 : index
    %get3A_131 = tpu.vector_load %arg6[%get3A_128, %get3A_129, %get3A_130] {strides = array<i32>} : memref<157x2x128xi32, #tpu.memory_space<vmem>>, vector<1x1x16xi32>,
    %get3A_132 = vector.shape_cast %get3A_131 : vector<1x1x16xi32> to vector<16xi32>
    %mul3A_133 = arith.constant 2 : i32
    %mul3A_134 = vector.broadcast %mul3A_133 : i32 to vector<16xi32>
    %mul3A_135 = arith.muli %get3A_132, %mul3A_134 : vector<16xi32>
    %add3A_136 = vector.broadcast %arg0 : i32 to vector<16xi32>
    %add3A_137 = arith.addi %mul3A_135, %add3A_136 : vector<16xi32>
    %swap3A_138 = arith.constant 0 : i32
    %swap3A_139 = arith.index_cast %add3A_20 : i32 to index
    %swap3A_140 = arith.index_cast %swap3A_138 : i32 to index
    %swap3A_141 = arith.constant 96 : index
    %swap3A_142 = tpu.vector_load %arg6[%swap3A_139, %swap3A_140, %swap3A_141] {strides = array<i32>} : memref<157x2x128xi32, #tpu.memory_space<vmem>>, vector<1x1x16xi32>,
    %swap3A_143 = vector.shape_cast %swap3A_142 : vector<1x1x16xi32> to vector<16xi32>
    %swap3A_144 = vector.shape_cast %add3A_137 : vector<16xi32> to vector<1x1x16xi32>
    tpu.vector_store %arg6[%swap3A_139, %swap3A_140, %swap3A_141], %swap3A_144 {strides = array<i32>} : memref<157x2x128xi32, #tpu.memory_space<vmem>>, vector<1x1x16xi32>,
    %get3A_145 = arith.constant 0 : i32
    %get3A_146 = arith.index_cast %add3A_20 : i32 to index
    %get3A_147 = arith.index_cast %get3A_145 : i32 to index
    %get3A_148 = arith.constant 112 : index
    %get3A_149 = tpu.vector_load %arg6[%get3A_146, %get3A_147, %get3A_148] {strides = array<i32>} : memref<157x2x128xi32, #tpu.memory_space<vmem>>, vector<1x1x16xi32>,
    %get3A_150 = vector.shape_cast %get3A_149 : vector<1x1x16xi32> to vector<16xi32>
    %mul3A_151 = arith.constant 2 : i32
    %mul3A_152 = vector.broadcast %mul3A_151 : i32 to vector<16xi32>
    %mul3A_153 = arith.muli %get3A_150, %mul3A_152 : vector<16xi32>
    %add3A_154 = vector.broadcast %arg0 : i32 to vector<16xi32>
    %add3A_155 = arith.addi %mul3A_153, %add3A_154 : vector<16xi32>
    %swap3A_156 = arith.constant 0 : i32
    %swap3A_157 = arith.index_cast %add3A_20 : i32 to index
    %swap3A_158 = arith.index_cast %swap3A_156 : i32 to index
    %swap3A_159 = arith.constant 112 : index
    %swap3A_160 = tpu.vector_load %arg6[%swap3A_157, %swap3A_158, %swap3A_159] {strides = array<i32>} : memref<157x2x128xi32, #tpu.memory_space<vmem>>, vector<1x1x16xi32>,
    %swap3A_161 = vector.shape_cast %swap3A_160 : vector<1x1x16xi32> to vector<16xi32>
    %swap3A_162 = vector.shape_cast %add3A_155 : vector<16xi32> to vector<1x1x16xi32>
    tpu.vector_store %arg6[%swap3A_157, %swap3A_158, %swap3A_159], %swap3A_162 {strides = array<i32>} : memref<157x2x128xi32, #tpu.memory_space<vmem>>, vector<1x1x16xi32>,
    %add3A_163 = arith.constant 0 : i32
    %add3A_164 = arith.addi %add3A_163, %select_n3A_12 : i32
    %dma_start3A_165 = arith.constant 0 : i32
    %dma_start3A_166 = arith.constant 0 : i32
    %dma_start3A_167 = arith.constant 0 : i32
    %dma_start3A_168 = arith.constant 0 : i32
    %dma_start3A_169 = arith.constant 0 : i32
    %dma_start3A_170 = tpu.memref_slice %arg7[%dma_start3A_166, %dma_start3A_168, %dma_start3A_169] : memref<4x128x64xf32, #tpu.memory_space<vmem>> -> memref<1x128x64xf32, #tpu.memory_space<vmem>>
    %dma_start3A_171 = tpu.memref_squeeze %dma_start3A_170 : memref<1x128x64xf32, #tpu.memory_space<vmem>> -> memref<128x64xf32, #tpu.memory_space<vmem>>
    %dma_start3A_172 = arith.constant 0 : i32
    %dma_start3A_173 = tpu.memref_slice %arg6[%add3A_164, %dma_start3A_165, %dma_start3A_172] : memref<157x2x128xi32, #tpu.memory_space<vmem>> -> memref<1x1x128xi32, #tpu.memory_space<vmem>>
    %dma_start3A_174 = tpu.memref_squeeze %dma_start3A_173 : memref<1x1x128xi32, #tpu.memory_space<vmem>> -> memref<128xi32, #tpu.memory_space<vmem>>
    %dma_start3A_175 = arith.constant 0 : i32
    %dma_start3A_176 = arith.constant 0 : i32
    %dma_start3A_177 = tpu.memref_slice %arg2[%dma_start3A_175, %dma_start3A_176] : memref<20000x64xf32, #tpu.memory_space<hbm>> -> memref<20000x64xf32, #tpu.memory_space<hbm>>
    %dma_start3A_178 = tpu.memref_slice %arg9[%dma_start3A_167] : memref<4x!tpu.dma_semaphore, #tpu.memory_space<semaphore_mem>> -> memref<1x!tpu.dma_semaphore, #tpu.memory_space<semaphore_mem>>
    %dma_start3A_179 = tpu.memref_squeeze %dma_start3A_178 : memref<1x!tpu.dma_semaphore, #tpu.memory_space<semaphore_mem>> -> memref<!tpu.dma_semaphore, #tpu.memory_space<semaphore_mem>>
    tpu.enqueue_indirect_dma source(%dma_start3A_177 : memref<20000x64xf32, #tpu.memory_space<hbm>>) target(%dma_start3A_171 : memref<128x64xf32, #tpu.memory_space<vmem>>) offsets(%dma_start3A_174 : memref<128xi32, #tpu.memory_space<vmem>>) semaphore(%dma_start3A_179 : memref<!tpu.dma_semaphore, #tpu.memory_space<semaphore_mem>>)
    %add3A_180 = arith.constant 1 : i32
    %add3A_181 = arith.addi %add3A_180, %select_n3A_12 : i32
    %get3A_182 = arith.constant 0 : i32
    %get3A_183 = arith.index_cast %add3A_181 : i32 to index
    %get3A_184 = arith.index_cast %get3A_182 : i32 to index
    %get3A_185 = arith.constant 0 : index
    %get3A_186 = tpu.vector_load %arg6[%get3A_183, %get3A_184, %get3A_185] {strides = array<i32>} : memref<157x2x128xi32, #tpu.memory_space<vmem>>, vector<1x1x16xi32>,
    %get3A_187 = vector.shape_cast %get3A_186 : vector<1x1x16xi32> to vector<16xi32>
    %mul3A_188 = arith.constant 2 : i32
    %mul3A_189 = vector.broadcast %mul3A_188 : i32 to vector<16xi32>
    %mul3A_190 = arith.muli %get3A_187, %mul3A_189 : vector<16xi32>
    %add3A_191 = vector.broadcast %arg0 : i32 to vector<16xi32>
    %add3A_192 = arith.addi %mul3A_190, %add3A_191 : vector<16xi32>
    %swap3A_193 = arith.constant 0 : i32
    %swap3A_194 = arith.index_cast %add3A_181 : i32 to index
    %swap3A_195 = arith.index_cast %swap3A_193 : i32 to index
    %swap3A_196 = arith.constant 0 : index
    %swap3A_197 = tpu.vector_load %arg6[%swap3A_194, %swap3A_195, %swap3A_196] {strides = array<i32>} : memref<157x2x128xi32, #tpu.memory_space<vmem>>, vector<1x1x16xi32>,
    %swap3A_198 = vector.shape_cast %swap3A_197 : vector<1x1x16xi32> to vector<16xi32>
    %swap3A_199 = vector.shape_cast %add3A_192 : vector<16xi32> to vector<1x1x16xi32>
    tpu.vector_store %arg6[%swap3A_194, %swap3A_195, %swap3A_196], %swap3A_199 {strides = array<i32>} : memref<157x2x128xi32, #tpu.memory_space<vmem>>, vector<1x1x16xi32>,
    %get3A_200 = arith.constant 0 : i32
    %get3A_201 = arith.index_cast %add3A_181 : i32 to index
    %get3A_202 = arith.index_cast %get3A_200 : i32 to index
    %get3A_203 = arith.constant 16 : index
    %get3A_204 = tpu.vector_load %arg6[%get3A_201, %get3A_202, %get3A_203] {strides = array<i32>} : memref<157x2x128xi32, #tpu.memory_space<vmem>>, vector<1x1x16xi32>,
    %get3A_205 = vector.shape_cast %get3A_204 : vector<1x1x16xi32> to vector<16xi32>
    %mul3A_206 = arith.constant 2 : i32
    %mul3A_207 = vector.broadcast %mul3A_206 : i32 to vector<16xi32>
    %mul3A_208 = arith.muli %get3A_205, %mul3A_207 : vector<16xi32>
    %add3A_209 = vector.broadcast %arg0 : i32 to vector<16xi32>
    %add3A_210 = arith.addi %mul3A_208, %add3A_209 : vector<16xi32>
    %swap3A_211 = arith.constant 0 : i32
    %swap3A_212 = arith.index_cast %add3A_181 : i32 to index
    %swap3A_213 = arith.index_cast %swap3A_211 : i32 to index
    %swap3A_214 = arith.constant 16 : index
    %swap3A_215 = tpu.vector_load %arg6[%swap3A_212, %swap3A_213, %swap3A_214] {strides = array<i32>} : memref<157x2x128xi32, #tpu.memory_space<vmem>>, vector<1x1x16xi32>,
    %swap3A_216 = vector.shape_cast %swap3A_215 : vector<1x1x16xi32> to vector<16xi32>
    %swap3A_217 = vector.shape_cast %add3A_210 : vector<16xi32> to vector<1x1x16xi32>
    tpu.vector_store %arg6[%swap3A_212, %swap3A_213, %swap3A_214], %swap3A_217 {strides = array<i32>} : memref<157x2x128xi32, #tpu.memory_space<vmem>>, vector<1x1x16xi32>,
    %get3A_218 = arith.constant 0 : i32
    %get3A_219 = arith.index_cast %add3A_181 : i32 to index
    %get3A_220 = arith.index_cast %get3A_218 : i32 to index
    %get3A_221 = arith.constant 32 : index
    %get3A_222 = tpu.vector_load %arg6[%get3A_219, %get3A_220, %get3A_221] {strides = array<i32>} : memref<157x2x128xi32, #tpu.memory_space<vmem>>, vector<1x1x16xi32>,
    %get3A_223 = vector.shape_cast %get3A_222 : vector<1x1x16xi32> to vector<16xi32>
    %mul3A_224 = arith.constant 2 : i32
    %mul3A_225 = vector.broadcast %mul3A_224 : i32 to vector<16xi32>
    %mul3A_226 = arith.muli %get3A_223, %mul3A_225 : vector<16xi32>
    %add3A_227 = vector.broadcast %arg0 : i32 to vector<16xi32>
    %add3A_228 = arith.addi %mul3A_226, %add3A_227 : vector<16xi32>
    %swap3A_229 = arith.constant 0 : i32
    %swap3A_230 = arith.index_cast %add3A_181 : i32 to index
    %swap3A_231 = arith.index_cast %swap3A_229 : i32 to index
    %swap3A_232 = arith.constant 32 : index
    %swap3A_233 = tpu.vector_load %arg6[%swap3A_230, %swap3A_231, %swap3A_232] {strides = array<i32>} : memref<157x2x128xi32, #tpu.memory_space<vmem>>, vector<1x1x16xi32>,
    %swap3A_234 = vector.shape_cast %swap3A_233 : vector<1x1x16xi32> to vector<16xi32>
    %swap3A_235 = vector.shape_cast %add3A_228 : vector<16xi32> to vector<1x1x16xi32>
    tpu.vector_store %arg6[%swap3A_230, %swap3A_231, %swap3A_232], %swap3A_235 {strides = array<i32>} : memref<157x2x128xi32, #tpu.memory_space<vmem>>, vector<1x1x16xi32>,
    %get3A_236 = arith.constant 0 : i32
    %get3A_237 = arith.index_cast %add3A_181 : i32 to index
    %get3A_238 = arith.index_cast %get3A_236 : i32 to index
    %get3A_239 = arith.constant 48 : index
    %get3A_240 = tpu.vector_load %arg6[%get3A_237, %get3A_238, %get3A_239] {strides = array<i32>} : memref<157x2x128xi32, #tpu.memory_space<vmem>>, vector<1x1x16xi32>,
    %get3A_241 = vector.shape_cast %get3A_240 : vector<1x1x16xi32> to vector<16xi32>
    %mul3A_242 = arith.constant 2 : i32
    %mul3A_243 = vector.broadcast %mul3A_242 : i32 to vector<16xi32>
    %mul3A_244 = arith.muli %get3A_241, %mul3A_243 : vector<16xi32>
    %add3A_245 = vector.broadcast %arg0 : i32 to vector<16xi32>
    %add3A_246 = arith.addi %mul3A_244, %add3A_245 : vector<16xi32>
    %swap3A_247 = arith.constant 0 : i32
    %swap3A_248 = arith.index_cast %add3A_181 : i32 to index
    %swap3A_249 = arith.index_cast %swap3A_247 : i32 to index
    %swap3A_250 = arith.constant 48 : index
    %swap3A_251 = tpu.vector_load %arg6[%swap3A_248, %swap3A_249, %swap3A_250] {strides = array<i32>} : memref<157x2x128xi32, #tpu.memory_space<vmem>>, vector<1x1x16xi32>,
    %swap3A_252 = vector.shape_cast %swap3A_251 : vector<1x1x16xi32> to vector<16xi32>
    %swap3A_253 = vector.shape_cast %add3A_246 : vector<16xi32> to vector<1x1x16xi32>
    tpu.vector_store %arg6[%swap3A_248, %swap3A_249, %swap3A_250], %swap3A_253 {strides = array<i32>} : memref<157x2x128xi32, #tpu.memory_space<vmem>>, vector<1x1x16xi32>,
    %get3A_254 = arith.constant 0 : i32
    %get3A_255 = arith.index_cast %add3A_181 : i32 to index
    %get3A_256 = arith.index_cast %get3A_254 : i32 to index
    %get3A_257 = arith.constant 64 : index
    %get3A_258 = tpu.vector_load %arg6[%get3A_255, %get3A_256, %get3A_257] {strides = array<i32>} : memref<157x2x128xi32, #tpu.memory_space<vmem>>, vector<1x1x16xi32>,
    %get3A_259 = vector.shape_cast %get3A_258 : vector<1x1x16xi32> to vector<16xi32>
    %mul3A_260 = arith.constant 2 : i32
    %mul3A_261 = vector.broadcast %mul3A_260 : i32 to vector<16xi32>
    %mul3A_262 = arith.muli %get3A_259, %mul3A_261 : vector<16xi32>
    %add3A_263 = vector.broadcast %arg0 : i32 to vector<16xi32>
    %add3A_264 = arith.addi %mul3A_262, %add3A_263 : vector<16xi32>
    %swap3A_265 = arith.constant 0 : i32
    %swap3A_266 = arith.index_cast %add3A_181 : i32 to index
    %swap3A_267 = arith.index_cast %swap3A_265 : i32 to index
    %swap3A_268 = arith.constant 64 : index
    %swap3A_269 = tpu.vector_load %arg6[%swap3A_266, %swap3A_267, %swap3A_268] {strides = array<i32>} : memref<157x2x128xi32, #tpu.memory_space<vmem>>, vector<1x1x16xi32>,
    %swap3A_270 = vector.shape_cast %swap3A_269 : vector<1x1x16xi32> to vector<16xi32>
    %swap3A_271 = vector.shape_cast %add3A_264 : vector<16xi32> to vector<1x1x16xi32>
    tpu.vector_store %arg6[%swap3A_266, %swap3A_267, %swap3A_268], %swap3A_271 {strides = array<i32>} : memref<157x2x128xi32, #tpu.memory_space<vmem>>, vector<1x1x16xi32>,
    %get3A_272 = arith.constant 0 : i32
    %get3A_273 = arith.index_cast %add3A_181 : i32 to index
    %get3A_274 = arith.index_cast %get3A_272 : i32 to index
    %get3A_275 = arith.constant 80 : index
    %get3A_276 = tpu.vector_load %arg6[%get3A_273, %get3A_274, %get3A_275] {strides = array<i32>} : memref<157x2x128xi32, #tpu.memory_space<vmem>>, vector<1x1x16xi32>,
    %get3A_277 = vector.shape_cast %get3A_276 : vector<1x1x16xi32> to vector<16xi32>
    %mul3A_278 = arith.constant 2 : i32
    %mul3A_279 = vector.broadcast %mul3A_278 : i32 to vector<16xi32>
    %mul3A_280 = arith.muli %get3A_277, %mul3A_279 : vector<16xi32>
    %add3A_281 = vector.broadcast %arg0 : i32 to vector<16xi32>
    %add3A_282 = arith.addi %mul3A_280, %add3A_281 : vector<16xi32>
    %swap3A_283 = arith.constant 0 : i32
    %swap3A_284 = arith.index_cast %add3A_181 : i32 to index
    %swap3A_285 = arith.index_cast %swap3A_283 : i32 to index
    %swap3A_286 = arith.constant 80 : index
    %swap3A_287 = tpu.vector_load %arg6[%swap3A_284, %swap3A_285, %swap3A_286] {strides = array<i32>} : memref<157x2x128xi32, #tpu.memory_space<vmem>>, vector<1x1x16xi32>,
    %swap3A_288 = vector.shape_cast %swap3A_287 : vector<1x1x16xi32> to vector<16xi32>
    %swap3A_289 = vector.shape_cast %add3A_282 : vector<16xi32> to vector<1x1x16xi32>
    tpu.vector_store %arg6[%swap3A_284, %swap3A_285, %swap3A_286], %swap3A_289 {strides = array<i32>} : memref<157x2x128xi32, #tpu.memory_space<vmem>>, vector<1x1x16xi32>,
    %get3A_290 = arith.constant 0 : i32
    %get3A_291 = arith.index_cast %add3A_181 : i32 to index
    %get3A_292 = arith.index_cast %get3A_290 : i32 to index
    %get3A_293 = arith.constant 96 : index
    %get3A_294 = tpu.vector_load %arg6[%get3A_291, %get3A_292, %get3A_293] {strides = array<i32>} : memref<157x2x128xi32, #tpu.memory_space<vmem>>, vector<1x1x16xi32>,
    %get3A_295 = vector.shape_cast %get3A_294 : vector<1x1x16xi32> to vector<16xi32>
    %mul3A_296 = arith.constant 2 : i32
    %mul3A_297 = vector.broadcast %mul3A_296 : i32 to vector<16xi32>
    %mul3A_298 = arith.muli %get3A_295, %mul3A_297 : vector<16xi32>
    %add3A_299 = vector.broadcast %arg0 : i32 to vector<16xi32>
    %add3A_300 = arith.addi %mul3A_298, %add3A_299 : vector<16xi32>
    %swap3A_301 = arith.constant 0 : i32
    %swap3A_302 = arith.index_cast %add3A_181 : i32 to index
    %swap3A_303 = arith.index_cast %swap3A_301 : i32 to index
    %swap3A_304 = arith.constant 96 : index
    %swap3A_305 = tpu.vector_load %arg6[%swap3A_302, %swap3A_303, %swap3A_304] {strides = array<i32>} : memref<157x2x128xi32, #tpu.memory_space<vmem>>, vector<1x1x16xi32>,
    %swap3A_306 = vector.shape_cast %swap3A_305 : vector<1x1x16xi32> to vector<16xi32>
    %swap3A_307 = vector.shape_cast %add3A_300 : vector<16xi32> to vector<1x1x16xi32>
    tpu.vector_store %arg6[%swap3A_302, %swap3A_303, %swap3A_304], %swap3A_307 {strides = array<i32>} : memref<157x2x128xi32, #tpu.memory_space<vmem>>, vector<1x1x16xi32>,
    %get3A_308 = arith.constant 0 : i32
    %get3A_309 = arith.index_cast %add3A_181 : i32 to index
    %get3A_310 = arith.index_cast %get3A_308 : i32 to index
    %get3A_311 = arith.constant 112 : index
    %get3A_312 = tpu.vector_load %arg6[%get3A_309, %get3A_310, %get3A_311] {strides = array<i32>} : memref<157x2x128xi32, #tpu.memory_space<vmem>>, vector<1x1x16xi32>,
    %get3A_313 = vector.shape_cast %get3A_312 : vector<1x1x16xi32> to vector<16xi32>
    %mul3A_314 = arith.constant 2 : i32
    %mul3A_315 = vector.broadcast %mul3A_314 : i32 to vector<16xi32>
    %mul3A_316 = arith.muli %get3A_313, %mul3A_315 : vector<16xi32>
    %add3A_317 = vector.broadcast %arg0 : i32 to vector<16xi32>
    %add3A_318 = arith.addi %mul3A_316, %add3A_317 : vector<16xi32>
    %swap3A_319 = arith.constant 0 : i32
    %swap3A_320 = arith.index_cast %add3A_181 : i32 to index
    %swap3A_321 = arith.index_cast %swap3A_319 : i32 to index
    %swap3A_322 = arith.constant 112 : index
    %swap3A_323 = tpu.vector_load %arg6[%swap3A_320, %swap3A_321, %swap3A_322] {strides = array<i32>} : memref<157x2x128xi32, #tpu.memory_space<vmem>>, vector<1x1x16xi32>,
    %swap3A_324 = vector.shape_cast %swap3A_323 : vector<1x1x16xi32> to vector<16xi32>
    %swap3A_325 = vector.shape_cast %add3A_318 : vector<16xi32> to vector<1x1x16xi32>
    tpu.vector_store %arg6[%swap3A_320, %swap3A_321, %swap3A_322], %swap3A_325 {strides = array<i32>} : memref<157x2x128xi32, #tpu.memory_space<vmem>>, vector<1x1x16xi32>,
    %add3A_326 = arith.constant 1 : i32
    %add3A_327 = arith.addi %add3A_326, %select_n3A_12 : i32
    %dma_start3A_328 = arith.constant 0 : i32
    %dma_start3A_329 = arith.constant 1 : i32
    %dma_start3A_330 = arith.constant 1 : i32
    %dma_start3A_331 = arith.constant 0 : i32
    %dma_start3A_332 = arith.constant 0 : i32
    %dma_start3A_333 = tpu.memref_slice %arg7[%dma_start3A_329, %dma_start3A_331, %dma_start3A_332] : memref<4x128x64xf32, #tpu.memory_space<vmem>> -> memref<1x128x64xf32, #tpu.memory_space<vmem>>
    %dma_start3A_334 = tpu.memref_squeeze %dma_start3A_333 : memref<1x128x64xf32, #tpu.memory_space<vmem>> -> memref<128x64xf32, #tpu.memory_space<vmem>>
    %dma_start3A_335 = arith.constant 0 : i32
    %dma_start3A_336 = tpu.memref_slice %arg6[%add3A_327, %dma_start3A_328, %dma_start3A_335] : memref<157x2x128xi32, #tpu.memory_space<vmem>> -> memref<1x1x128xi32, #tpu.memory_space<vmem>>
    %dma_start3A_337 = tpu.memref_squeeze %dma_start3A_336 : memref<1x1x128xi32, #tpu.memory_space<vmem>> -> memref<128xi32, #tpu.memory_space<vmem>>
    %dma_start3A_338 = arith.constant 0 : i32
    %dma_start3A_339 = arith.constant 0 : i32
    %dma_start3A_340 = tpu.memref_slice %arg2[%dma_start3A_338, %dma_start3A_339] : memref<20000x64xf32, #tpu.memory_space<hbm>> -> memref<20000x64xf32, #tpu.memory_space<hbm>>
    %dma_start3A_341 = tpu.memref_slice %arg9[%dma_start3A_330] : memref<4x!tpu.dma_semaphore, #tpu.memory_space<semaphore_mem>> -> memref<1x!tpu.dma_semaphore, #tpu.memory_space<semaphore_mem>>
    %dma_start3A_342 = tpu.memref_squeeze %dma_start3A_341 : memref<1x!tpu.dma_semaphore, #tpu.memory_space<semaphore_mem>> -> memref<!tpu.dma_semaphore, #tpu.memory_space<semaphore_mem>>
    tpu.enqueue_indirect_dma source(%dma_start3A_340 : memref<20000x64xf32, #tpu.memory_space<hbm>>) target(%dma_start3A_334 : memref<128x64xf32, #tpu.memory_space<vmem>>) offsets(%dma_start3A_337 : memref<128xi32, #tpu.memory_space<vmem>>) semaphore(%dma_start3A_342 : memref<!tpu.dma_semaphore, #tpu.memory_space<semaphore_mem>>)
    %add3A_343 = arith.constant 2 : i32
    %add3A_344 = arith.addi %add3A_343, %select_n3A_12 : i32
    %get3A_345 = arith.constant 0 : i32
    %get3A_346 = arith.index_cast %add3A_344 : i32 to index
    %get3A_347 = arith.index_cast %get3A_345 : i32 to index
    %get3A_348 = arith.constant 0 : index
    %get3A_349 = tpu.vector_load %arg6[%get3A_346, %get3A_347, %get3A_348] {strides = array<i32>} : memref<157x2x128xi32, #tpu.memory_space<vmem>>, vector<1x1x16xi32>,
    %get3A_350 = vector.shape_cast %get3A_349 : vector<1x1x16xi32> to vector<16xi32>
    %mul3A_351 = arith.constant 2 : i32
    %mul3A_352 = vector.broadcast %mul3A_351 : i32 to vector<16xi32>
    %mul3A_353 = arith.muli %get3A_350, %mul3A_352 : vector<16xi32>
    %add3A_354 = vector.broadcast %arg0 : i32 to vector<16xi32>
    %add3A_355 = arith.addi %mul3A_353, %add3A_354 : vector<16xi32>
    %swap3A_356 = arith.constant 0 : i32
    %swap3A_357 = arith.index_cast %add3A_344 : i32 to index
    %swap3A_358 = arith.index_cast %swap3A_356 : i32 to index
    %swap3A_359 = arith.constant 0 : index
    %swap3A_360 = tpu.vector_load %arg6[%swap3A_357, %swap3A_358, %swap3A_359] {strides = array<i32>} : memref<157x2x128xi32, #tpu.memory_space<vmem>>, vector<1x1x16xi32>,
    %swap3A_361 = vector.shape_cast %swap3A_360 : vector<1x1x16xi32> to vector<16xi32>
    %swap3A_362 = vector.shape_cast %add3A_355 : vector<16xi32> to vector<1x1x16xi32>
    tpu.vector_store %arg6[%swap3A_357, %swap3A_358, %swap3A_359], %swap3A_362 {strides = array<i32>} : memref<157x2x128xi32, #tpu.memory_space<vmem>>, vector<1x1x16xi32>,
    %get3A_363 = arith.constant 0 : i32
    %get3A_364 = arith.index_cast %add3A_344 : i32 to index
    %get3A_365 = arith.index_cast %get3A_363 : i32 to index
    %get3A_366 = arith.constant 16 : index
    %get3A_367 = tpu.vector_load %arg6[%get3A_364, %get3A_365, %get3A_366] {strides = array<i32>} : memref<157x2x128xi32, #tpu.memory_space<vmem>>, vector<1x1x16xi32>,
    %get3A_368 = vector.shape_cast %get3A_367 : vector<1x1x16xi32> to vector<16xi32>
    %mul3A_369 = arith.constant 2 : i32
    %mul3A_370 = vector.broadcast %mul3A_369 : i32 to vector<16xi32>
    %mul3A_371 = arith.muli %get3A_368, %mul3A_370 : vector<16xi32>
    %add3A_372 = vector.broadcast %arg0 : i32 to vector<16xi32>
    %add3A_373 = arith.addi %mul3A_371, %add3A_372 : vector<16xi32>
    %swap3A_374 = arith.constant 0 : i32
    %swap3A_375 = arith.index_cast %add3A_344 : i32 to index
    %swap3A_376 = arith.index_cast %swap3A_374 : i32 to index
    %swap3A_377 = arith.constant 16 : index
    %swap3A_378 = tpu.vector_load %arg6[%swap3A_375, %swap3A_376, %swap3A_377] {strides = array<i32>} : memref<157x2x128xi32, #tpu.memory_space<vmem>>, vector<1x1x16xi32>,
    %swap3A_379 = vector.shape_cast %swap3A_378 : vector<1x1x16xi32> to vector<16xi32>
    %swap3A_380 = vector.shape_cast %add3A_373 : vector<16xi32> to vector<1x1x16xi32>
    tpu.vector_store %arg6[%swap3A_375, %swap3A_376, %swap3A_377], %swap3A_380 {strides = array<i32>} : memref<157x2x128xi32, #tpu.memory_space<vmem>>, vector<1x1x16xi32>,
    %get3A_381 = arith.constant 0 : i32
    %get3A_382 = arith.index_cast %add3A_344 : i32 to index
    %get3A_383 = arith.index_cast %get3A_381 : i32 to index
    %get3A_384 = arith.constant 32 : index
    %get3A_385 = tpu.vector_load %arg6[%get3A_382, %get3A_383, %get3A_384] {strides = array<i32>} : memref<157x2x128xi32, #tpu.memory_space<vmem>>, vector<1x1x16xi32>,
    %get3A_386 = vector.shape_cast %get3A_385 : vector<1x1x16xi32> to vector<16xi32>
    %mul3A_387 = arith.constant 2 : i32
    %mul3A_388 = vector.broadcast %mul3A_387 : i32 to vector<16xi32>
    %mul3A_389 = arith.muli %get3A_386, %mul3A_388 : vector<16xi32>
    %add3A_390 = vector.broadcast %arg0 : i32 to vector<16xi32>
    %add3A_391 = arith.addi %mul3A_389, %add3A_390 : vector<16xi32>
    %swap3A_392 = arith.constant 0 : i32
    %swap3A_393 = arith.index_cast %add3A_344 : i32 to index
    %swap3A_394 = arith.index_cast %swap3A_392 : i32 to index
    %swap3A_395 = arith.constant 32 : index
    %swap3A_396 = tpu.vector_load %arg6[%swap3A_393, %swap3A_394, %swap3A_395] {strides = array<i32>} : memref<157x2x128xi32, #tpu.memory_space<vmem>>, vector<1x1x16xi32>,
    %swap3A_397 = vector.shape_cast %swap3A_396 : vector<1x1x16xi32> to vector<16xi32>
    %swap3A_398 = vector.shape_cast %add3A_391 : vector<16xi32> to vector<1x1x16xi32>
    tpu.vector_store %arg6[%swap3A_393, %swap3A_394, %swap3A_395], %swap3A_398 {strides = array<i32>} : memref<157x2x128xi32, #tpu.memory_space<vmem>>, vector<1x1x16xi32>,
    %get3A_399 = arith.constant 0 : i32
    %get3A_400 = arith.index_cast %add3A_344 : i32 to index
    %get3A_401 = arith.index_cast %get3A_399 : i32 to index
    %get3A_402 = arith.constant 48 : index
    %get3A_403 = tpu.vector_load %arg6[%get3A_400, %get3A_401, %get3A_402] {strides = array<i32>} : memref<157x2x128xi32, #tpu.memory_space<vmem>>, vector<1x1x16xi32>,
    %get3A_404 = vector.shape_cast %get3A_403 : vector<1x1x16xi32> to vector<16xi32>
    %mul3A_405 = arith.constant 2 : i32
    %mul3A_406 = vector.broadcast %mul3A_405 : i32 to vector<16xi32>
    %mul3A_407 = arith.muli %get3A_404, %mul3A_406 : vector<16xi32>
    %add3A_408 = vector.broadcast %arg0 : i32 to vector<16xi32>
    %add3A_409 = arith.addi %mul3A_407, %add3A_408 : vector<16xi32>
    %swap3A_410 = arith.constant 0 : i32
    %swap3A_411 = arith.index_cast %add3A_344 : i32 to index
    %swap3A_412 = arith.index_cast %swap3A_410 : i32 to index
    %swap3A_413 = arith.constant 48 : index
    %swap3A_414 = tpu.vector_load %arg6[%swap3A_411, %swap3A_412, %swap3A_413] {strides = array<i32>} : memref<157x2x128xi32, #tpu.memory_space<vmem>>, vector<1x1x16xi32>,
    %swap3A_415 = vector.shape_cast %swap3A_414 : vector<1x1x16xi32> to vector<16xi32>
    %swap3A_416 = vector.shape_cast %add3A_409 : vector<16xi32> to vector<1x1x16xi32>
    tpu.vector_store %arg6[%swap3A_411, %swap3A_412, %swap3A_413], %swap3A_416 {strides = array<i32>} : memref<157x2x128xi32, #tpu.memory_space<vmem>>, vector<1x1x16xi32>,
    %get3A_417 = arith.constant 0 : i32
    %get3A_418 = arith.index_cast %add3A_344 : i32 to index
    %get3A_419 = arith.index_cast %get3A_417 : i32 to index
    %get3A_420 = arith.constant 64 : index
    %get3A_421 = tpu.vector_load %arg6[%get3A_418, %get3A_419, %get3A_420] {strides = array<i32>} : memref<157x2x128xi32, #tpu.memory_space<vmem>>, vector<1x1x16xi32>,
    %get3A_422 = vector.shape_cast %get3A_421 : vector<1x1x16xi32> to vector<16xi32>
    %mul3A_423 = arith.constant 2 : i32
    %mul3A_424 = vector.broadcast %mul3A_423 : i32 to vector<16xi32>
    %mul3A_425 = arith.muli %get3A_422, %mul3A_424 : vector<16xi32>
    %add3A_426 = vector.broadcast %arg0 : i32 to vector<16xi32>
    %add3A_427 = arith.addi %mul3A_425, %add3A_426 : vector<16xi32>
    %swap3A_428 = arith.constant 0 : i32
    %swap3A_429 = arith.index_cast %add3A_344 : i32 to index
    %swap3A_430 = arith.index_cast %swap3A_428 : i32 to index
    %swap3A_431 = arith.constant 64 : index
    %swap3A_432 = tpu.vector_load %arg6[%swap3A_429, %swap3A_430, %swap3A_431] {strides = array<i32>} : memref<157x2x128xi32, #tpu.memory_space<vmem>>, vector<1x1x16xi32>,
    %swap3A_433 = vector.shape_cast %swap3A_432 : vector<1x1x16xi32> to vector<16xi32>
    %swap3A_434 = vector.shape_cast %add3A_427 : vector<16xi32> to vector<1x1x16xi32>
    tpu.vector_store %arg6[%swap3A_429, %swap3A_430, %swap3A_431], %swap3A_434 {strides = array<i32>} : memref<157x2x128xi32, #tpu.memory_space<vmem>>, vector<1x1x16xi32>,
    %get3A_435 = arith.constant 0 : i32
    %get3A_436 = arith.index_cast %add3A_344 : i32 to index
    %get3A_437 = arith.index_cast %get3A_435 : i32 to index
    %get3A_438 = arith.constant 80 : index
    %get3A_439 = tpu.vector_load %arg6[%get3A_436, %get3A_437, %get3A_438] {strides = array<i32>} : memref<157x2x128xi32, #tpu.memory_space<vmem>>, vector<1x1x16xi32>,
    %get3A_440 = vector.shape_cast %get3A_439 : vector<1x1x16xi32> to vector<16xi32>
    %mul3A_441 = arith.constant 2 : i32
    %mul3A_442 = vector.broadcast %mul3A_441 : i32 to vector<16xi32>
    %mul3A_443 = arith.muli %get3A_440, %mul3A_442 : vector<16xi32>
    %add3A_444 = vector.broadcast %arg0 : i32 to vector<16xi32>
    %add3A_445 = arith.addi %mul3A_443, %add3A_444 : vector<16xi32>
    %swap3A_446 = arith.constant 0 : i32
    %swap3A_447 = arith.index_cast %add3A_344 : i32 to index
    %swap3A_448 = arith.index_cast %swap3A_446 : i32 to index
    %swap3A_449 = arith.constant 80 : index
    %swap3A_450 = tpu.vector_load %arg6[%swap3A_447, %swap3A_448, %swap3A_449] {strides = array<i32>} : memref<157x2x128xi32, #tpu.memory_space<vmem>>, vector<1x1x16xi32>,
    %swap3A_451 = vector.shape_cast %swap3A_450 : vector<1x1x16xi32> to vector<16xi32>
    %swap3A_452 = vector.shape_cast %add3A_445 : vector<16xi32> to vector<1x1x16xi32>
    tpu.vector_store %arg6[%swap3A_447, %swap3A_448, %swap3A_449], %swap3A_452 {strides = array<i32>} : memref<157x2x128xi32, #tpu.memory_space<vmem>>, vector<1x1x16xi32>,
    %get3A_453 = arith.constant 0 : i32
    %get3A_454 = arith.index_cast %add3A_344 : i32 to index
    %get3A_455 = arith.index_cast %get3A_453 : i32 to index
    %get3A_456 = arith.constant 96 : index
    %get3A_457 = tpu.vector_load %arg6[%get3A_454, %get3A_455, %get3A_456] {strides = array<i32>} : memref<157x2x128xi32, #tpu.memory_space<vmem>>, vector<1x1x16xi32>,
    %get3A_458 = vector.shape_cast %get3A_457 : vector<1x1x16xi32> to vector<16xi32>
    %mul3A_459 = arith.constant 2 : i32
    %mul3A_460 = vector.broadcast %mul3A_459 : i32 to vector<16xi32>
    %mul3A_461 = arith.muli %get3A_458, %mul3A_460 : vector<16xi32>
    %add3A_462 = vector.broadcast %arg0 : i32 to vector<16xi32>
    %add3A_463 = arith.addi %mul3A_461, %add3A_462 : vector<16xi32>
    %swap3A_464 = arith.constant 0 : i32
    %swap3A_465 = arith.index_cast %add3A_344 : i32 to index
    %swap3A_466 = arith.index_cast %swap3A_464 : i32 to index
    %swap3A_467 = arith.constant 96 : index
    %swap3A_468 = tpu.vector_load %arg6[%swap3A_465, %swap3A_466, %swap3A_467] {strides = array<i32>} : memref<157x2x128xi32, #tpu.memory_space<vmem>>, vector<1x1x16xi32>,
    %swap3A_469 = vector.shape_cast %swap3A_468 : vector<1x1x16xi32> to vector<16xi32>
    %swap3A_470 = vector.shape_cast %add3A_463 : vector<16xi32> to vector<1x1x16xi32>
    tpu.vector_store %arg6[%swap3A_465, %swap3A_466, %swap3A_467], %swap3A_470 {strides = array<i32>} : memref<157x2x128xi32, #tpu.memory_space<vmem>>, vector<1x1x16xi32>,
    %get3A_471 = arith.constant 0 : i32
    %get3A_472 = arith.index_cast %add3A_344 : i32 to index
    %get3A_473 = arith.index_cast %get3A_471 : i32 to index
    %get3A_474 = arith.constant 112 : index
    %get3A_475 = tpu.vector_load %arg6[%get3A_472, %get3A_473, %get3A_474] {strides = array<i32>} : memref<157x2x128xi32, #tpu.memory_space<vmem>>, vector<1x1x16xi32>,
    %get3A_476 = vector.shape_cast %get3A_475 : vector<1x1x16xi32> to vector<16xi32>
    %mul3A_477 = arith.constant 2 : i32
    %mul3A_478 = vector.broadcast %mul3A_477 : i32 to vector<16xi32>
    %mul3A_479 = arith.muli %get3A_476, %mul3A_478 : vector<16xi32>
    %add3A_480 = vector.broadcast %arg0 : i32 to vector<16xi32>
    %add3A_481 = arith.addi %mul3A_479, %add3A_480 : vector<16xi32>
    %swap3A_482 = arith.constant 0 : i32
    %swap3A_483 = arith.index_cast %add3A_344 : i32 to index
    %swap3A_484 = arith.index_cast %swap3A_482 : i32 to index
    %swap3A_485 = arith.constant 112 : index
    %swap3A_486 = tpu.vector_load %arg6[%swap3A_483, %swap3A_484, %swap3A_485] {strides = array<i32>} : memref<157x2x128xi32, #tpu.memory_space<vmem>>, vector<1x1x16xi32>,
    %swap3A_487 = vector.shape_cast %swap3A_486 : vector<1x1x16xi32> to vector<16xi32>
    %swap3A_488 = vector.shape_cast %add3A_481 : vector<16xi32> to vector<1x1x16xi32>
    tpu.vector_store %arg6[%swap3A_483, %swap3A_484, %swap3A_485], %swap3A_488 {strides = array<i32>} : memref<157x2x128xi32, #tpu.memory_space<vmem>>, vector<1x1x16xi32>,
    %add3A_489 = arith.constant 2 : i32
    %add3A_490 = arith.addi %add3A_489, %select_n3A_12 : i32
    %dma_start3A_491 = arith.constant 0 : i32
    %dma_start3A_492 = arith.constant 2 : i32
    %dma_start3A_493 = arith.constant 2 : i32
    %dma_start3A_494 = arith.constant 0 : i32
    %dma_start3A_495 = arith.constant 0 : i32
    %dma_start3A_496 = tpu.memref_slice %arg7[%dma_start3A_492, %dma_start3A_494, %dma_start3A_495] : memref<4x128x64xf32, #tpu.memory_space<vmem>> -> memref<1x128x64xf32, #tpu.memory_space<vmem>>
    %dma_start3A_497 = tpu.memref_squeeze %dma_start3A_496 : memref<1x128x64xf32, #tpu.memory_space<vmem>> -> memref<128x64xf32, #tpu.memory_space<vmem>>
    %dma_start3A_498 = arith.constant 0 : i32
    %dma_start3A_499 = tpu.memref_slice %arg6[%add3A_490, %dma_start3A_491, %dma_start3A_498] : memref<157x2x128xi32, #tpu.memory_space<vmem>> -> memref<1x1x128xi32, #tpu.memory_space<vmem>>
    %dma_start3A_500 = tpu.memref_squeeze %dma_start3A_499 : memref<1x1x128xi32, #tpu.memory_space<vmem>> -> memref<128xi32, #tpu.memory_space<vmem>>
    %dma_start3A_501 = arith.constant 0 : i32
    %dma_start3A_502 = arith.constant 0 : i32
    %dma_start3A_503 = tpu.memref_slice %arg2[%dma_start3A_501, %dma_start3A_502] : memref<20000x64xf32, #tpu.memory_space<hbm>> -> memref<20000x64xf32, #tpu.memory_space<hbm>>
    %dma_start3A_504 = tpu.memref_slice %arg9[%dma_start3A_493] : memref<4x!tpu.dma_semaphore, #tpu.memory_space<semaphore_mem>> -> memref<1x!tpu.dma_semaphore, #tpu.memory_space<semaphore_mem>>
    %dma_start3A_505 = tpu.memref_squeeze %dma_start3A_504 : memref<1x!tpu.dma_semaphore, #tpu.memory_space<semaphore_mem>> -> memref<!tpu.dma_semaphore, #tpu.memory_space<semaphore_mem>>
    tpu.enqueue_indirect_dma source(%dma_start3A_503 : memref<20000x64xf32, #tpu.memory_space<hbm>>) target(%dma_start3A_497 : memref<128x64xf32, #tpu.memory_space<vmem>>) offsets(%dma_start3A_500 : memref<128xi32, #tpu.memory_space<vmem>>) semaphore(%dma_start3A_505 : memref<!tpu.dma_semaphore, #tpu.memory_space<semaphore_mem>>)
    %add3A_506 = arith.constant 3 : i32
    %add3A_507 = arith.addi %add3A_506, %select_n3A_12 : i32
    %get3A_508 = arith.constant 0 : i32
    %get3A_509 = arith.index_cast %add3A_507 : i32 to index
    %get3A_510 = arith.index_cast %get3A_508 : i32 to index
    %get3A_511 = arith.constant 0 : index
    %get3A_512 = tpu.vector_load %arg6[%get3A_509, %get3A_510, %get3A_511] {strides = array<i32>} : memref<157x2x128xi32, #tpu.memory_space<vmem>>, vector<1x1x16xi32>,
    %get3A_513 = vector.shape_cast %get3A_512 : vector<1x1x16xi32> to vector<16xi32>
    %mul3A_514 = arith.constant 2 : i32
    %mul3A_515 = vector.broadcast %mul3A_514 : i32 to vector<16xi32>
    %mul3A_516 = arith.muli %get3A_513, %mul3A_515 : vector<16xi32>
    %add3A_517 = vector.broadcast %arg0 : i32 to vector<16xi32>
    %add3A_518 = arith.addi %mul3A_516, %add3A_517 : vector<16xi32>
    %swap3A_519 = arith.constant 0 : i32
    %swap3A_520 = arith.index_cast %add3A_507 : i32 to index
    %swap3A_521 = arith.index_cast %swap3A_519 : i32 to index
    %swap3A_522 = arith.constant 0 : index
    %swap3A_523 = tpu.vector_load %arg6[%swap3A_520, %swap3A_521, %swap3A_522] {strides = array<i32>} : memref<157x2x128xi32, #tpu.memory_space<vmem>>, vector<1x1x16xi32>,
    %swap3A_524 = vector.shape_cast %swap3A_523 : vector<1x1x16xi32> to vector<16xi32>
    %swap3A_525 = vector.shape_cast %add3A_518 : vector<16xi32> to vector<1x1x16xi32>
    tpu.vector_store %arg6[%swap3A_520, %swap3A_521, %swap3A_522], %swap3A_525 {strides = array<i32>} : memref<157x2x128xi32, #tpu.memory_space<vmem>>, vector<1x1x16xi32>,
    %get3A_526 = arith.constant 0 : i32
    %get3A_527 = arith.index_cast %add3A_507 : i32 to index
    %get3A_528 = arith.index_cast %get3A_526 : i32 to index
    %get3A_529 = arith.constant 16 : index
    %get3A_530 = tpu.vector_load %arg6[%get3A_527, %get3A_528, %get3A_529] {strides = array<i32>} : memref<157x2x128xi32, #tpu.memory_space<vmem>>, vector<1x1x16xi32>,
    %get3A_531 = vector.shape_cast %get3A_530 : vector<1x1x16xi32> to vector<16xi32>
    %mul3A_532 = arith.constant 2 : i32
    %mul3A_533 = vector.broadcast %mul3A_532 : i32 to vector<16xi32>
    %mul3A_534 = arith.muli %get3A_531, %mul3A_533 : vector<16xi32>
    %add3A_535 = vector.broadcast %arg0 : i32 to vector<16xi32>
    %add3A_536 = arith.addi %mul3A_534, %add3A_535 : vector<16xi32>
    %swap3A_537 = arith.constant 0 : i32
    %swap3A_538 = arith.index_cast %add3A_507 : i32 to index
    %swap3A_539 = arith.index_cast %swap3A_537 : i32 to index
    %swap3A_540 = arith.constant 16 : index
    %swap3A_541 = tpu.vector_load %arg6[%swap3A_538, %swap3A_539, %swap3A_540] {strides = array<i32>} : memref<157x2x128xi32, #tpu.memory_space<vmem>>, vector<1x1x16xi32>,
    %swap3A_542 = vector.shape_cast %swap3A_541 : vector<1x1x16xi32> to vector<16xi32>
    %swap3A_543 = vector.shape_cast %add3A_536 : vector<16xi32> to vector<1x1x16xi32>
    tpu.vector_store %arg6[%swap3A_538, %swap3A_539, %swap3A_540], %swap3A_543 {strides = array<i32>} : memref<157x2x128xi32, #tpu.memory_space<vmem>>, vector<1x1x16xi32>,
    %get3A_544 = arith.constant 0 : i32
    %get3A_545 = arith.index_cast %add3A_507 : i32 to index
    %get3A_546 = arith.index_cast %get3A_544 : i32 to index
    %get3A_547 = arith.constant 32 : index
    %get3A_548 = tpu.vector_load %arg6[%get3A_545, %get3A_546, %get3A_547] {strides = array<i32>} : memref<157x2x128xi32, #tpu.memory_space<vmem>>, vector<1x1x16xi32>,
    %get3A_549 = vector.shape_cast %get3A_548 : vector<1x1x16xi32> to vector<16xi32>
    %mul3A_550 = arith.constant 2 : i32
    %mul3A_551 = vector.broadcast %mul3A_550 : i32 to vector<16xi32>
    %mul3A_552 = arith.muli %get3A_549, %mul3A_551 : vector<16xi32>
    %add3A_553 = vector.broadcast %arg0 : i32 to vector<16xi32>
    %add3A_554 = arith.addi %mul3A_552, %add3A_553 : vector<16xi32>
    %swap3A_555 = arith.constant 0 : i32
    %swap3A_556 = arith.index_cast %add3A_507 : i32 to index
    %swap3A_557 = arith.index_cast %swap3A_555 : i32 to index
    %swap3A_558 = arith.constant 32 : index
    %swap3A_559 = tpu.vector_load %arg6[%swap3A_556, %swap3A_557, %swap3A_558] {strides = array<i32>} : memref<157x2x128xi32, #tpu.memory_space<vmem>>, vector<1x1x16xi32>,
    %swap3A_560 = vector.shape_cast %swap3A_559 : vector<1x1x16xi32> to vector<16xi32>
    %swap3A_561 = vector.shape_cast %add3A_554 : vector<16xi32> to vector<1x1x16xi32>
    tpu.vector_store %arg6[%swap3A_556, %swap3A_557, %swap3A_558], %swap3A_561 {strides = array<i32>} : memref<157x2x128xi32, #tpu.memory_space<vmem>>, vector<1x1x16xi32>,
    %get3A_562 = arith.constant 0 : i32
    %get3A_563 = arith.index_cast %add3A_507 : i32 to index
    %get3A_564 = arith.index_cast %get3A_562 : i32 to index
    %get3A_565 = arith.constant 48 : index
    %get3A_566 = tpu.vector_load %arg6[%get3A_563, %get3A_564, %get3A_565] {strides = array<i32>} : memref<157x2x128xi32, #tpu.memory_space<vmem>>, vector<1x1x16xi32>,
    %get3A_567 = vector.shape_cast %get3A_566 : vector<1x1x16xi32> to vector<16xi32>
    %mul3A_568 = arith.constant 2 : i32
    %mul3A_569 = vector.broadcast %mul3A_568 : i32 to vector<16xi32>
    %mul3A_570 = arith.muli %get3A_567, %mul3A_569 : vector<16xi32>
    %add3A_571 = vector.broadcast %arg0 : i32 to vector<16xi32>
    %add3A_572 = arith.addi %mul3A_570, %add3A_571 : vector<16xi32>
    %swap3A_573 = arith.constant 0 : i32
    %swap3A_574 = arith.index_cast %add3A_507 : i32 to index
    %swap3A_575 = arith.index_cast %swap3A_573 : i32 to index
    %swap3A_576 = arith.constant 48 : index
    %swap3A_577 = tpu.vector_load %arg6[%swap3A_574, %swap3A_575, %swap3A_576] {strides = array<i32>} : memref<157x2x128xi32, #tpu.memory_space<vmem>>, vector<1x1x16xi32>,
    %swap3A_578 = vector.shape_cast %swap3A_577 : vector<1x1x16xi32> to vector<16xi32>
    %swap3A_579 = vector.shape_cast %add3A_572 : vector<16xi32> to vector<1x1x16xi32>
    tpu.vector_store %arg6[%swap3A_574, %swap3A_575, %swap3A_576], %swap3A_579 {strides = array<i32>} : memref<157x2x128xi32, #tpu.memory_space<vmem>>, vector<1x1x16xi32>,
    %get3A_580 = arith.constant 0 : i32
    %get3A_581 = arith.index_cast %add3A_507 : i32 to index
    %get3A_582 = arith.index_cast %get3A_580 : i32 to index
    %get3A_583 = arith.constant 64 : index
    %get3A_584 = tpu.vector_load %arg6[%get3A_581, %get3A_582, %get3A_583] {strides = array<i32>} : memref<157x2x128xi32, #tpu.memory_space<vmem>>, vector<1x1x16xi32>,
    %get3A_585 = vector.shape_cast %get3A_584 : vector<1x1x16xi32> to vector<16xi32>
    %mul3A_586 = arith.constant 2 : i32
    %mul3A_587 = vector.broadcast %mul3A_586 : i32 to vector<16xi32>
    %mul3A_588 = arith.muli %get3A_585, %mul3A_587 : vector<16xi32>
    %add3A_589 = vector.broadcast %arg0 : i32 to vector<16xi32>
    %add3A_590 = arith.addi %mul3A_588, %add3A_589 : vector<16xi32>
    %swap3A_591 = arith.constant 0 : i32
    %swap3A_592 = arith.index_cast %add3A_507 : i32 to index
    %swap3A_593 = arith.index_cast %swap3A_591 : i32 to index
    %swap3A_594 = arith.constant 64 : index
    %swap3A_595 = tpu.vector_load %arg6[%swap3A_592, %swap3A_593, %swap3A_594] {strides = array<i32>} : memref<157x2x128xi32, #tpu.memory_space<vmem>>, vector<1x1x16xi32>,
    %swap3A_596 = vector.shape_cast %swap3A_595 : vector<1x1x16xi32> to vector<16xi32>
    %swap3A_597 = vector.shape_cast %add3A_590 : vector<16xi32> to vector<1x1x16xi32>
    tpu.vector_store %arg6[%swap3A_592, %swap3A_593, %swap3A_594], %swap3A_597 {strides = array<i32>} : memref<157x2x128xi32, #tpu.memory_space<vmem>>, vector<1x1x16xi32>,
    %get3A_598 = arith.constant 0 : i32
    %get3A_599 = arith.index_cast %add3A_507 : i32 to index
    %get3A_600 = arith.index_cast %get3A_598 : i32 to index
    %get3A_601 = arith.constant 80 : index
    %get3A_602 = tpu.vector_load %arg6[%get3A_599, %get3A_600, %get3A_601] {strides = array<i32>} : memref<157x2x128xi32, #tpu.memory_space<vmem>>, vector<1x1x16xi32>,
    %get3A_603 = vector.shape_cast %get3A_602 : vector<1x1x16xi32> to vector<16xi32>
    %mul3A_604 = arith.constant 2 : i32
    %mul3A_605 = vector.broadcast %mul3A_604 : i32 to vector<16xi32>
    %mul3A_606 = arith.muli %get3A_603, %mul3A_605 : vector<16xi32>
    %add3A_607 = vector.broadcast %arg0 : i32 to vector<16xi32>
    %add3A_608 = arith.addi %mul3A_606, %add3A_607 : vector<16xi32>
    %swap3A_609 = arith.constant 0 : i32
    %swap3A_610 = arith.index_cast %add3A_507 : i32 to index
    %swap3A_611 = arith.index_cast %swap3A_609 : i32 to index
    %swap3A_612 = arith.constant 80 : index
    %swap3A_613 = tpu.vector_load %arg6[%swap3A_610, %swap3A_611, %swap3A_612] {strides = array<i32>} : memref<157x2x128xi32, #tpu.memory_space<vmem>>, vector<1x1x16xi32>,
    %swap3A_614 = vector.shape_cast %swap3A_613 : vector<1x1x16xi32> to vector<16xi32>
    %swap3A_615 = vector.shape_cast %add3A_608 : vector<16xi32> to vector<1x1x16xi32>
    tpu.vector_store %arg6[%swap3A_610, %swap3A_611, %swap3A_612], %swap3A_615 {strides = array<i32>} : memref<157x2x128xi32, #tpu.memory_space<vmem>>, vector<1x1x16xi32>,
    %get3A_616 = arith.constant 0 : i32
    %get3A_617 = arith.index_cast %add3A_507 : i32 to index
    %get3A_618 = arith.index_cast %get3A_616 : i32 to index
    %get3A_619 = arith.constant 96 : index
    %get3A_620 = tpu.vector_load %arg6[%get3A_617, %get3A_618, %get3A_619] {strides = array<i32>} : memref<157x2x128xi32, #tpu.memory_space<vmem>>, vector<1x1x16xi32>,
    %get3A_621 = vector.shape_cast %get3A_620 : vector<1x1x16xi32> to vector<16xi32>
    %mul3A_622 = arith.constant 2 : i32
    %mul3A_623 = vector.broadcast %mul3A_622 : i32 to vector<16xi32>
    %mul3A_624 = arith.muli %get3A_621, %mul3A_623 : vector<16xi32>
    %add3A_625 = vector.broadcast %arg0 : i32 to vector<16xi32>
    %add3A_626 = arith.addi %mul3A_624, %add3A_625 : vector<16xi32>
    %swap3A_627 = arith.constant 0 : i32
    %swap3A_628 = arith.index_cast %add3A_507 : i32 to index
    %swap3A_629 = arith.index_cast %swap3A_627 : i32 to index
    %swap3A_630 = arith.constant 96 : index
    %swap3A_631 = tpu.vector_load %arg6[%swap3A_628, %swap3A_629, %swap3A_630] {strides = array<i32>} : memref<157x2x128xi32, #tpu.memory_space<vmem>>, vector<1x1x16xi32>,
    %swap3A_632 = vector.shape_cast %swap3A_631 : vector<1x1x16xi32> to vector<16xi32>
    %swap3A_633 = vector.shape_cast %add3A_626 : vector<16xi32> to vector<1x1x16xi32>
    tpu.vector_store %arg6[%swap3A_628, %swap3A_629, %swap3A_630], %swap3A_633 {strides = array<i32>} : memref<157x2x128xi32, #tpu.memory_space<vmem>>, vector<1x1x16xi32>,
    %get3A_634 = arith.constant 0 : i32
    %get3A_635 = arith.index_cast %add3A_507 : i32 to index
    %get3A_636 = arith.index_cast %get3A_634 : i32 to index
    %get3A_637 = arith.constant 112 : index
    %get3A_638 = tpu.vector_load %arg6[%get3A_635, %get3A_636, %get3A_637] {strides = array<i32>} : memref<157x2x128xi32, #tpu.memory_space<vmem>>, vector<1x1x16xi32>,
    %get3A_639 = vector.shape_cast %get3A_638 : vector<1x1x16xi32> to vector<16xi32>
    %mul3A_640 = arith.constant 2 : i32
    %mul3A_641 = vector.broadcast %mul3A_640 : i32 to vector<16xi32>
    %mul3A_642 = arith.muli %get3A_639, %mul3A_641 : vector<16xi32>
    %add3A_643 = vector.broadcast %arg0 : i32 to vector<16xi32>
    %add3A_644 = arith.addi %mul3A_642, %add3A_643 : vector<16xi32>
    %swap3A_645 = arith.constant 0 : i32
    %swap3A_646 = arith.index_cast %add3A_507 : i32 to index
    %swap3A_647 = arith.index_cast %swap3A_645 : i32 to index
    %swap3A_648 = arith.constant 112 : index
    %swap3A_649 = tpu.vector_load %arg6[%swap3A_646, %swap3A_647, %swap3A_648] {strides = array<i32>} : memref<157x2x128xi32, #tpu.memory_space<vmem>>, vector<1x1x16xi32>,
    %swap3A_650 = vector.shape_cast %swap3A_649 : vector<1x1x16xi32> to vector<16xi32>
    %swap3A_651 = vector.shape_cast %add3A_644 : vector<16xi32> to vector<1x1x16xi32>
    tpu.vector_store %arg6[%swap3A_646, %swap3A_647, %swap3A_648], %swap3A_651 {strides = array<i32>} : memref<157x2x128xi32, #tpu.memory_space<vmem>>, vector<1x1x16xi32>,
    %add3A_652 = arith.constant 3 : i32
    %add3A_653 = arith.addi %add3A_652, %select_n3A_12 : i32
    %dma_start3A_654 = arith.constant 0 : i32
    %dma_start3A_655 = arith.constant 3 : i32
    %dma_start3A_656 = arith.constant 3 : i32
    %dma_start3A_657 = arith.constant 0 : i32
    %dma_start3A_658 = arith.constant 0 : i32
    %dma_start3A_659 = tpu.memref_slice %arg7[%dma_start3A_655, %dma_start3A_657, %dma_start3A_658] : memref<4x128x64xf32, #tpu.memory_space<vmem>> -> memref<1x128x64xf32, #tpu.memory_space<vmem>>
    %dma_start3A_660 = tpu.memref_squeeze %dma_start3A_659 : memref<1x128x64xf32, #tpu.memory_space<vmem>> -> memref<128x64xf32, #tpu.memory_space<vmem>>
    %dma_start3A_661 = arith.constant 0 : i32
    %dma_start3A_662 = tpu.memref_slice %arg6[%add3A_653, %dma_start3A_654, %dma_start3A_661] : memref<157x2x128xi32, #tpu.memory_space<vmem>> -> memref<1x1x128xi32, #tpu.memory_space<vmem>>
    %dma_start3A_663 = tpu.memref_squeeze %dma_start3A_662 : memref<1x1x128xi32, #tpu.memory_space<vmem>> -> memref<128xi32, #tpu.memory_space<vmem>>
    %dma_start3A_664 = arith.constant 0 : i32
    %dma_start3A_665 = arith.constant 0 : i32
    %dma_start3A_666 = tpu.memref_slice %arg2[%dma_start3A_664, %dma_start3A_665] : memref<20000x64xf32, #tpu.memory_space<hbm>> -> memref<20000x64xf32, #tpu.memory_space<hbm>>
    %dma_start3A_667 = tpu.memref_slice %arg9[%dma_start3A_656] : memref<4x!tpu.dma_semaphore, #tpu.memory_space<semaphore_mem>> -> memref<1x!tpu.dma_semaphore, #tpu.memory_space<semaphore_mem>>
    %dma_start3A_668 = tpu.memref_squeeze %dma_start3A_667 : memref<1x!tpu.dma_semaphore, #tpu.memory_space<semaphore_mem>> -> memref<!tpu.dma_semaphore, #tpu.memory_space<semaphore_mem>>
    tpu.enqueue_indirect_dma source(%dma_start3A_666 : memref<20000x64xf32, #tpu.memory_space<hbm>>) target(%dma_start3A_660 : memref<128x64xf32, #tpu.memory_space<vmem>>) offsets(%dma_start3A_663 : memref<128xi32, #tpu.memory_space<vmem>>) semaphore(%dma_start3A_668 : memref<!tpu.dma_semaphore, #tpu.memory_space<semaphore_mem>>)
    %dma_wait3A = arith.constant 0 : i32
    %dma_wait3A_669 = tpu.memref_slice %arg10[%dma_wait3A] : memref<4x!tpu.dma_semaphore, #tpu.memory_space<semaphore_mem>> -> memref<1x!tpu.dma_semaphore, #tpu.memory_space<semaphore_mem>>
    %dma_wait3A_670 = tpu.memref_squeeze %dma_wait3A_669 : memref<1x!tpu.dma_semaphore, #tpu.memory_space<semaphore_mem>> -> memref<!tpu.dma_semaphore, #tpu.memory_space<semaphore_mem>>
    %dma_wait3A_671 = arith.constant 0 : i32
    %dma_wait3A_672 = tpu.memref_slice %arg8[%mul3A_14, %dma_wait3A_671] : memref<10240x64xf32, #tpu.memory_space<vmem_shared>> -> memref<640x64xf32, #tpu.memory_space<vmem_shared>>
    tpu.wait_dma2 semaphore(%dma_wait3A_670 : memref<!tpu.dma_semaphore, #tpu.memory_space<semaphore_mem>>) src(%arg4 : memref<640x64xf32, #tpu.memory_space<hbm>>) dst(%dma_wait3A_672 : memref<640x64xf32, #tpu.memory_space<vmem_shared>>)
    %barrier3A = arith.constant 0 : index
    tpu.barrier barrier_id(%barrier3A)
    %scan3A = arith.constant 0 : i32
    %scan3A_673 = arith.constant 0 : i32
    %scan3A_674 = arith.constant 39 : i32
    %scan3A_675 = arith.addi %scan3A_673, %scan3A_674 : i32
    %scan3A_676 = arith.constant 1 : i32
    scf.for %scan3A_760 = %scan3A_673 to %scan3A_675 step %scan3A_676  : i32 {
      %mul3A_761 = arith.constant 4 : i32
      %mul3A_762 = arith.muli %scan3A_760, %mul3A_761 : i32
      %add3A_763 = arith.addi %mul3A_762, %select_n3A_12 : i32
      %add3A_764 = arith.constant 0 : i32
      %add3A_765 = arith.addi %add3A_763, %add3A_764 : i32
      %dma_wait3A_766 = arith.constant 0 : i32
      %dma_wait3A_767 = arith.constant 0 : i32
      %dma_wait3A_768 = arith.constant 0 : i32
      %dma_wait3A_769 = arith.constant 0 : i32
      %dma_wait3A_770 = arith.constant 0 : i32
      %dma_wait3A_771 = tpu.memref_slice %arg7[%dma_wait3A_767, %dma_wait3A_769, %dma_wait3A_770] : memref<4x128x64xf32, #tpu.memory_space<vmem>> -> memref<1x128x64xf32, #tpu.memory_space<vmem>>
      %dma_wait3A_772 = tpu.memref_squeeze %dma_wait3A_771 : memref<1x128x64xf32, #tpu.memory_space<vmem>> -> memref<128x64xf32, #tpu.memory_space<vmem>>
      %dma_wait3A_773 = arith.constant 0 : i32
      %dma_wait3A_774 = tpu.memref_slice %arg6[%add3A_765, %dma_wait3A_766, %dma_wait3A_773] : memref<157x2x128xi32, #tpu.memory_space<vmem>> -> memref<1x1x128xi32, #tpu.memory_space<vmem>>
      %dma_wait3A_775 = tpu.memref_squeeze %dma_wait3A_774 : memref<1x1x128xi32, #tpu.memory_space<vmem>> -> memref<128xi32, #tpu.memory_space<vmem>>
      %dma_wait3A_776 = arith.constant 0 : i32
      %dma_wait3A_777 = arith.constant 0 : i32
      %dma_wait3A_778 = tpu.memref_slice %arg2[%dma_wait3A_776, %dma_wait3A_777] : memref<20000x64xf32, #tpu.memory_space<hbm>> -> memref<20000x64xf32, #tpu.memory_space<hbm>>
      %dma_wait3A_779 = tpu.memref_slice %arg9[%dma_wait3A_768] : memref<4x!tpu.dma_semaphore, #tpu.memory_space<semaphore_mem>> -> memref<1x!tpu.dma_semaphore, #tpu.memory_space<semaphore_mem>>
      %dma_wait3A_780 = tpu.memref_squeeze %dma_wait3A_779 : memref<1x!tpu.dma_semaphore, #tpu.memory_space<semaphore_mem>> -> memref<!tpu.dma_semaphore, #tpu.memory_space<semaphore_mem>>
      tpu.wait_indirect_dma semaphore(%dma_wait3A_780 : memref<!tpu.dma_semaphore, #tpu.memory_space<semaphore_mem>>) src(%dma_wait3A_778 : memref<20000x64xf32, #tpu.memory_space<hbm>>) dst(%dma_wait3A_772 : memref<128x64xf32, #tpu.memory_space<vmem>>)
      %add3A_781 = arith.constant 0 : i32
      %add3A_782 = arith.addi %add3A_763, %add3A_781 : i32
      %dma_start3A_783 = arith.constant 0 : i32
      %dma_start3A_784 = arith.constant 1 : i32
      %dma_start3A_785 = arith.constant 0 : i32
      %dma_start3A_786 = arith.constant 0 : i32
      %dma_start3A_787 = arith.constant 0 : i32
      %dma_start3A_788 = tpu.memref_slice %arg7[%dma_start3A_783, %dma_start3A_786, %dma_start3A_787] : memref<4x128x64xf32, #tpu.memory_space<vmem>> -> memref<1x128x64xf32, #tpu.memory_space<vmem>>
      %dma_start3A_789 = tpu.memref_squeeze %dma_start3A_788 : memref<1x128x64xf32, #tpu.memory_space<vmem>> -> memref<128x64xf32, #tpu.memory_space<vmem>>
      %dma_start3A_790 = arith.constant 0 : i32
      %dma_start3A_791 = tpu.memref_slice %arg6[%add3A_782, %dma_start3A_784, %dma_start3A_790] : memref<157x2x128xi32, #tpu.memory_space<vmem>> -> memref<1x1x128xi32, #tpu.memory_space<vmem>>
      %dma_start3A_792 = tpu.memref_squeeze %dma_start3A_791 : memref<1x1x128xi32, #tpu.memory_space<vmem>> -> memref<128xi32, #tpu.memory_space<vmem>>
      %dma_start3A_793 = arith.constant 0 : i32
      %dma_start3A_794 = arith.constant 0 : i32
      %dma_start3A_795 = tpu.memref_slice %arg8[%dma_start3A_793, %dma_start3A_794] : memref<10240x64xf32, #tpu.memory_space<vmem_shared>> -> memref<10240x64xf32, #tpu.memory_space<vmem_shared>>
      %dma_start3A_796 = tpu.memref_slice %arg10[%dma_start3A_785] : memref<4x!tpu.dma_semaphore, #tpu.memory_space<semaphore_mem>> -> memref<1x!tpu.dma_semaphore, #tpu.memory_space<semaphore_mem>>
      %dma_start3A_797 = tpu.memref_squeeze %dma_start3A_796 : memref<1x!tpu.dma_semaphore, #tpu.memory_space<semaphore_mem>> -> memref<!tpu.dma_semaphore, #tpu.memory_space<semaphore_mem>>
      tpu.enqueue_indirect_dma source(%dma_start3A_789 : memref<128x64xf32, #tpu.memory_space<vmem>>) target(%dma_start3A_795 : memref<10240x64xf32, #tpu.memory_space<vmem_shared>>) offsets(%dma_start3A_792 : memref<128xi32, #tpu.memory_space<vmem>>) semaphore(%dma_start3A_797 : memref<!tpu.dma_semaphore, #tpu.memory_space<semaphore_mem>>) {add = true}
      %add3A_798 = arith.constant 1 : i32
      %add3A_799 = arith.addi %add3A_763, %add3A_798 : i32
      %dma_wait3A_800 = arith.constant 0 : i32
      %dma_wait3A_801 = arith.constant 1 : i32
      %dma_wait3A_802 = arith.constant 1 : i32
      %dma_wait3A_803 = arith.constant 0 : i32
      %dma_wait3A_804 = arith.constant 0 : i32
      %dma_wait3A_805 = tpu.memref_slice %arg7[%dma_wait3A_801, %dma_wait3A_803, %dma_wait3A_804] : memref<4x128x64xf32, #tpu.memory_space<vmem>> -> memref<1x128x64xf32, #tpu.memory_space<vmem>>
      %dma_wait3A_806 = tpu.memref_squeeze %dma_wait3A_805 : memref<1x128x64xf32, #tpu.memory_space<vmem>> -> memref<128x64xf32, #tpu.memory_space<vmem>>
      %dma_wait3A_807 = arith.constant 0 : i32
      %dma_wait3A_808 = tpu.memref_slice %arg6[%add3A_799, %dma_wait3A_800, %dma_wait3A_807] : memref<157x2x128xi32, #tpu.memory_space<vmem>> -> memref<1x1x128xi32, #tpu.memory_space<vmem>>
      %dma_wait3A_809 = tpu.memref_squeeze %dma_wait3A_808 : memref<1x1x128xi32, #tpu.memory_space<vmem>> -> memref<128xi32, #tpu.memory_space<vmem>>
      %dma_wait3A_810 = arith.constant 0 : i32
      %dma_wait3A_811 = arith.constant 0 : i32
      %dma_wait3A_812 = tpu.memref_slice %arg2[%dma_wait3A_810, %dma_wait3A_811] : memref<20000x64xf32, #tpu.memory_space<hbm>> -> memref<20000x64xf32, #tpu.memory_space<hbm>>
      %dma_wait3A_813 = tpu.memref_slice %arg9[%dma_wait3A_802] : memref<4x!tpu.dma_semaphore, #tpu.memory_space<semaphore_mem>> -> memref<1x!tpu.dma_semaphore, #tpu.memory_space<semaphore_mem>>
      %dma_wait3A_814 = tpu.memref_squeeze %dma_wait3A_813 : memref<1x!tpu.dma_semaphore, #tpu.memory_space<semaphore_mem>> -> memref<!tpu.dma_semaphore, #tpu.memory_space<semaphore_mem>>
      tpu.wait_indirect_dma semaphore(%dma_wait3A_814 : memref<!tpu.dma_semaphore, #tpu.memory_space<semaphore_mem>>) src(%dma_wait3A_812 : memref<20000x64xf32, #tpu.memory_space<hbm>>) dst(%dma_wait3A_806 : memref<128x64xf32, #tpu.memory_space<vmem>>)
      %add3A_815 = arith.constant 1 : i32
      %add3A_816 = arith.addi %add3A_763, %add3A_815 : i32
      %dma_start3A_817 = arith.constant 1 : i32
      %dma_start3A_818 = arith.constant 1 : i32
      %dma_start3A_819 = arith.constant 1 : i32
      %dma_start3A_820 = arith.constant 0 : i32
      %dma_start3A_821 = arith.constant 0 : i32
      %dma_start3A_822 = tpu.memref_slice %arg7[%dma_start3A_817, %dma_start3A_820, %dma_start3A_821] : memref<4x128x64xf32, #tpu.memory_space<vmem>> -> memref<1x128x64xf32, #tpu.memory_space<vmem>>
      %dma_start3A_823 = tpu.memref_squeeze %dma_start3A_822 : memref<1x128x64xf32, #tpu.memory_space<vmem>> -> memref<128x64xf32, #tpu.memory_space<vmem>>
      %dma_start3A_824 = arith.constant 0 : i32
      %dma_start3A_825 = tpu.memref_slice %arg6[%add3A_816, %dma_start3A_818, %dma_start3A_824] : memref<157x2x128xi32, #tpu.memory_space<vmem>> -> memref<1x1x128xi32, #tpu.memory_space<vmem>>
      %dma_start3A_826 = tpu.memref_squeeze %dma_start3A_825 : memref<1x1x128xi32, #tpu.memory_space<vmem>> -> memref<128xi32, #tpu.memory_space<vmem>>
      %dma_start3A_827 = arith.constant 0 : i32
      %dma_start3A_828 = arith.constant 0 : i32
      %dma_start3A_829 = tpu.memref_slice %arg8[%dma_start3A_827, %dma_start3A_828] : memref<10240x64xf32, #tpu.memory_space<vmem_shared>> -> memref<10240x64xf32, #tpu.memory_space<vmem_shared>>
      %dma_start3A_830 = tpu.memref_slice %arg10[%dma_start3A_819] : memref<4x!tpu.dma_semaphore, #tpu.memory_space<semaphore_mem>> -> memref<1x!tpu.dma_semaphore, #tpu.memory_space<semaphore_mem>>
      %dma_start3A_831 = tpu.memref_squeeze %dma_start3A_830 : memref<1x!tpu.dma_semaphore, #tpu.memory_space<semaphore_mem>> -> memref<!tpu.dma_semaphore, #tpu.memory_space<semaphore_mem>>
      tpu.enqueue_indirect_dma source(%dma_start3A_823 : memref<128x64xf32, #tpu.memory_space<vmem>>) target(%dma_start3A_829 : memref<10240x64xf32, #tpu.memory_space<vmem_shared>>) offsets(%dma_start3A_826 : memref<128xi32, #tpu.memory_space<vmem>>) semaphore(%dma_start3A_831 : memref<!tpu.dma_semaphore, #tpu.memory_space<semaphore_mem>>) {add = true}
      %add3A_832 = arith.constant 2 : i32
      %add3A_833 = arith.addi %add3A_763, %add3A_832 : i32
      %dma_wait3A_834 = arith.constant 0 : i32
      %dma_wait3A_835 = arith.constant 2 : i32
      %dma_wait3A_836 = arith.constant 2 : i32
      %dma_wait3A_837 = arith.constant 0 : i32
      %dma_wait3A_838 = arith.constant 0 : i32
      %dma_wait3A_839 = tpu.memref_slice %arg7[%dma_wait3A_835, %dma_wait3A_837, %dma_wait3A_838] : memref<4x128x64xf32, #tpu.memory_space<vmem>> -> memref<1x128x64xf32, #tpu.memory_space<vmem>>
      %dma_wait3A_840 = tpu.memref_squeeze %dma_wait3A_839 : memref<1x128x64xf32, #tpu.memory_space<vmem>> -> memref<128x64xf32, #tpu.memory_space<vmem>>
      %dma_wait3A_841 = arith.constant 0 : i32
      %dma_wait3A_842 = tpu.memref_slice %arg6[%add3A_833, %dma_wait3A_834, %dma_wait3A_841] : memref<157x2x128xi32, #tpu.memory_space<vmem>> -> memref<1x1x128xi32, #tpu.memory_space<vmem>>
      %dma_wait3A_843 = tpu.memref_squeeze %dma_wait3A_842 : memref<1x1x128xi32, #tpu.memory_space<vmem>> -> memref<128xi32, #tpu.memory_space<vmem>>
      %dma_wait3A_844 = arith.constant 0 : i32
      %dma_wait3A_845 = arith.constant 0 : i32
      %dma_wait3A_846 = tpu.memref_slice %arg2[%dma_wait3A_844, %dma_wait3A_845] : memref<20000x64xf32, #tpu.memory_space<hbm>> -> memref<20000x64xf32, #tpu.memory_space<hbm>>
      %dma_wait3A_847 = tpu.memref_slice %arg9[%dma_wait3A_836] : memref<4x!tpu.dma_semaphore, #tpu.memory_space<semaphore_mem>> -> memref<1x!tpu.dma_semaphore, #tpu.memory_space<semaphore_mem>>
      %dma_wait3A_848 = tpu.memref_squeeze %dma_wait3A_847 : memref<1x!tpu.dma_semaphore, #tpu.memory_space<semaphore_mem>> -> memref<!tpu.dma_semaphore, #tpu.memory_space<semaphore_mem>>
      tpu.wait_indirect_dma semaphore(%dma_wait3A_848 : memref<!tpu.dma_semaphore, #tpu.memory_space<semaphore_mem>>) src(%dma_wait3A_846 : memref<20000x64xf32, #tpu.memory_space<hbm>>) dst(%dma_wait3A_840 : memref<128x64xf32, #tpu.memory_space<vmem>>)
      %add3A_849 = arith.constant 2 : i32
      %add3A_850 = arith.addi %add3A_763, %add3A_849 : i32
      %dma_start3A_851 = arith.constant 2 : i32
      %dma_start3A_852 = arith.constant 1 : i32
      %dma_start3A_853 = arith.constant 2 : i32
      %dma_start3A_854 = arith.constant 0 : i32
      %dma_start3A_855 = arith.constant 0 : i32
      %dma_start3A_856 = tpu.memref_slice %arg7[%dma_start3A_851, %dma_start3A_854, %dma_start3A_855] : memref<4x128x64xf32, #tpu.memory_space<vmem>> -> memref<1x128x64xf32, #tpu.memory_space<vmem>>
      %dma_start3A_857 = tpu.memref_squeeze %dma_start3A_856 : memref<1x128x64xf32, #tpu.memory_space<vmem>> -> memref<128x64xf32, #tpu.memory_space<vmem>>
      %dma_start3A_858 = arith.constant 0 : i32
      %dma_start3A_859 = tpu.memref_slice %arg6[%add3A_850, %dma_start3A_852, %dma_start3A_858] : memref<157x2x128xi32, #tpu.memory_space<vmem>> -> memref<1x1x128xi32, #tpu.memory_space<vmem>>
      %dma_start3A_860 = tpu.memref_squeeze %dma_start3A_859 : memref<1x1x128xi32, #tpu.memory_space<vmem>> -> memref<128xi32, #tpu.memory_space<vmem>>
      %dma_start3A_861 = arith.constant 0 : i32
      %dma_start3A_862 = arith.constant 0 : i32
      %dma_start3A_863 = tpu.memref_slice %arg8[%dma_start3A_861, %dma_start3A_862] : memref<10240x64xf32, #tpu.memory_space<vmem_shared>> -> memref<10240x64xf32, #tpu.memory_space<vmem_shared>>
      %dma_start3A_864 = tpu.memref_slice %arg10[%dma_start3A_853] : memref<4x!tpu.dma_semaphore, #tpu.memory_space<semaphore_mem>> -> memref<1x!tpu.dma_semaphore, #tpu.memory_space<semaphore_mem>>
      %dma_start3A_865 = tpu.memref_squeeze %dma_start3A_864 : memref<1x!tpu.dma_semaphore, #tpu.memory_space<semaphore_mem>> -> memref<!tpu.dma_semaphore, #tpu.memory_space<semaphore_mem>>
      tpu.enqueue_indirect_dma source(%dma_start3A_857 : memref<128x64xf32, #tpu.memory_space<vmem>>) target(%dma_start3A_863 : memref<10240x64xf32, #tpu.memory_space<vmem_shared>>) offsets(%dma_start3A_860 : memref<128xi32, #tpu.memory_space<vmem>>) semaphore(%dma_start3A_865 : memref<!tpu.dma_semaphore, #tpu.memory_space<semaphore_mem>>) {add = true}
      %add3A_866 = arith.constant 3 : i32
      %add3A_867 = arith.addi %add3A_763, %add3A_866 : i32
      %dma_wait3A_868 = arith.constant 0 : i32
      %dma_wait3A_869 = arith.constant 3 : i32
      %dma_wait3A_870 = arith.constant 3 : i32
      %dma_wait3A_871 = arith.constant 0 : i32
      %dma_wait3A_872 = arith.constant 0 : i32
      %dma_wait3A_873 = tpu.memref_slice %arg7[%dma_wait3A_869, %dma_wait3A_871, %dma_wait3A_872] : memref<4x128x64xf32, #tpu.memory_space<vmem>> -> memref<1x128x64xf32, #tpu.memory_space<vmem>>
      %dma_wait3A_874 = tpu.memref_squeeze %dma_wait3A_873 : memref<1x128x64xf32, #tpu.memory_space<vmem>> -> memref<128x64xf32, #tpu.memory_space<vmem>>
      %dma_wait3A_875 = arith.constant 0 : i32
      %dma_wait3A_876 = tpu.memref_slice %arg6[%add3A_867, %dma_wait3A_868, %dma_wait3A_875] : memref<157x2x128xi32, #tpu.memory_space<vmem>> -> memref<1x1x128xi32, #tpu.memory_space<vmem>>
      %dma_wait3A_877 = tpu.memref_squeeze %dma_wait3A_876 : memref<1x1x128xi32, #tpu.memory_space<vmem>> -> memref<128xi32, #tpu.memory_space<vmem>>
      %dma_wait3A_878 = arith.constant 0 : i32
      %dma_wait3A_879 = arith.constant 0 : i32
      %dma_wait3A_880 = tpu.memref_slice %arg2[%dma_wait3A_878, %dma_wait3A_879] : memref<20000x64xf32, #tpu.memory_space<hbm>> -> memref<20000x64xf32, #tpu.memory_space<hbm>>
      %dma_wait3A_881 = tpu.memref_slice %arg9[%dma_wait3A_870] : memref<4x!tpu.dma_semaphore, #tpu.memory_space<semaphore_mem>> -> memref<1x!tpu.dma_semaphore, #tpu.memory_space<semaphore_mem>>
      %dma_wait3A_882 = tpu.memref_squeeze %dma_wait3A_881 : memref<1x!tpu.dma_semaphore, #tpu.memory_space<semaphore_mem>> -> memref<!tpu.dma_semaphore, #tpu.memory_space<semaphore_mem>>
      tpu.wait_indirect_dma semaphore(%dma_wait3A_882 : memref<!tpu.dma_semaphore, #tpu.memory_space<semaphore_mem>>) src(%dma_wait3A_880 : memref<20000x64xf32, #tpu.memory_space<hbm>>) dst(%dma_wait3A_874 : memref<128x64xf32, #tpu.memory_space<vmem>>)
      %add3A_883 = arith.constant 3 : i32
      %add3A_884 = arith.addi %add3A_763, %add3A_883 : i32
      %dma_start3A_885 = arith.constant 3 : i32
      %dma_start3A_886 = arith.constant 1 : i32
      %dma_start3A_887 = arith.constant 3 : i32
      %dma_start3A_888 = arith.constant 0 : i32
      %dma_start3A_889 = arith.constant 0 : i32
      %dma_start3A_890 = tpu.memref_slice %arg7[%dma_start3A_885, %dma_start3A_888, %dma_start3A_889] : memref<4x128x64xf32, #tpu.memory_space<vmem>> -> memref<1x128x64xf32, #tpu.memory_space<vmem>>
      %dma_start3A_891 = tpu.memref_squeeze %dma_start3A_890 : memref<1x128x64xf32, #tpu.memory_space<vmem>> -> memref<128x64xf32, #tpu.memory_space<vmem>>
      %dma_start3A_892 = arith.constant 0 : i32
      %dma_start3A_893 = tpu.memref_slice %arg6[%add3A_884, %dma_start3A_886, %dma_start3A_892] : memref<157x2x128xi32, #tpu.memory_space<vmem>> -> memref<1x1x128xi32, #tpu.memory_space<vmem>>
      %dma_start3A_894 = tpu.memref_squeeze %dma_start3A_893 : memref<1x1x128xi32, #tpu.memory_space<vmem>> -> memref<128xi32, #tpu.memory_space<vmem>>
      %dma_start3A_895 = arith.constant 0 : i32
      %dma_start3A_896 = arith.constant 0 : i32
      %dma_start3A_897 = tpu.memref_slice %arg8[%dma_start3A_895, %dma_start3A_896] : memref<10240x64xf32, #tpu.memory_space<vmem_shared>> -> memref<10240x64xf32, #tpu.memory_space<vmem_shared>>
      %dma_start3A_898 = tpu.memref_slice %arg10[%dma_start3A_887] : memref<4x!tpu.dma_semaphore, #tpu.memory_space<semaphore_mem>> -> memref<1x!tpu.dma_semaphore, #tpu.memory_space<semaphore_mem>>
      %dma_start3A_899 = tpu.memref_squeeze %dma_start3A_898 : memref<1x!tpu.dma_semaphore, #tpu.memory_space<semaphore_mem>> -> memref<!tpu.dma_semaphore, #tpu.memory_space<semaphore_mem>>
      tpu.enqueue_indirect_dma source(%dma_start3A_891 : memref<128x64xf32, #tpu.memory_space<vmem>>) target(%dma_start3A_897 : memref<10240x64xf32, #tpu.memory_space<vmem_shared>>) offsets(%dma_start3A_894 : memref<128xi32, #tpu.memory_space<vmem>>) semaphore(%dma_start3A_899 : memref<!tpu.dma_semaphore, #tpu.memory_space<semaphore_mem>>) {add = true}
      %mul3A_900 = arith.constant 4 : i32
      %mul3A_901 = arith.muli %scan3A_760, %mul3A_900 : i32
      %add3A_902 = arith.constant 4 : i32
      %add3A_903 = arith.addi %mul3A_901, %add3A_902 : i32
      %add3A_904 = arith.constant 0 : i32
      %add3A_905 = arith.addi %add3A_903, %add3A_904 : i32
      %lt3A_906 = arith.constant 156 : i32
      %lt3A_907 = arith.cmpi slt, %add3A_905, %lt3A_906 : i32
      %convert_element_type3A_908 = arith.extui %lt3A_907 : i1 to i32
      %cond3A_909 = arith.constant 0 : i32
      %cond3A_910 = arith.cmpi ne, %convert_element_type3A_908, %cond3A_909 : i32
      scf.if %cond3A_910 {
        %add3A_944 = arith.addi %add3A_905, %select_n3A_12 : i32
        %get3A_945 = arith.constant 0 : i32
        %get3A_946 = arith.index_cast %add3A_944 : i32 to index
        %get3A_947 = arith.index_cast %get3A_945 : i32 to index
        %get3A_948 = arith.constant 0 : index
        %get3A_949 = tpu.vector_load %arg6[%get3A_946, %get3A_947, %get3A_948] {strides = array<i32>} : memref<157x2x128xi32, #tpu.memory_space<vmem>>, vector<1x1x16xi32>,
        %get3A_950 = vector.shape_cast %get3A_949 : vector<1x1x16xi32> to vector<16xi32>
        %mul3A_951 = arith.constant 2 : i32
        %mul3A_952 = vector.broadcast %mul3A_951 : i32 to vector<16xi32>
        %mul3A_953 = arith.muli %get3A_950, %mul3A_952 : vector<16xi32>
        %add3A_954 = vector.broadcast %arg0 : i32 to vector<16xi32>
        %add3A_955 = arith.addi %mul3A_953, %add3A_954 : vector<16xi32>
        %swap3A_956 = arith.constant 0 : i32
        %swap3A_957 = arith.index_cast %add3A_944 : i32 to index
        %swap3A_958 = arith.index_cast %swap3A_956 : i32 to index
        %swap3A_959 = arith.constant 0 : index
        %swap3A_960 = tpu.vector_load %arg6[%swap3A_957, %swap3A_958, %swap3A_959] {strides = array<i32>} : memref<157x2x128xi32, #tpu.memory_space<vmem>>, vector<1x1x16xi32>,
        %swap3A_961 = vector.shape_cast %swap3A_960 : vector<1x1x16xi32> to vector<16xi32>
        %swap3A_962 = vector.shape_cast %add3A_955 : vector<16xi32> to vector<1x1x16xi32>
        tpu.vector_store %arg6[%swap3A_957, %swap3A_958, %swap3A_959], %swap3A_962 {strides = array<i32>} : memref<157x2x128xi32, #tpu.memory_space<vmem>>, vector<1x1x16xi32>,
        %get3A_963 = arith.constant 0 : i32
        %get3A_964 = arith.index_cast %add3A_944 : i32 to index
        %get3A_965 = arith.index_cast %get3A_963 : i32 to index
        %get3A_966 = arith.constant 16 : index
        %get3A_967 = tpu.vector_load %arg6[%get3A_964, %get3A_965, %get3A_966] {strides = array<i32>} : memref<157x2x128xi32, #tpu.memory_space<vmem>>, vector<1x1x16xi32>,
        %get3A_968 = vector.shape_cast %get3A_967 : vector<1x1x16xi32> to vector<16xi32>
        %mul3A_969 = arith.constant 2 : i32
        %mul3A_970 = vector.broadcast %mul3A_969 : i32 to vector<16xi32>
        %mul3A_971 = arith.muli %get3A_968, %mul3A_970 : vector<16xi32>
        %add3A_972 = vector.broadcast %arg0 : i32 to vector<16xi32>
        %add3A_973 = arith.addi %mul3A_971, %add3A_972 : vector<16xi32>
        %swap3A_974 = arith.constant 0 : i32
        %swap3A_975 = arith.index_cast %add3A_944 : i32 to index
        %swap3A_976 = arith.index_cast %swap3A_974 : i32 to index
        %swap3A_977 = arith.constant 16 : index
        %swap3A_978 = tpu.vector_load %arg6[%swap3A_975, %swap3A_976, %swap3A_977] {strides = array<i32>} : memref<157x2x128xi32, #tpu.memory_space<vmem>>, vector<1x1x16xi32>,
        %swap3A_979 = vector.shape_cast %swap3A_978 : vector<1x1x16xi32> to vector<16xi32>
        %swap3A_980 = vector.shape_cast %add3A_973 : vector<16xi32> to vector<1x1x16xi32>
        tpu.vector_store %arg6[%swap3A_975, %swap3A_976, %swap3A_977], %swap3A_980 {strides = array<i32>} : memref<157x2x128xi32, #tpu.memory_space<vmem>>, vector<1x1x16xi32>,
        %get3A_981 = arith.constant 0 : i32
        %get3A_982 = arith.index_cast %add3A_944 : i32 to index
        %get3A_983 = arith.index_cast %get3A_981 : i32 to index
        %get3A_984 = arith.constant 32 : index
        %get3A_985 = tpu.vector_load %arg6[%get3A_982, %get3A_983, %get3A_984] {strides = array<i32>} : memref<157x2x128xi32, #tpu.memory_space<vmem>>, vector<1x1x16xi32>,
        %get3A_986 = vector.shape_cast %get3A_985 : vector<1x1x16xi32> to vector<16xi32>
        %mul3A_987 = arith.constant 2 : i32
        %mul3A_988 = vector.broadcast %mul3A_987 : i32 to vector<16xi32>
        %mul3A_989 = arith.muli %get3A_986, %mul3A_988 : vector<16xi32>
        %add3A_990 = vector.broadcast %arg0 : i32 to vector<16xi32>
        %add3A_991 = arith.addi %mul3A_989, %add3A_990 : vector<16xi32>
        %swap3A_992 = arith.constant 0 : i32
        %swap3A_993 = arith.index_cast %add3A_944 : i32 to index
        %swap3A_994 = arith.index_cast %swap3A_992 : i32 to index
        %swap3A_995 = arith.constant 32 : index
        %swap3A_996 = tpu.vector_load %arg6[%swap3A_993, %swap3A_994, %swap3A_995] {strides = array<i32>} : memref<157x2x128xi32, #tpu.memory_space<vmem>>, vector<1x1x16xi32>,
        %swap3A_997 = vector.shape_cast %swap3A_996 : vector<1x1x16xi32> to vector<16xi32>
        %swap3A_998 = vector.shape_cast %add3A_991 : vector<16xi32> to vector<1x1x16xi32>
        tpu.vector_store %arg6[%swap3A_993, %swap3A_994, %swap3A_995], %swap3A_998 {strides = array<i32>} : memref<157x2x128xi32, #tpu.memory_space<vmem>>, vector<1x1x16xi32>,
        %get3A_999 = arith.constant 0 : i32
        %get3A_1000 = arith.index_cast %add3A_944 : i32 to index
        %get3A_1001 = arith.index_cast %get3A_999 : i32 to index
        %get3A_1002 = arith.constant 48 : index
        %get3A_1003 = tpu.vector_load %arg6[%get3A_1000, %get3A_1001, %get3A_1002] {strides = array<i32>} : memref<157x2x128xi32, #tpu.memory_space<vmem>>, vector<1x1x16xi32>,
        %get3A_1004 = vector.shape_cast %get3A_1003 : vector<1x1x16xi32> to vector<16xi32>
        %mul3A_1005 = arith.constant 2 : i32
        %mul3A_1006 = vector.broadcast %mul3A_1005 : i32 to vector<16xi32>
        %mul3A_1007 = arith.muli %get3A_1004, %mul3A_1006 : vector<16xi32>
        %add3A_1008 = vector.broadcast %arg0 : i32 to vector<16xi32>
        %add3A_1009 = arith.addi %mul3A_1007, %add3A_1008 : vector<16xi32>
        %swap3A_1010 = arith.constant 0 : i32
        %swap3A_1011 = arith.index_cast %add3A_944 : i32 to index
        %swap3A_1012 = arith.index_cast %swap3A_1010 : i32 to index
        %swap3A_1013 = arith.constant 48 : index
        %swap3A_1014 = tpu.vector_load %arg6[%swap3A_1011, %swap3A_1012, %swap3A_1013] {strides = array<i32>} : memref<157x2x128xi32, #tpu.memory_space<vmem>>, vector<1x1x16xi32>,
        %swap3A_1015 = vector.shape_cast %swap3A_1014 : vector<1x1x16xi32> to vector<16xi32>
        %swap3A_1016 = vector.shape_cast %add3A_1009 : vector<16xi32> to vector<1x1x16xi32>
        tpu.vector_store %arg6[%swap3A_1011, %swap3A_1012, %swap3A_1013], %swap3A_1016 {strides = array<i32>} : memref<157x2x128xi32, #tpu.memory_space<vmem>>, vector<1x1x16xi32>,
        %get3A_1017 = arith.constant 0 : i32
        %get3A_1018 = arith.index_cast %add3A_944 : i32 to index
        %get3A_1019 = arith.index_cast %get3A_1017 : i32 to index
        %get3A_1020 = arith.constant 64 : index
        %get3A_1021 = tpu.vector_load %arg6[%get3A_1018, %get3A_1019, %get3A_1020] {strides = array<i32>} : memref<157x2x128xi32, #tpu.memory_space<vmem>>, vector<1x1x16xi32>,
        %get3A_1022 = vector.shape_cast %get3A_1021 : vector<1x1x16xi32> to vector<16xi32>
        %mul3A_1023 = arith.constant 2 : i32
        %mul3A_1024 = vector.broadcast %mul3A_1023 : i32 to vector<16xi32>
        %mul3A_1025 = arith.muli %get3A_1022, %mul3A_1024 : vector<16xi32>
        %add3A_1026 = vector.broadcast %arg0 : i32 to vector<16xi32>
        %add3A_1027 = arith.addi %mul3A_1025, %add3A_1026 : vector<16xi32>
        %swap3A_1028 = arith.constant 0 : i32
        %swap3A_1029 = arith.index_cast %add3A_944 : i32 to index
        %swap3A_1030 = arith.index_cast %swap3A_1028 : i32 to index
        %swap3A_1031 = arith.constant 64 : index
        %swap3A_1032 = tpu.vector_load %arg6[%swap3A_1029, %swap3A_1030, %swap3A_1031] {strides = array<i32>} : memref<157x2x128xi32, #tpu.memory_space<vmem>>, vector<1x1x16xi32>,
        %swap3A_1033 = vector.shape_cast %swap3A_1032 : vector<1x1x16xi32> to vector<16xi32>
        %swap3A_1034 = vector.shape_cast %add3A_1027 : vector<16xi32> to vector<1x1x16xi32>
        tpu.vector_store %arg6[%swap3A_1029, %swap3A_1030, %swap3A_1031], %swap3A_1034 {strides = array<i32>} : memref<157x2x128xi32, #tpu.memory_space<vmem>>, vector<1x1x16xi32>,
        %get3A_1035 = arith.constant 0 : i32
        %get3A_1036 = arith.index_cast %add3A_944 : i32 to index
        %get3A_1037 = arith.index_cast %get3A_1035 : i32 to index
        %get3A_1038 = arith.constant 80 : index
        %get3A_1039 = tpu.vector_load %arg6[%get3A_1036, %get3A_1037, %get3A_1038] {strides = array<i32>} : memref<157x2x128xi32, #tpu.memory_space<vmem>>, vector<1x1x16xi32>,
        %get3A_1040 = vector.shape_cast %get3A_1039 : vector<1x1x16xi32> to vector<16xi32>
        %mul3A_1041 = arith.constant 2 : i32
        %mul3A_1042 = vector.broadcast %mul3A_1041 : i32 to vector<16xi32>
        %mul3A_1043 = arith.muli %get3A_1040, %mul3A_1042 : vector<16xi32>
        %add3A_1044 = vector.broadcast %arg0 : i32 to vector<16xi32>
        %add3A_1045 = arith.addi %mul3A_1043, %add3A_1044 : vector<16xi32>
        %swap3A_1046 = arith.constant 0 : i32
        %swap3A_1047 = arith.index_cast %add3A_944 : i32 to index
        %swap3A_1048 = arith.index_cast %swap3A_1046 : i32 to index
        %swap3A_1049 = arith.constant 80 : index
        %swap3A_1050 = tpu.vector_load %arg6[%swap3A_1047, %swap3A_1048, %swap3A_1049] {strides = array<i32>} : memref<157x2x128xi32, #tpu.memory_space<vmem>>, vector<1x1x16xi32>,
        %swap3A_1051 = vector.shape_cast %swap3A_1050 : vector<1x1x16xi32> to vector<16xi32>
        %swap3A_1052 = vector.shape_cast %add3A_1045 : vector<16xi32> to vector<1x1x16xi32>
        tpu.vector_store %arg6[%swap3A_1047, %swap3A_1048, %swap3A_1049], %swap3A_1052 {strides = array<i32>} : memref<157x2x128xi32, #tpu.memory_space<vmem>>, vector<1x1x16xi32>,
        %get3A_1053 = arith.constant 0 : i32
        %get3A_1054 = arith.index_cast %add3A_944 : i32 to index
        %get3A_1055 = arith.index_cast %get3A_1053 : i32 to index
        %get3A_1056 = arith.constant 96 : index
        %get3A_1057 = tpu.vector_load %arg6[%get3A_1054, %get3A_1055, %get3A_1056] {strides = array<i32>} : memref<157x2x128xi32, #tpu.memory_space<vmem>>, vector<1x1x16xi32>,
        %get3A_1058 = vector.shape_cast %get3A_1057 : vector<1x1x16xi32> to vector<16xi32>
        %mul3A_1059 = arith.constant 2 : i32
        %mul3A_1060 = vector.broadcast %mul3A_1059 : i32 to vector<16xi32>
        %mul3A_1061 = arith.muli %get3A_1058, %mul3A_1060 : vector<16xi32>
        %add3A_1062 = vector.broadcast %arg0 : i32 to vector<16xi32>
        %add3A_1063 = arith.addi %mul3A_1061, %add3A_1062 : vector<16xi32>
        %swap3A_1064 = arith.constant 0 : i32
        %swap3A_1065 = arith.index_cast %add3A_944 : i32 to index
        %swap3A_1066 = arith.index_cast %swap3A_1064 : i32 to index
        %swap3A_1067 = arith.constant 96 : index
        %swap3A_1068 = tpu.vector_load %arg6[%swap3A_1065, %swap3A_1066, %swap3A_1067] {strides = array<i32>} : memref<157x2x128xi32, #tpu.memory_space<vmem>>, vector<1x1x16xi32>,
        %swap3A_1069 = vector.shape_cast %swap3A_1068 : vector<1x1x16xi32> to vector<16xi32>
        %swap3A_1070 = vector.shape_cast %add3A_1063 : vector<16xi32> to vector<1x1x16xi32>
        tpu.vector_store %arg6[%swap3A_1065, %swap3A_1066, %swap3A_1067], %swap3A_1070 {strides = array<i32>} : memref<157x2x128xi32, #tpu.memory_space<vmem>>, vector<1x1x16xi32>,
        %get3A_1071 = arith.constant 0 : i32
        %get3A_1072 = arith.index_cast %add3A_944 : i32 to index
        %get3A_1073 = arith.index_cast %get3A_1071 : i32 to index
        %get3A_1074 = arith.constant 112 : index
        %get3A_1075 = tpu.vector_load %arg6[%get3A_1072, %get3A_1073, %get3A_1074] {strides = array<i32>} : memref<157x2x128xi32, #tpu.memory_space<vmem>>, vector<1x1x16xi32>,
        %get3A_1076 = vector.shape_cast %get3A_1075 : vector<1x1x16xi32> to vector<16xi32>
        %mul3A_1077 = arith.constant 2 : i32
        %mul3A_1078 = vector.broadcast %mul3A_1077 : i32 to vector<16xi32>
        %mul3A_1079 = arith.muli %get3A_1076, %mul3A_1078 : vector<16xi32>
        %add3A_1080 = vector.broadcast %arg0 : i32 to vector<16xi32>
        %add3A_1081 = arith.addi %mul3A_1079, %add3A_1080 : vector<16xi32>
        %swap3A_1082 = arith.constant 0 : i32
        %swap3A_1083 = arith.index_cast %add3A_944 : i32 to index
        %swap3A_1084 = arith.index_cast %swap3A_1082 : i32 to index
        %swap3A_1085 = arith.constant 112 : index
        %swap3A_1086 = tpu.vector_load %arg6[%swap3A_1083, %swap3A_1084, %swap3A_1085] {strides = array<i32>} : memref<157x2x128xi32, #tpu.memory_space<vmem>>, vector<1x1x16xi32>,
        %swap3A_1087 = vector.shape_cast %swap3A_1086 : vector<1x1x16xi32> to vector<16xi32>
        %swap3A_1088 = vector.shape_cast %add3A_1081 : vector<16xi32> to vector<1x1x16xi32>
        tpu.vector_store %arg6[%swap3A_1083, %swap3A_1084, %swap3A_1085], %swap3A_1088 {strides = array<i32>} : memref<157x2x128xi32, #tpu.memory_space<vmem>>, vector<1x1x16xi32>,
        %add3A_1089 = arith.constant 0 : i32
        %add3A_1090 = arith.addi %add3A_763, %add3A_1089 : i32
        %dma_wait3A_1091 = arith.constant 0 : i32
        %dma_wait3A_1092 = arith.constant 1 : i32
        %dma_wait3A_1093 = arith.constant 0 : i32
        %dma_wait3A_1094 = arith.constant 0 : i32
        %dma_wait3A_1095 = arith.constant 0 : i32
        %dma_wait3A_1096 = tpu.memref_slice %arg7[%dma_wait3A_1091, %dma_wait3A_1094, %dma_wait3A_1095] : memref<4x128x64xf32, #tpu.memory_space<vmem>> -> memref<1x128x64xf32, #tpu.memory_space<vmem>>
        %dma_wait3A_1097 = tpu.memref_squeeze %dma_wait3A_1096 : memref<1x128x64xf32, #tpu.memory_space<vmem>> -> memref<128x64xf32, #tpu.memory_space<vmem>>
        %dma_wait3A_1098 = arith.constant 0 : i32
        %dma_wait3A_1099 = tpu.memref_slice %arg6[%add3A_1090, %dma_wait3A_1092, %dma_wait3A_1098] : memref<157x2x128xi32, #tpu.memory_space<vmem>> -> memref<1x1x128xi32, #tpu.memory_space<vmem>>
        %dma_wait3A_1100 = tpu.memref_squeeze %dma_wait3A_1099 : memref<1x1x128xi32, #tpu.memory_space<vmem>> -> memref<128xi32, #tpu.memory_space<vmem>>
        %dma_wait3A_1101 = arith.constant 0 : i32
        %dma_wait3A_1102 = arith.constant 0 : i32
        %dma_wait3A_1103 = tpu.memref_slice %arg8[%dma_wait3A_1101, %dma_wait3A_1102] : memref<10240x64xf32, #tpu.memory_space<vmem_shared>> -> memref<10240x64xf32, #tpu.memory_space<vmem_shared>>
        %dma_wait3A_1104 = tpu.memref_slice %arg10[%dma_wait3A_1093] : memref<4x!tpu.dma_semaphore, #tpu.memory_space<semaphore_mem>> -> memref<1x!tpu.dma_semaphore, #tpu.memory_space<semaphore_mem>>
        %dma_wait3A_1105 = tpu.memref_squeeze %dma_wait3A_1104 : memref<1x!tpu.dma_semaphore, #tpu.memory_space<semaphore_mem>> -> memref<!tpu.dma_semaphore, #tpu.memory_space<semaphore_mem>>
        tpu.wait_indirect_dma semaphore(%dma_wait3A_1105 : memref<!tpu.dma_semaphore, #tpu.memory_space<semaphore_mem>>) src(%dma_wait3A_1097 : memref<128x64xf32, #tpu.memory_space<vmem>>) dst(%dma_wait3A_1103 : memref<10240x64xf32, #tpu.memory_space<vmem_shared>>)
        %add3A_1106 = arith.addi %add3A_905, %select_n3A_12 : i32
        %dma_start3A_1107 = arith.constant 0 : i32
        %dma_start3A_1108 = arith.constant 0 : i32
        %dma_start3A_1109 = arith.constant 0 : i32
        %dma_start3A_1110 = arith.constant 0 : i32
        %dma_start3A_1111 = arith.constant 0 : i32
        %dma_start3A_1112 = tpu.memref_slice %arg7[%dma_start3A_1108, %dma_start3A_1110, %dma_start3A_1111] : memref<4x128x64xf32, #tpu.memory_space<vmem>> -> memref<1x128x64xf32, #tpu.memory_space<vmem>>
        %dma_start3A_1113 = tpu.memref_squeeze %dma_start3A_1112 : memref<1x128x64xf32, #tpu.memory_space<vmem>> -> memref<128x64xf32, #tpu.memory_space<vmem>>
        %dma_start3A_1114 = arith.constant 0 : i32
        %dma_start3A_1115 = tpu.memref_slice %arg6[%add3A_1106, %dma_start3A_1107, %dma_start3A_1114] : memref<157x2x128xi32, #tpu.memory_space<vmem>> -> memref<1x1x128xi32, #tpu.memory_space<vmem>>
        %dma_start3A_1116 = tpu.memref_squeeze %dma_start3A_1115 : memref<1x1x128xi32, #tpu.memory_space<vmem>> -> memref<128xi32, #tpu.memory_space<vmem>>
        %dma_start3A_1117 = arith.constant 0 : i32
        %dma_start3A_1118 = arith.constant 0 : i32
        %dma_start3A_1119 = tpu.memref_slice %arg2[%dma_start3A_1117, %dma_start3A_1118] : memref<20000x64xf32, #tpu.memory_space<hbm>> -> memref<20000x64xf32, #tpu.memory_space<hbm>>
        %dma_start3A_1120 = tpu.memref_slice %arg9[%dma_start3A_1109] : memref<4x!tpu.dma_semaphore, #tpu.memory_space<semaphore_mem>> -> memref<1x!tpu.dma_semaphore, #tpu.memory_space<semaphore_mem>>
        %dma_start3A_1121 = tpu.memref_squeeze %dma_start3A_1120 : memref<1x!tpu.dma_semaphore, #tpu.memory_space<semaphore_mem>> -> memref<!tpu.dma_semaphore, #tpu.memory_space<semaphore_mem>>
        tpu.enqueue_indirect_dma source(%dma_start3A_1119 : memref<20000x64xf32, #tpu.memory_space<hbm>>) target(%dma_start3A_1113 : memref<128x64xf32, #tpu.memory_space<vmem>>) offsets(%dma_start3A_1116 : memref<128xi32, #tpu.memory_space<vmem>>) semaphore(%dma_start3A_1121 : memref<!tpu.dma_semaphore, #tpu.memory_space<semaphore_mem>>)
      } else {
      }
      %mul3A_911 = arith.constant 4 : i32
      %mul3A_912 = arith.muli %scan3A_760, %mul3A_911 : i32
      %add3A_913 = arith.constant 4 : i32
      %add3A_914 = arith.addi %mul3A_912, %add3A_913 : i32
      %add3A_915 = arith.constant 1 : i32
      %add3A_916 = arith.addi %add3A_914, %add3A_915 : i32
      %lt3A_917 = arith.constant 156 : i32
      %lt3A_918 = arith.cmpi slt, %add3A_916, %lt3A_917 : i32
      %convert_element_type3A_919 = arith.extui %lt3A_918 : i1 to i32
      %cond3A_920 = arith.constant 0 : i32
      %cond3A_921 = arith.cmpi ne, %convert_element_type3A_919, %cond3A_920 : i32
      scf.if %cond3A_921 {
        %add3A_944 = arith.addi %add3A_916, %select_n3A_12 : i32
        %get3A_945 = arith.constant 0 : i32
        %get3A_946 = arith.index_cast %add3A_944 : i32 to index
        %get3A_947 = arith.index_cast %get3A_945 : i32 to index
        %get3A_948 = arith.constant 0 : index
        %get3A_949 = tpu.vector_load %arg6[%get3A_946, %get3A_947, %get3A_948] {strides = array<i32>} : memref<157x2x128xi32, #tpu.memory_space<vmem>>, vector<1x1x16xi32>,
        %get3A_950 = vector.shape_cast %get3A_949 : vector<1x1x16xi32> to vector<16xi32>
        %mul3A_951 = arith.constant 2 : i32
        %mul3A_952 = vector.broadcast %mul3A_951 : i32 to vector<16xi32>
        %mul3A_953 = arith.muli %get3A_950, %mul3A_952 : vector<16xi32>
        %add3A_954 = vector.broadcast %arg0 : i32 to vector<16xi32>
        %add3A_955 = arith.addi %mul3A_953, %add3A_954 : vector<16xi32>
        %swap3A_956 = arith.constant 0 : i32
        %swap3A_957 = arith.index_cast %add3A_944 : i32 to index
        %swap3A_958 = arith.index_cast %swap3A_956 : i32 to index
        %swap3A_959 = arith.constant 0 : index
        %swap3A_960 = tpu.vector_load %arg6[%swap3A_957, %swap3A_958, %swap3A_959] {strides = array<i32>} : memref<157x2x128xi32, #tpu.memory_space<vmem>>, vector<1x1x16xi32>,
        %swap3A_961 = vector.shape_cast %swap3A_960 : vector<1x1x16xi32> to vector<16xi32>
        %swap3A_962 = vector.shape_cast %add3A_955 : vector<16xi32> to vector<1x1x16xi32>
        tpu.vector_store %arg6[%swap3A_957, %swap3A_958, %swap3A_959], %swap3A_962 {strides = array<i32>} : memref<157x2x128xi32, #tpu.memory_space<vmem>>, vector<1x1x16xi32>,
        %get3A_963 = arith.constant 0 : i32
        %get3A_964 = arith.index_cast %add3A_944 : i32 to index
        %get3A_965 = arith.index_cast %get3A_963 : i32 to index
        %get3A_966 = arith.constant 16 : index
        %get3A_967 = tpu.vector_load %arg6[%get3A_964, %get3A_965, %get3A_966] {strides = array<i32>} : memref<157x2x128xi32, #tpu.memory_space<vmem>>, vector<1x1x16xi32>,
        %get3A_968 = vector.shape_cast %get3A_967 : vector<1x1x16xi32> to vector<16xi32>
        %mul3A_969 = arith.constant 2 : i32
        %mul3A_970 = vector.broadcast %mul3A_969 : i32 to vector<16xi32>
        %mul3A_971 = arith.muli %get3A_968, %mul3A_970 : vector<16xi32>
        %add3A_972 = vector.broadcast %arg0 : i32 to vector<16xi32>
        %add3A_973 = arith.addi %mul3A_971, %add3A_972 : vector<16xi32>
        %swap3A_974 = arith.constant 0 : i32
        %swap3A_975 = arith.index_cast %add3A_944 : i32 to index
        %swap3A_976 = arith.index_cast %swap3A_974 : i32 to index
        %swap3A_977 = arith.constant 16 : index
        %swap3A_978 = tpu.vector_load %arg6[%swap3A_975, %swap3A_976, %swap3A_977] {strides = array<i32>} : memref<157x2x128xi32, #tpu.memory_space<vmem>>, vector<1x1x16xi32>,
        %swap3A_979 = vector.shape_cast %swap3A_978 : vector<1x1x16xi32> to vector<16xi32>
        %swap3A_980 = vector.shape_cast %add3A_973 : vector<16xi32> to vector<1x1x16xi32>
        tpu.vector_store %arg6[%swap3A_975, %swap3A_976, %swap3A_977], %swap3A_980 {strides = array<i32>} : memref<157x2x128xi32, #tpu.memory_space<vmem>>, vector<1x1x16xi32>,
        %get3A_981 = arith.constant 0 : i32
        %get3A_982 = arith.index_cast %add3A_944 : i32 to index
        %get3A_983 = arith.index_cast %get3A_981 : i32 to index
        %get3A_984 = arith.constant 32 : index
        %get3A_985 = tpu.vector_load %arg6[%get3A_982, %get3A_983, %get3A_984] {strides = array<i32>} : memref<157x2x128xi32, #tpu.memory_space<vmem>>, vector<1x1x16xi32>,
        %get3A_986 = vector.shape_cast %get3A_985 : vector<1x1x16xi32> to vector<16xi32>
        %mul3A_987 = arith.constant 2 : i32
        %mul3A_988 = vector.broadcast %mul3A_987 : i32 to vector<16xi32>
        %mul3A_989 = arith.muli %get3A_986, %mul3A_988 : vector<16xi32>
        %add3A_990 = vector.broadcast %arg0 : i32 to vector<16xi32>
        %add3A_991 = arith.addi %mul3A_989, %add3A_990 : vector<16xi32>
        %swap3A_992 = arith.constant 0 : i32
        %swap3A_993 = arith.index_cast %add3A_944 : i32 to index
        %swap3A_994 = arith.index_cast %swap3A_992 : i32 to index
        %swap3A_995 = arith.constant 32 : index
        %swap3A_996 = tpu.vector_load %arg6[%swap3A_993, %swap3A_994, %swap3A_995] {strides = array<i32>} : memref<157x2x128xi32, #tpu.memory_space<vmem>>, vector<1x1x16xi32>,
        %swap3A_997 = vector.shape_cast %swap3A_996 : vector<1x1x16xi32> to vector<16xi32>
        %swap3A_998 = vector.shape_cast %add3A_991 : vector<16xi32> to vector<1x1x16xi32>
        tpu.vector_store %arg6[%swap3A_993, %swap3A_994, %swap3A_995], %swap3A_998 {strides = array<i32>} : memref<157x2x128xi32, #tpu.memory_space<vmem>>, vector<1x1x16xi32>,
        %get3A_999 = arith.constant 0 : i32
        %get3A_1000 = arith.index_cast %add3A_944 : i32 to index
        %get3A_1001 = arith.index_cast %get3A_999 : i32 to index
        %get3A_1002 = arith.constant 48 : index
        %get3A_1003 = tpu.vector_load %arg6[%get3A_1000, %get3A_1001, %get3A_1002] {strides = array<i32>} : memref<157x2x128xi32, #tpu.memory_space<vmem>>, vector<1x1x16xi32>,
        %get3A_1004 = vector.shape_cast %get3A_1003 : vector<1x1x16xi32> to vector<16xi32>
        %mul3A_1005 = arith.constant 2 : i32
        %mul3A_1006 = vector.broadcast %mul3A_1005 : i32 to vector<16xi32>
        %mul3A_1007 = arith.muli %get3A_1004, %mul3A_1006 : vector<16xi32>
        %add3A_1008 = vector.broadcast %arg0 : i32 to vector<16xi32>
        %add3A_1009 = arith.addi %mul3A_1007, %add3A_1008 : vector<16xi32>
        %swap3A_1010 = arith.constant 0 : i32
        %swap3A_1011 = arith.index_cast %add3A_944 : i32 to index
        %swap3A_1012 = arith.index_cast %swap3A_1010 : i32 to index
        %swap3A_1013 = arith.constant 48 : index
        %swap3A_1014 = tpu.vector_load %arg6[%swap3A_1011, %swap3A_1012, %swap3A_1013] {strides = array<i32>} : memref<157x2x128xi32, #tpu.memory_space<vmem>>, vector<1x1x16xi32>,
        %swap3A_1015 = vector.shape_cast %swap3A_1014 : vector<1x1x16xi32> to vector<16xi32>
        %swap3A_1016 = vector.shape_cast %add3A_1009 : vector<16xi32> to vector<1x1x16xi32>
        tpu.vector_store %arg6[%swap3A_1011, %swap3A_1012, %swap3A_1013], %swap3A_1016 {strides = array<i32>} : memref<157x2x128xi32, #tpu.memory_space<vmem>>, vector<1x1x16xi32>,
        %get3A_1017 = arith.constant 0 : i32
        %get3A_1018 = arith.index_cast %add3A_944 : i32 to index
        %get3A_1019 = arith.index_cast %get3A_1017 : i32 to index
        %get3A_1020 = arith.constant 64 : index
        %get3A_1021 = tpu.vector_load %arg6[%get3A_1018, %get3A_1019, %get3A_1020] {strides = array<i32>} : memref<157x2x128xi32, #tpu.memory_space<vmem>>, vector<1x1x16xi32>,
        %get3A_1022 = vector.shape_cast %get3A_1021 : vector<1x1x16xi32> to vector<16xi32>
        %mul3A_1023 = arith.constant 2 : i32
        %mul3A_1024 = vector.broadcast %mul3A_1023 : i32 to vector<16xi32>
        %mul3A_1025 = arith.muli %get3A_1022, %mul3A_1024 : vector<16xi32>
        %add3A_1026 = vector.broadcast %arg0 : i32 to vector<16xi32>
        %add3A_1027 = arith.addi %mul3A_1025, %add3A_1026 : vector<16xi32>
        %swap3A_1028 = arith.constant 0 : i32
        %swap3A_1029 = arith.index_cast %add3A_944 : i32 to index
        %swap3A_1030 = arith.index_cast %swap3A_1028 : i32 to index
        %swap3A_1031 = arith.constant 64 : index
        %swap3A_1032 = tpu.vector_load %arg6[%swap3A_1029, %swap3A_1030, %swap3A_1031] {strides = array<i32>} : memref<157x2x128xi32, #tpu.memory_space<vmem>>, vector<1x1x16xi32>,
        %swap3A_1033 = vector.shape_cast %swap3A_1032 : vector<1x1x16xi32> to vector<16xi32>
        %swap3A_1034 = vector.shape_cast %add3A_1027 : vector<16xi32> to vector<1x1x16xi32>
        tpu.vector_store %arg6[%swap3A_1029, %swap3A_1030, %swap3A_1031], %swap3A_1034 {strides = array<i32>} : memref<157x2x128xi32, #tpu.memory_space<vmem>>, vector<1x1x16xi32>,
        %get3A_1035 = arith.constant 0 : i32
        %get3A_1036 = arith.index_cast %add3A_944 : i32 to index
        %get3A_1037 = arith.index_cast %get3A_1035 : i32 to index
        %get3A_1038 = arith.constant 80 : index
        %get3A_1039 = tpu.vector_load %arg6[%get3A_1036, %get3A_1037, %get3A_1038] {strides = array<i32>} : memref<157x2x128xi32, #tpu.memory_space<vmem>>, vector<1x1x16xi32>,
        %get3A_1040 = vector.shape_cast %get3A_1039 : vector<1x1x16xi32> to vector<16xi32>
        %mul3A_1041 = arith.constant 2 : i32
        %mul3A_1042 = vector.broadcast %mul3A_1041 : i32 to vector<16xi32>
        %mul3A_1043 = arith.muli %get3A_1040, %mul3A_1042 : vector<16xi32>
        %add3A_1044 = vector.broadcast %arg0 : i32 to vector<16xi32>
        %add3A_1045 = arith.addi %mul3A_1043, %add3A_1044 : vector<16xi32>
        %swap3A_1046 = arith.constant 0 : i32
        %swap3A_1047 = arith.index_cast %add3A_944 : i32 to index
        %swap3A_1048 = arith.index_cast %swap3A_1046 : i32 to index
        %swap3A_1049 = arith.constant 80 : index
        %swap3A_1050 = tpu.vector_load %arg6[%swap3A_1047, %swap3A_1048, %swap3A_1049] {strides = array<i32>} : memref<157x2x128xi32, #tpu.memory_space<vmem>>, vector<1x1x16xi32>,
        %swap3A_1051 = vector.shape_cast %swap3A_1050 : vector<1x1x16xi32> to vector<16xi32>
        %swap3A_1052 = vector.shape_cast %add3A_1045 : vector<16xi32> to vector<1x1x16xi32>
        tpu.vector_store %arg6[%swap3A_1047, %swap3A_1048, %swap3A_1049], %swap3A_1052 {strides = array<i32>} : memref<157x2x128xi32, #tpu.memory_space<vmem>>, vector<1x1x16xi32>,
        %get3A_1053 = arith.constant 0 : i32
        %get3A_1054 = arith.index_cast %add3A_944 : i32 to index
        %get3A_1055 = arith.index_cast %get3A_1053 : i32 to index
        %get3A_1056 = arith.constant 96 : index
        %get3A_1057 = tpu.vector_load %arg6[%get3A_1054, %get3A_1055, %get3A_1056] {strides = array<i32>} : memref<157x2x128xi32, #tpu.memory_space<vmem>>, vector<1x1x16xi32>,
        %get3A_1058 = vector.shape_cast %get3A_1057 : vector<1x1x16xi32> to vector<16xi32>
        %mul3A_1059 = arith.constant 2 : i32
        %mul3A_1060 = vector.broadcast %mul3A_1059 : i32 to vector<16xi32>
        %mul3A_1061 = arith.muli %get3A_1058, %mul3A_1060 : vector<16xi32>
        %add3A_1062 = vector.broadcast %arg0 : i32 to vector<16xi32>
        %add3A_1063 = arith.addi %mul3A_1061, %add3A_1062 : vector<16xi32>
        %swap3A_1064 = arith.constant 0 : i32
        %swap3A_1065 = arith.index_cast %add3A_944 : i32 to index
        %swap3A_1066 = arith.index_cast %swap3A_1064 : i32 to index
        %swap3A_1067 = arith.constant 96 : index
        %swap3A_1068 = tpu.vector_load %arg6[%swap3A_1065, %swap3A_1066, %swap3A_1067] {strides = array<i32>} : memref<157x2x128xi32, #tpu.memory_space<vmem>>, vector<1x1x16xi32>,
        %swap3A_1069 = vector.shape_cast %swap3A_1068 : vector<1x1x16xi32> to vector<16xi32>
        %swap3A_1070 = vector.shape_cast %add3A_1063 : vector<16xi32> to vector<1x1x16xi32>
        tpu.vector_store %arg6[%swap3A_1065, %swap3A_1066, %swap3A_1067], %swap3A_1070 {strides = array<i32>} : memref<157x2x128xi32, #tpu.memory_space<vmem>>, vector<1x1x16xi32>,
        %get3A_1071 = arith.constant 0 : i32
        %get3A_1072 = arith.index_cast %add3A_944 : i32 to index
        %get3A_1073 = arith.index_cast %get3A_1071 : i32 to index
        %get3A_1074 = arith.constant 112 : index
        %get3A_1075 = tpu.vector_load %arg6[%get3A_1072, %get3A_1073, %get3A_1074] {strides = array<i32>} : memref<157x2x128xi32, #tpu.memory_space<vmem>>, vector<1x1x16xi32>,
        %get3A_1076 = vector.shape_cast %get3A_1075 : vector<1x1x16xi32> to vector<16xi32>
        %mul3A_1077 = arith.constant 2 : i32
        %mul3A_1078 = vector.broadcast %mul3A_1077 : i32 to vector<16xi32>
        %mul3A_1079 = arith.muli %get3A_1076, %mul3A_1078 : vector<16xi32>
        %add3A_1080 = vector.broadcast %arg0 : i32 to vector<16xi32>
        %add3A_1081 = arith.addi %mul3A_1079, %add3A_1080 : vector<16xi32>
        %swap3A_1082 = arith.constant 0 : i32
        %swap3A_1083 = arith.index_cast %add3A_944 : i32 to index
        %swap3A_1084 = arith.index_cast %swap3A_1082 : i32 to index
        %swap3A_1085 = arith.constant 112 : index
        %swap3A_1086 = tpu.vector_load %arg6[%swap3A_1083, %swap3A_1084, %swap3A_1085] {strides = array<i32>} : memref<157x2x128xi32, #tpu.memory_space<vmem>>, vector<1x1x16xi32>,
        %swap3A_1087 = vector.shape_cast %swap3A_1086 : vector<1x1x16xi32> to vector<16xi32>
        %swap3A_1088 = vector.shape_cast %add3A_1081 : vector<16xi32> to vector<1x1x16xi32>
        tpu.vector_store %arg6[%swap3A_1083, %swap3A_1084, %swap3A_1085], %swap3A_1088 {strides = array<i32>} : memref<157x2x128xi32, #tpu.memory_space<vmem>>, vector<1x1x16xi32>,
        %add3A_1089 = arith.constant 1 : i32
        %add3A_1090 = arith.addi %add3A_763, %add3A_1089 : i32
        %dma_wait3A_1091 = arith.constant 1 : i32
        %dma_wait3A_1092 = arith.constant 1 : i32
        %dma_wait3A_1093 = arith.constant 1 : i32
        %dma_wait3A_1094 = arith.constant 0 : i32
        %dma_wait3A_1095 = arith.constant 0 : i32
        %dma_wait3A_1096 = tpu.memref_slice %arg7[%dma_wait3A_1091, %dma_wait3A_1094, %dma_wait3A_1095] : memref<4x128x64xf32, #tpu.memory_space<vmem>> -> memref<1x128x64xf32, #tpu.memory_space<vmem>>
        %dma_wait3A_1097 = tpu.memref_squeeze %dma_wait3A_1096 : memref<1x128x64xf32, #tpu.memory_space<vmem>> -> memref<128x64xf32, #tpu.memory_space<vmem>>
        %dma_wait3A_1098 = arith.constant 0 : i32
        %dma_wait3A_1099 = tpu.memref_slice %arg6[%add3A_1090, %dma_wait3A_1092, %dma_wait3A_1098] : memref<157x2x128xi32, #tpu.memory_space<vmem>> -> memref<1x1x128xi32, #tpu.memory_space<vmem>>
        %dma_wait3A_1100 = tpu.memref_squeeze %dma_wait3A_1099 : memref<1x1x128xi32, #tpu.memory_space<vmem>> -> memref<128xi32, #tpu.memory_space<vmem>>
        %dma_wait3A_1101 = arith.constant 0 : i32
        %dma_wait3A_1102 = arith.constant 0 : i32
        %dma_wait3A_1103 = tpu.memref_slice %arg8[%dma_wait3A_1101, %dma_wait3A_1102] : memref<10240x64xf32, #tpu.memory_space<vmem_shared>> -> memref<10240x64xf32, #tpu.memory_space<vmem_shared>>
        %dma_wait3A_1104 = tpu.memref_slice %arg10[%dma_wait3A_1093] : memref<4x!tpu.dma_semaphore, #tpu.memory_space<semaphore_mem>> -> memref<1x!tpu.dma_semaphore, #tpu.memory_space<semaphore_mem>>
        %dma_wait3A_1105 = tpu.memref_squeeze %dma_wait3A_1104 : memref<1x!tpu.dma_semaphore, #tpu.memory_space<semaphore_mem>> -> memref<!tpu.dma_semaphore, #tpu.memory_space<semaphore_mem>>
        tpu.wait_indirect_dma semaphore(%dma_wait3A_1105 : memref<!tpu.dma_semaphore, #tpu.memory_space<semaphore_mem>>) src(%dma_wait3A_1097 : memref<128x64xf32, #tpu.memory_space<vmem>>) dst(%dma_wait3A_1103 : memref<10240x64xf32, #tpu.memory_space<vmem_shared>>)
        %add3A_1106 = arith.addi %add3A_916, %select_n3A_12 : i32
        %dma_start3A_1107 = arith.constant 0 : i32
        %dma_start3A_1108 = arith.constant 1 : i32
        %dma_start3A_1109 = arith.constant 1 : i32
        %dma_start3A_1110 = arith.constant 0 : i32
        %dma_start3A_1111 = arith.constant 0 : i32
        %dma_start3A_1112 = tpu.memref_slice %arg7[%dma_start3A_1108, %dma_start3A_1110, %dma_start3A_1111] : memref<4x128x64xf32, #tpu.memory_space<vmem>> -> memref<1x128x64xf32, #tpu.memory_space<vmem>>
        %dma_start3A_1113 = tpu.memref_squeeze %dma_start3A_1112 : memref<1x128x64xf32, #tpu.memory_space<vmem>> -> memref<128x64xf32, #tpu.memory_space<vmem>>
        %dma_start3A_1114 = arith.constant 0 : i32
        %dma_start3A_1115 = tpu.memref_slice %arg6[%add3A_1106, %dma_start3A_1107, %dma_start3A_1114] : memref<157x2x128xi32, #tpu.memory_space<vmem>> -> memref<1x1x128xi32, #tpu.memory_space<vmem>>
        %dma_start3A_1116 = tpu.memref_squeeze %dma_start3A_1115 : memref<1x1x128xi32, #tpu.memory_space<vmem>> -> memref<128xi32, #tpu.memory_space<vmem>>
        %dma_start3A_1117 = arith.constant 0 : i32
        %dma_start3A_1118 = arith.constant 0 : i32
        %dma_start3A_1119 = tpu.memref_slice %arg2[%dma_start3A_1117, %dma_start3A_1118] : memref<20000x64xf32, #tpu.memory_space<hbm>> -> memref<20000x64xf32, #tpu.memory_space<hbm>>
        %dma_start3A_1120 = tpu.memref_slice %arg9[%dma_start3A_1109] : memref<4x!tpu.dma_semaphore, #tpu.memory_space<semaphore_mem>> -> memref<1x!tpu.dma_semaphore, #tpu.memory_space<semaphore_mem>>
        %dma_start3A_1121 = tpu.memref_squeeze %dma_start3A_1120 : memref<1x!tpu.dma_semaphore, #tpu.memory_space<semaphore_mem>> -> memref<!tpu.dma_semaphore, #tpu.memory_space<semaphore_mem>>
        tpu.enqueue_indirect_dma source(%dma_start3A_1119 : memref<20000x64xf32, #tpu.memory_space<hbm>>) target(%dma_start3A_1113 : memref<128x64xf32, #tpu.memory_space<vmem>>) offsets(%dma_start3A_1116 : memref<128xi32, #tpu.memory_space<vmem>>) semaphore(%dma_start3A_1121 : memref<!tpu.dma_semaphore, #tpu.memory_space<semaphore_mem>>)
      } else {
      }
      %mul3A_922 = arith.constant 4 : i32
      %mul3A_923 = arith.muli %scan3A_760, %mul3A_922 : i32
      %add3A_924 = arith.constant 4 : i32
      %add3A_925 = arith.addi %mul3A_923, %add3A_924 : i32
      %add3A_926 = arith.constant 2 : i32
      %add3A_927 = arith.addi %add3A_925, %add3A_926 : i32
      %lt3A_928 = arith.constant 156 : i32
      %lt3A_929 = arith.cmpi slt, %add3A_927, %lt3A_928 : i32
      %convert_element_type3A_930 = arith.extui %lt3A_929 : i1 to i32
      %cond3A_931 = arith.constant 0 : i32
      %cond3A_932 = arith.cmpi ne, %convert_element_type3A_930, %cond3A_931 : i32
      scf.if %cond3A_932 {
        %add3A_944 = arith.addi %add3A_927, %select_n3A_12 : i32
        %get3A_945 = arith.constant 0 : i32
        %get3A_946 = arith.index_cast %add3A_944 : i32 to index
        %get3A_947 = arith.index_cast %get3A_945 : i32 to index
        %get3A_948 = arith.constant 0 : index
        %get3A_949 = tpu.vector_load %arg6[%get3A_946, %get3A_947, %get3A_948] {strides = array<i32>} : memref<157x2x128xi32, #tpu.memory_space<vmem>>, vector<1x1x16xi32>,
        %get3A_950 = vector.shape_cast %get3A_949 : vector<1x1x16xi32> to vector<16xi32>
        %mul3A_951 = arith.constant 2 : i32
        %mul3A_952 = vector.broadcast %mul3A_951 : i32 to vector<16xi32>
        %mul3A_953 = arith.muli %get3A_950, %mul3A_952 : vector<16xi32>
        %add3A_954 = vector.broadcast %arg0 : i32 to vector<16xi32>
        %add3A_955 = arith.addi %mul3A_953, %add3A_954 : vector<16xi32>
        %swap3A_956 = arith.constant 0 : i32
        %swap3A_957 = arith.index_cast %add3A_944 : i32 to index
        %swap3A_958 = arith.index_cast %swap3A_956 : i32 to index
        %swap3A_959 = arith.constant 0 : index
        %swap3A_960 = tpu.vector_load %arg6[%swap3A_957, %swap3A_958, %swap3A_959] {strides = array<i32>} : memref<157x2x128xi32, #tpu.memory_space<vmem>>, vector<1x1x16xi32>,
        %swap3A_961 = vector.shape_cast %swap3A_960 : vector<1x1x16xi32> to vector<16xi32>
        %swap3A_962 = vector.shape_cast %add3A_955 : vector<16xi32> to vector<1x1x16xi32>
        tpu.vector_store %arg6[%swap3A_957, %swap3A_958, %swap3A_959], %swap3A_962 {strides = array<i32>} : memref<157x2x128xi32, #tpu.memory_space<vmem>>, vector<1x1x16xi32>,
        %get3A_963 = arith.constant 0 : i32
        %get3A_964 = arith.index_cast %add3A_944 : i32 to index
        %get3A_965 = arith.index_cast %get3A_963 : i32 to index
        %get3A_966 = arith.constant 16 : index
        %get3A_967 = tpu.vector_load %arg6[%get3A_964, %get3A_965, %get3A_966] {strides = array<i32>} : memref<157x2x128xi32, #tpu.memory_space<vmem>>, vector<1x1x16xi32>,
        %get3A_968 = vector.shape_cast %get3A_967 : vector<1x1x16xi32> to vector<16xi32>
        %mul3A_969 = arith.constant 2 : i32
        %mul3A_970 = vector.broadcast %mul3A_969 : i32 to vector<16xi32>
        %mul3A_971 = arith.muli %get3A_968, %mul3A_970 : vector<16xi32>
        %add3A_972 = vector.broadcast %arg0 : i32 to vector<16xi32>
        %add3A_973 = arith.addi %mul3A_971, %add3A_972 : vector<16xi32>
        %swap3A_974 = arith.constant 0 : i32
        %swap3A_975 = arith.index_cast %add3A_944 : i32 to index
        %swap3A_976 = arith.index_cast %swap3A_974 : i32 to index
        %swap3A_977 = arith.constant 16 : index
        %swap3A_978 = tpu.vector_load %arg6[%swap3A_975, %swap3A_976, %swap3A_977] {strides = array<i32>} : memref<157x2x128xi32, #tpu.memory_space<vmem>>, vector<1x1x16xi32>,
        %swap3A_979 = vector.shape_cast %swap3A_978 : vector<1x1x16xi32> to vector<16xi32>
        %swap3A_980 = vector.shape_cast %add3A_973 : vector<16xi32> to vector<1x1x16xi32>
        tpu.vector_store %arg6[%swap3A_975, %swap3A_976, %swap3A_977], %swap3A_980 {strides = array<i32>} : memref<157x2x128xi32, #tpu.memory_space<vmem>>, vector<1x1x16xi32>,
        %get3A_981 = arith.constant 0 : i32
        %get3A_982 = arith.index_cast %add3A_944 : i32 to index
        %get3A_983 = arith.index_cast %get3A_981 : i32 to index
        %get3A_984 = arith.constant 32 : index
        %get3A_985 = tpu.vector_load %arg6[%get3A_982, %get3A_983, %get3A_984] {strides = array<i32>} : memref<157x2x128xi32, #tpu.memory_space<vmem>>, vector<1x1x16xi32>,
        %get3A_986 = vector.shape_cast %get3A_985 : vector<1x1x16xi32> to vector<16xi32>
        %mul3A_987 = arith.constant 2 : i32
        %mul3A_988 = vector.broadcast %mul3A_987 : i32 to vector<16xi32>
        %mul3A_989 = arith.muli %get3A_986, %mul3A_988 : vector<16xi32>
        %add3A_990 = vector.broadcast %arg0 : i32 to vector<16xi32>
        %add3A_991 = arith.addi %mul3A_989, %add3A_990 : vector<16xi32>
        %swap3A_992 = arith.constant 0 : i32
        %swap3A_993 = arith.index_cast %add3A_944 : i32 to index
        %swap3A_994 = arith.index_cast %swap3A_992 : i32 to index
        %swap3A_995 = arith.constant 32 : index
        %swap3A_996 = tpu.vector_load %arg6[%swap3A_993, %swap3A_994, %swap3A_995] {strides = array<i32>} : memref<157x2x128xi32, #tpu.memory_space<vmem>>, vector<1x1x16xi32>,
        %swap3A_997 = vector.shape_cast %swap3A_996 : vector<1x1x16xi32> to vector<16xi32>
        %swap3A_998 = vector.shape_cast %add3A_991 : vector<16xi32> to vector<1x1x16xi32>
        tpu.vector_store %arg6[%swap3A_993, %swap3A_994, %swap3A_995], %swap3A_998 {strides = array<i32>} : memref<157x2x128xi32, #tpu.memory_space<vmem>>, vector<1x1x16xi32>,
        %get3A_999 = arith.constant 0 : i32
        %get3A_1000 = arith.index_cast %add3A_944 : i32 to index
        %get3A_1001 = arith.index_cast %get3A_999 : i32 to index
        %get3A_1002 = arith.constant 48 : index
        %get3A_1003 = tpu.vector_load %arg6[%get3A_1000, %get3A_1001, %get3A_1002] {strides = array<i32>} : memref<157x2x128xi32, #tpu.memory_space<vmem>>, vector<1x1x16xi32>,
        %get3A_1004 = vector.shape_cast %get3A_1003 : vector<1x1x16xi32> to vector<16xi32>
        %mul3A_1005 = arith.constant 2 : i32
        %mul3A_1006 = vector.broadcast %mul3A_1005 : i32 to vector<16xi32>
        %mul3A_1007 = arith.muli %get3A_1004, %mul3A_1006 : vector<16xi32>
        %add3A_1008 = vector.broadcast %arg0 : i32 to vector<16xi32>
        %add3A_1009 = arith.addi %mul3A_1007, %add3A_1008 : vector<16xi32>
        %swap3A_1010 = arith.constant 0 : i32
        %swap3A_1011 = arith.index_cast %add3A_944 : i32 to index
        %swap3A_1012 = arith.index_cast %swap3A_1010 : i32 to index
        %swap3A_1013 = arith.constant 48 : index
        %swap3A_1014 = tpu.vector_load %arg6[%swap3A_1011, %swap3A_1012, %swap3A_1013] {strides = array<i32>} : memref<157x2x128xi32, #tpu.memory_space<vmem>>, vector<1x1x16xi32>,
        %swap3A_1015 = vector.shape_cast %swap3A_1014 : vector<1x1x16xi32> to vector<16xi32>
        %swap3A_1016 = vector.shape_cast %add3A_1009 : vector<16xi32> to vector<1x1x16xi32>
        tpu.vector_store %arg6[%swap3A_1011, %swap3A_1012, %swap3A_1013], %swap3A_1016 {strides = array<i32>} : memref<157x2x128xi32, #tpu.memory_space<vmem>>, vector<1x1x16xi32>,
        %get3A_1017 = arith.constant 0 : i32
        %get3A_1018 = arith.index_cast %add3A_944 : i32 to index
        %get3A_1019 = arith.index_cast %get3A_1017 : i32 to index
        %get3A_1020 = arith.constant 64 : index
        %get3A_1021 = tpu.vector_load %arg6[%get3A_1018, %get3A_1019, %get3A_1020] {strides = array<i32>} : memref<157x2x128xi32, #tpu.memory_space<vmem>>, vector<1x1x16xi32>,
        %get3A_1022 = vector.shape_cast %get3A_1021 : vector<1x1x16xi32> to vector<16xi32>
        %mul3A_1023 = arith.constant 2 : i32
        %mul3A_1024 = vector.broadcast %mul3A_1023 : i32 to vector<16xi32>
        %mul3A_1025 = arith.muli %get3A_1022, %mul3A_1024 : vector<16xi32>
        %add3A_1026 = vector.broadcast %arg0 : i32 to vector<16xi32>
        %add3A_1027 = arith.addi %mul3A_1025, %add3A_1026 : vector<16xi32>
        %swap3A_1028 = arith.constant 0 : i32
        %swap3A_1029 = arith.index_cast %add3A_944 : i32 to index
        %swap3A_1030 = arith.index_cast %swap3A_1028 : i32 to index
        %swap3A_1031 = arith.constant 64 : index
        %swap3A_1032 = tpu.vector_load %arg6[%swap3A_1029, %swap3A_1030, %swap3A_1031] {strides = array<i32>} : memref<157x2x128xi32, #tpu.memory_space<vmem>>, vector<1x1x16xi32>,
        %swap3A_1033 = vector.shape_cast %swap3A_1032 : vector<1x1x16xi32> to vector<16xi32>
        %swap3A_1034 = vector.shape_cast %add3A_1027 : vector<16xi32> to vector<1x1x16xi32>
        tpu.vector_store %arg6[%swap3A_1029, %swap3A_1030, %swap3A_1031], %swap3A_1034 {strides = array<i32>} : memref<157x2x128xi32, #tpu.memory_space<vmem>>, vector<1x1x16xi32>,
        %get3A_1035 = arith.constant 0 : i32
        %get3A_1036 = arith.index_cast %add3A_944 : i32 to index
        %get3A_1037 = arith.index_cast %get3A_1035 : i32 to index
        %get3A_1038 = arith.constant 80 : index
        %get3A_1039 = tpu.vector_load %arg6[%get3A_1036, %get3A_1037, %get3A_1038] {strides = array<i32>} : memref<157x2x128xi32, #tpu.memory_space<vmem>>, vector<1x1x16xi32>,
        %get3A_1040 = vector.shape_cast %get3A_1039 : vector<1x1x16xi32> to vector<16xi32>
        %mul3A_1041 = arith.constant 2 : i32
        %mul3A_1042 = vector.broadcast %mul3A_1041 : i32 to vector<16xi32>
        %mul3A_1043 = arith.muli %get3A_1040, %mul3A_1042 : vector<16xi32>
        %add3A_1044 = vector.broadcast %arg0 : i32 to vector<16xi32>
        %add3A_1045 = arith.addi %mul3A_1043, %add3A_1044 : vector<16xi32>
        %swap3A_1046 = arith.constant 0 : i32
        %swap3A_1047 = arith.index_cast %add3A_944 : i32 to index
        %swap3A_1048 = arith.index_cast %swap3A_1046 : i32 to index
        %swap3A_1049 = arith.constant 80 : index
        %swap3A_1050 = tpu.vector_load %arg6[%swap3A_1047, %swap3A_1048, %swap3A_1049] {strides = array<i32>} : memref<157x2x128xi32, #tpu.memory_space<vmem>>, vector<1x1x16xi32>,
        %swap3A_1051 = vector.shape_cast %swap3A_1050 : vector<1x1x16xi32> to vector<16xi32>
        %swap3A_1052 = vector.shape_cast %add3A_1045 : vector<16xi32> to vector<1x1x16xi32>
        tpu.vector_store %arg6[%swap3A_1047, %swap3A_1048, %swap3A_1049], %swap3A_1052 {strides = array<i32>} : memref<157x2x128xi32, #tpu.memory_space<vmem>>, vector<1x1x16xi32>,
        %get3A_1053 = arith.constant 0 : i32
        %get3A_1054 = arith.index_cast %add3A_944 : i32 to index
        %get3A_1055 = arith.index_cast %get3A_1053 : i32 to index
        %get3A_1056 = arith.constant 96 : index
        %get3A_1057 = tpu.vector_load %arg6[%get3A_1054, %get3A_1055, %get3A_1056] {strides = array<i32>} : memref<157x2x128xi32, #tpu.memory_space<vmem>>, vector<1x1x16xi32>,
        %get3A_1058 = vector.shape_cast %get3A_1057 : vector<1x1x16xi32> to vector<16xi32>
        %mul3A_1059 = arith.constant 2 : i32
        %mul3A_1060 = vector.broadcast %mul3A_1059 : i32 to vector<16xi32>
        %mul3A_1061 = arith.muli %get3A_1058, %mul3A_1060 : vector<16xi32>
        %add3A_1062 = vector.broadcast %arg0 : i32 to vector<16xi32>
        %add3A_1063 = arith.addi %mul3A_1061, %add3A_1062 : vector<16xi32>
        %swap3A_1064 = arith.constant 0 : i32
        %swap3A_1065 = arith.index_cast %add3A_944 : i32 to index
        %swap3A_1066 = arith.index_cast %swap3A_1064 : i32 to index
        %swap3A_1067 = arith.constant 96 : index
        %swap3A_1068 = tpu.vector_load %arg6[%swap3A_1065, %swap3A_1066, %swap3A_1067] {strides = array<i32>} : memref<157x2x128xi32, #tpu.memory_space<vmem>>, vector<1x1x16xi32>,
        %swap3A_1069 = vector.shape_cast %swap3A_1068 : vector<1x1x16xi32> to vector<16xi32>
        %swap3A_1070 = vector.shape_cast %add3A_1063 : vector<16xi32> to vector<1x1x16xi32>
        tpu.vector_store %arg6[%swap3A_1065, %swap3A_1066, %swap3A_1067], %swap3A_1070 {strides = array<i32>} : memref<157x2x128xi32, #tpu.memory_space<vmem>>, vector<1x1x16xi32>,
        %get3A_1071 = arith.constant 0 : i32
        %get3A_1072 = arith.index_cast %add3A_944 : i32 to index
        %get3A_1073 = arith.index_cast %get3A_1071 : i32 to index
        %get3A_1074 = arith.constant 112 : index
        %get3A_1075 = tpu.vector_load %arg6[%get3A_1072, %get3A_1073, %get3A_1074] {strides = array<i32>} : memref<157x2x128xi32, #tpu.memory_space<vmem>>, vector<1x1x16xi32>,
        %get3A_1076 = vector.shape_cast %get3A_1075 : vector<1x1x16xi32> to vector<16xi32>
        %mul3A_1077 = arith.constant 2 : i32
        %mul3A_1078 = vector.broadcast %mul3A_1077 : i32 to vector<16xi32>
        %mul3A_1079 = arith.muli %get3A_1076, %mul3A_1078 : vector<16xi32>
        %add3A_1080 = vector.broadcast %arg0 : i32 to vector<16xi32>
        %add3A_1081 = arith.addi %mul3A_1079, %add3A_1080 : vector<16xi32>
        %swap3A_1082 = arith.constant 0 : i32
        %swap3A_1083 = arith.index_cast %add3A_944 : i32 to index
        %swap3A_1084 = arith.index_cast %swap3A_1082 : i32 to index
        %swap3A_1085 = arith.constant 112 : index
        %swap3A_1086 = tpu.vector_load %arg6[%swap3A_1083, %swap3A_1084, %swap3A_1085] {strides = array<i32>} : memref<157x2x128xi32, #tpu.memory_space<vmem>>, vector<1x1x16xi32>,
        %swap3A_1087 = vector.shape_cast %swap3A_1086 : vector<1x1x16xi32> to vector<16xi32>
        %swap3A_1088 = vector.shape_cast %add3A_1081 : vector<16xi32> to vector<1x1x16xi32>
        tpu.vector_store %arg6[%swap3A_1083, %swap3A_1084, %swap3A_1085], %swap3A_1088 {strides = array<i32>} : memref<157x2x128xi32, #tpu.memory_space<vmem>>, vector<1x1x16xi32>,
        %add3A_1089 = arith.constant 2 : i32
        %add3A_1090 = arith.addi %add3A_763, %add3A_1089 : i32
        %dma_wait3A_1091 = arith.constant 2 : i32
        %dma_wait3A_1092 = arith.constant 1 : i32
        %dma_wait3A_1093 = arith.constant 2 : i32
        %dma_wait3A_1094 = arith.constant 0 : i32
        %dma_wait3A_1095 = arith.constant 0 : i32
        %dma_wait3A_1096 = tpu.memref_slice %arg7[%dma_wait3A_1091, %dma_wait3A_1094, %dma_wait3A_1095] : memref<4x128x64xf32, #tpu.memory_space<vmem>> -> memref<1x128x64xf32, #tpu.memory_space<vmem>>
        %dma_wait3A_1097 = tpu.memref_squeeze %dma_wait3A_1096 : memref<1x128x64xf32, #tpu.memory_space<vmem>> -> memref<128x64xf32, #tpu.memory_space<vmem>>
        %dma_wait3A_1098 = arith.constant 0 : i32
        %dma_wait3A_1099 = tpu.memref_slice %arg6[%add3A_1090, %dma_wait3A_1092, %dma_wait3A_1098] : memref<157x2x128xi32, #tpu.memory_space<vmem>> -> memref<1x1x128xi32, #tpu.memory_space<vmem>>
        %dma_wait3A_1100 = tpu.memref_squeeze %dma_wait3A_1099 : memref<1x1x128xi32, #tpu.memory_space<vmem>> -> memref<128xi32, #tpu.memory_space<vmem>>
        %dma_wait3A_1101 = arith.constant 0 : i32
        %dma_wait3A_1102 = arith.constant 0 : i32
        %dma_wait3A_1103 = tpu.memref_slice %arg8[%dma_wait3A_1101, %dma_wait3A_1102] : memref<10240x64xf32, #tpu.memory_space<vmem_shared>> -> memref<10240x64xf32, #tpu.memory_space<vmem_shared>>
        %dma_wait3A_1104 = tpu.memref_slice %arg10[%dma_wait3A_1093] : memref<4x!tpu.dma_semaphore, #tpu.memory_space<semaphore_mem>> -> memref<1x!tpu.dma_semaphore, #tpu.memory_space<semaphore_mem>>
        %dma_wait3A_1105 = tpu.memref_squeeze %dma_wait3A_1104 : memref<1x!tpu.dma_semaphore, #tpu.memory_space<semaphore_mem>> -> memref<!tpu.dma_semaphore, #tpu.memory_space<semaphore_mem>>
        tpu.wait_indirect_dma semaphore(%dma_wait3A_1105 : memref<!tpu.dma_semaphore, #tpu.memory_space<semaphore_mem>>) src(%dma_wait3A_1097 : memref<128x64xf32, #tpu.memory_space<vmem>>) dst(%dma_wait3A_1103 : memref<10240x64xf32, #tpu.memory_space<vmem_shared>>)
        %add3A_1106 = arith.addi %add3A_927, %select_n3A_12 : i32
        %dma_start3A_1107 = arith.constant 0 : i32
        %dma_start3A_1108 = arith.constant 2 : i32
        %dma_start3A_1109 = arith.constant 2 : i32
        %dma_start3A_1110 = arith.constant 0 : i32
        %dma_start3A_1111 = arith.constant 0 : i32
        %dma_start3A_1112 = tpu.memref_slice %arg7[%dma_start3A_1108, %dma_start3A_1110, %dma_start3A_1111] : memref<4x128x64xf32, #tpu.memory_space<vmem>> -> memref<1x128x64xf32, #tpu.memory_space<vmem>>
        %dma_start3A_1113 = tpu.memref_squeeze %dma_start3A_1112 : memref<1x128x64xf32, #tpu.memory_space<vmem>> -> memref<128x64xf32, #tpu.memory_space<vmem>>
        %dma_start3A_1114 = arith.constant 0 : i32
        %dma_start3A_1115 = tpu.memref_slice %arg6[%add3A_1106, %dma_start3A_1107, %dma_start3A_1114] : memref<157x2x128xi32, #tpu.memory_space<vmem>> -> memref<1x1x128xi32, #tpu.memory_space<vmem>>
        %dma_start3A_1116 = tpu.memref_squeeze %dma_start3A_1115 : memref<1x1x128xi32, #tpu.memory_space<vmem>> -> memref<128xi32, #tpu.memory_space<vmem>>
        %dma_start3A_1117 = arith.constant 0 : i32
        %dma_start3A_1118 = arith.constant 0 : i32
        %dma_start3A_1119 = tpu.memref_slice %arg2[%dma_start3A_1117, %dma_start3A_1118] : memref<20000x64xf32, #tpu.memory_space<hbm>> -> memref<20000x64xf32, #tpu.memory_space<hbm>>
        %dma_start3A_1120 = tpu.memref_slice %arg9[%dma_start3A_1109] : memref<4x!tpu.dma_semaphore, #tpu.memory_space<semaphore_mem>> -> memref<1x!tpu.dma_semaphore, #tpu.memory_space<semaphore_mem>>
        %dma_start3A_1121 = tpu.memref_squeeze %dma_start3A_1120 : memref<1x!tpu.dma_semaphore, #tpu.memory_space<semaphore_mem>> -> memref<!tpu.dma_semaphore, #tpu.memory_space<semaphore_mem>>
        tpu.enqueue_indirect_dma source(%dma_start3A_1119 : memref<20000x64xf32, #tpu.memory_space<hbm>>) target(%dma_start3A_1113 : memref<128x64xf32, #tpu.memory_space<vmem>>) offsets(%dma_start3A_1116 : memref<128xi32, #tpu.memory_space<vmem>>) semaphore(%dma_start3A_1121 : memref<!tpu.dma_semaphore, #tpu.memory_space<semaphore_mem>>)
      } else {
      }
      %mul3A_933 = arith.constant 4 : i32
      %mul3A_934 = arith.muli %scan3A_760, %mul3A_933 : i32
      %add3A_935 = arith.constant 4 : i32
      %add3A_936 = arith.addi %mul3A_934, %add3A_935 : i32
      %add3A_937 = arith.constant 3 : i32
      %add3A_938 = arith.addi %add3A_936, %add3A_937 : i32
      %lt3A_939 = arith.constant 156 : i32
      %lt3A_940 = arith.cmpi slt, %add3A_938, %lt3A_939 : i32
      %convert_element_type3A_941 = arith.extui %lt3A_940 : i1 to i32
      %cond3A_942 = arith.constant 0 : i32
      %cond3A_943 = arith.cmpi ne, %convert_element_type3A_941, %cond3A_942 : i32
      scf.if %cond3A_943 {
        %add3A_944 = arith.addi %add3A_938, %select_n3A_12 : i32
        %get3A_945 = arith.constant 0 : i32
        %get3A_946 = arith.index_cast %add3A_944 : i32 to index
        %get3A_947 = arith.index_cast %get3A_945 : i32 to index
        %get3A_948 = arith.constant 0 : index
        %get3A_949 = tpu.vector_load %arg6[%get3A_946, %get3A_947, %get3A_948] {strides = array<i32>} : memref<157x2x128xi32, #tpu.memory_space<vmem>>, vector<1x1x16xi32>,
        %get3A_950 = vector.shape_cast %get3A_949 : vector<1x1x16xi32> to vector<16xi32>
        %mul3A_951 = arith.constant 2 : i32
        %mul3A_952 = vector.broadcast %mul3A_951 : i32 to vector<16xi32>
        %mul3A_953 = arith.muli %get3A_950, %mul3A_952 : vector<16xi32>
        %add3A_954 = vector.broadcast %arg0 : i32 to vector<16xi32>
        %add3A_955 = arith.addi %mul3A_953, %add3A_954 : vector<16xi32>
        %swap3A_956 = arith.constant 0 : i32
        %swap3A_957 = arith.index_cast %add3A_944 : i32 to index
        %swap3A_958 = arith.index_cast %swap3A_956 : i32 to index
        %swap3A_959 = arith.constant 0 : index
        %swap3A_960 = tpu.vector_load %arg6[%swap3A_957, %swap3A_958, %swap3A_959] {strides = array<i32>} : memref<157x2x128xi32, #tpu.memory_space<vmem>>, vector<1x1x16xi32>,
        %swap3A_961 = vector.shape_cast %swap3A_960 : vector<1x1x16xi32> to vector<16xi32>
        %swap3A_962 = vector.shape_cast %add3A_955 : vector<16xi32> to vector<1x1x16xi32>
        tpu.vector_store %arg6[%swap3A_957, %swap3A_958, %swap3A_959], %swap3A_962 {strides = array<i32>} : memref<157x2x128xi32, #tpu.memory_space<vmem>>, vector<1x1x16xi32>,
        %get3A_963 = arith.constant 0 : i32
        %get3A_964 = arith.index_cast %add3A_944 : i32 to index
        %get3A_965 = arith.index_cast %get3A_963 : i32 to index
        %get3A_966 = arith.constant 16 : index
        %get3A_967 = tpu.vector_load %arg6[%get3A_964, %get3A_965, %get3A_966] {strides = array<i32>} : memref<157x2x128xi32, #tpu.memory_space<vmem>>, vector<1x1x16xi32>,
        %get3A_968 = vector.shape_cast %get3A_967 : vector<1x1x16xi32> to vector<16xi32>
        %mul3A_969 = arith.constant 2 : i32
        %mul3A_970 = vector.broadcast %mul3A_969 : i32 to vector<16xi32>
        %mul3A_971 = arith.muli %get3A_968, %mul3A_970 : vector<16xi32>
        %add3A_972 = vector.broadcast %arg0 : i32 to vector<16xi32>
        %add3A_973 = arith.addi %mul3A_971, %add3A_972 : vector<16xi32>
        %swap3A_974 = arith.constant 0 : i32
        %swap3A_975 = arith.index_cast %add3A_944 : i32 to index
        %swap3A_976 = arith.index_cast %swap3A_974 : i32 to index
        %swap3A_977 = arith.constant 16 : index
        %swap3A_978 = tpu.vector_load %arg6[%swap3A_975, %swap3A_976, %swap3A_977] {strides = array<i32>} : memref<157x2x128xi32, #tpu.memory_space<vmem>>, vector<1x1x16xi32>,
        %swap3A_979 = vector.shape_cast %swap3A_978 : vector<1x1x16xi32> to vector<16xi32>
        %swap3A_980 = vector.shape_cast %add3A_973 : vector<16xi32> to vector<1x1x16xi32>
        tpu.vector_store %arg6[%swap3A_975, %swap3A_976, %swap3A_977], %swap3A_980 {strides = array<i32>} : memref<157x2x128xi32, #tpu.memory_space<vmem>>, vector<1x1x16xi32>,
        %get3A_981 = arith.constant 0 : i32
        %get3A_982 = arith.index_cast %add3A_944 : i32 to index
        %get3A_983 = arith.index_cast %get3A_981 : i32 to index
        %get3A_984 = arith.constant 32 : index
        %get3A_985 = tpu.vector_load %arg6[%get3A_982, %get3A_983, %get3A_984] {strides = array<i32>} : memref<157x2x128xi32, #tpu.memory_space<vmem>>, vector<1x1x16xi32>,
        %get3A_986 = vector.shape_cast %get3A_985 : vector<1x1x16xi32> to vector<16xi32>
        %mul3A_987 = arith.constant 2 : i32
        %mul3A_988 = vector.broadcast %mul3A_987 : i32 to vector<16xi32>
        %mul3A_989 = arith.muli %get3A_986, %mul3A_988 : vector<16xi32>
        %add3A_990 = vector.broadcast %arg0 : i32 to vector<16xi32>
        %add3A_991 = arith.addi %mul3A_989, %add3A_990 : vector<16xi32>
        %swap3A_992 = arith.constant 0 : i32
        %swap3A_993 = arith.index_cast %add3A_944 : i32 to index
        %swap3A_994 = arith.index_cast %swap3A_992 : i32 to index
        %swap3A_995 = arith.constant 32 : index
        %swap3A_996 = tpu.vector_load %arg6[%swap3A_993, %swap3A_994, %swap3A_995] {strides = array<i32>} : memref<157x2x128xi32, #tpu.memory_space<vmem>>, vector<1x1x16xi32>,
        %swap3A_997 = vector.shape_cast %swap3A_996 : vector<1x1x16xi32> to vector<16xi32>
        %swap3A_998 = vector.shape_cast %add3A_991 : vector<16xi32> to vector<1x1x16xi32>
        tpu.vector_store %arg6[%swap3A_993, %swap3A_994, %swap3A_995], %swap3A_998 {strides = array<i32>} : memref<157x2x128xi32, #tpu.memory_space<vmem>>, vector<1x1x16xi32>,
        %get3A_999 = arith.constant 0 : i32
        %get3A_1000 = arith.index_cast %add3A_944 : i32 to index
        %get3A_1001 = arith.index_cast %get3A_999 : i32 to index
        %get3A_1002 = arith.constant 48 : index
        %get3A_1003 = tpu.vector_load %arg6[%get3A_1000, %get3A_1001, %get3A_1002] {strides = array<i32>} : memref<157x2x128xi32, #tpu.memory_space<vmem>>, vector<1x1x16xi32>,
        %get3A_1004 = vector.shape_cast %get3A_1003 : vector<1x1x16xi32> to vector<16xi32>
        %mul3A_1005 = arith.constant 2 : i32
        %mul3A_1006 = vector.broadcast %mul3A_1005 : i32 to vector<16xi32>
        %mul3A_1007 = arith.muli %get3A_1004, %mul3A_1006 : vector<16xi32>
        %add3A_1008 = vector.broadcast %arg0 : i32 to vector<16xi32>
        %add3A_1009 = arith.addi %mul3A_1007, %add3A_1008 : vector<16xi32>
        %swap3A_1010 = arith.constant 0 : i32
        %swap3A_1011 = arith.index_cast %add3A_944 : i32 to index
        %swap3A_1012 = arith.index_cast %swap3A_1010 : i32 to index
        %swap3A_1013 = arith.constant 48 : index
        %swap3A_1014 = tpu.vector_load %arg6[%swap3A_1011, %swap3A_1012, %swap3A_1013] {strides = array<i32>} : memref<157x2x128xi32, #tpu.memory_space<vmem>>, vector<1x1x16xi32>,
        %swap3A_1015 = vector.shape_cast %swap3A_1014 : vector<1x1x16xi32> to vector<16xi32>
        %swap3A_1016 = vector.shape_cast %add3A_1009 : vector<16xi32> to vector<1x1x16xi32>
        tpu.vector_store %arg6[%swap3A_1011, %swap3A_1012, %swap3A_1013], %swap3A_1016 {strides = array<i32>} : memref<157x2x128xi32, #tpu.memory_space<vmem>>, vector<1x1x16xi32>,
        %get3A_1017 = arith.constant 0 : i32
        %get3A_1018 = arith.index_cast %add3A_944 : i32 to index
        %get3A_1019 = arith.index_cast %get3A_1017 : i32 to index
        %get3A_1020 = arith.constant 64 : index
        %get3A_1021 = tpu.vector_load %arg6[%get3A_1018, %get3A_1019, %get3A_1020] {strides = array<i32>} : memref<157x2x128xi32, #tpu.memory_space<vmem>>, vector<1x1x16xi32>,
        %get3A_1022 = vector.shape_cast %get3A_1021 : vector<1x1x16xi32> to vector<16xi32>
        %mul3A_1023 = arith.constant 2 : i32
        %mul3A_1024 = vector.broadcast %mul3A_1023 : i32 to vector<16xi32>
        %mul3A_1025 = arith.muli %get3A_1022, %mul3A_1024 : vector<16xi32>
        %add3A_1026 = vector.broadcast %arg0 : i32 to vector<16xi32>
        %add3A_1027 = arith.addi %mul3A_1025, %add3A_1026 : vector<16xi32>
        %swap3A_1028 = arith.constant 0 : i32
        %swap3A_1029 = arith.index_cast %add3A_944 : i32 to index
        %swap3A_1030 = arith.index_cast %swap3A_1028 : i32 to index
        %swap3A_1031 = arith.constant 64 : index
        %swap3A_1032 = tpu.vector_load %arg6[%swap3A_1029, %swap3A_1030, %swap3A_1031] {strides = array<i32>} : memref<157x2x128xi32, #tpu.memory_space<vmem>>, vector<1x1x16xi32>,
        %swap3A_1033 = vector.shape_cast %swap3A_1032 : vector<1x1x16xi32> to vector<16xi32>
        %swap3A_1034 = vector.shape_cast %add3A_1027 : vector<16xi32> to vector<1x1x16xi32>
        tpu.vector_store %arg6[%swap3A_1029, %swap3A_1030, %swap3A_1031], %swap3A_1034 {strides = array<i32>} : memref<157x2x128xi32, #tpu.memory_space<vmem>>, vector<1x1x16xi32>,
        %get3A_1035 = arith.constant 0 : i32
        %get3A_1036 = arith.index_cast %add3A_944 : i32 to index
        %get3A_1037 = arith.index_cast %get3A_1035 : i32 to index
        %get3A_1038 = arith.constant 80 : index
        %get3A_1039 = tpu.vector_load %arg6[%get3A_1036, %get3A_1037, %get3A_1038] {strides = array<i32>} : memref<157x2x128xi32, #tpu.memory_space<vmem>>, vector<1x1x16xi32>,
        %get3A_1040 = vector.shape_cast %get3A_1039 : vector<1x1x16xi32> to vector<16xi32>
        %mul3A_1041 = arith.constant 2 : i32
        %mul3A_1042 = vector.broadcast %mul3A_1041 : i32 to vector<16xi32>
        %mul3A_1043 = arith.muli %get3A_1040, %mul3A_1042 : vector<16xi32>
        %add3A_1044 = vector.broadcast %arg0 : i32 to vector<16xi32>
        %add3A_1045 = arith.addi %mul3A_1043, %add3A_1044 : vector<16xi32>
        %swap3A_1046 = arith.constant 0 : i32
        %swap3A_1047 = arith.index_cast %add3A_944 : i32 to index
        %swap3A_1048 = arith.index_cast %swap3A_1046 : i32 to index
        %swap3A_1049 = arith.constant 80 : index
        %swap3A_1050 = tpu.vector_load %arg6[%swap3A_1047, %swap3A_1048, %swap3A_1049] {strides = array<i32>} : memref<157x2x128xi32, #tpu.memory_space<vmem>>, vector<1x1x16xi32>,
        %swap3A_1051 = vector.shape_cast %swap3A_1050 : vector<1x1x16xi32> to vector<16xi32>
        %swap3A_1052 = vector.shape_cast %add3A_1045 : vector<16xi32> to vector<1x1x16xi32>
        tpu.vector_store %arg6[%swap3A_1047, %swap3A_1048, %swap3A_1049], %swap3A_1052 {strides = array<i32>} : memref<157x2x128xi32, #tpu.memory_space<vmem>>, vector<1x1x16xi32>,
        %get3A_1053 = arith.constant 0 : i32
        %get3A_1054 = arith.index_cast %add3A_944 : i32 to index
        %get3A_1055 = arith.index_cast %get3A_1053 : i32 to index
        %get3A_1056 = arith.constant 96 : index
        %get3A_1057 = tpu.vector_load %arg6[%get3A_1054, %get3A_1055, %get3A_1056] {strides = array<i32>} : memref<157x2x128xi32, #tpu.memory_space<vmem>>, vector<1x1x16xi32>,
        %get3A_1058 = vector.shape_cast %get3A_1057 : vector<1x1x16xi32> to vector<16xi32>
        %mul3A_1059 = arith.constant 2 : i32
        %mul3A_1060 = vector.broadcast %mul3A_1059 : i32 to vector<16xi32>
        %mul3A_1061 = arith.muli %get3A_1058, %mul3A_1060 : vector<16xi32>
        %add3A_1062 = vector.broadcast %arg0 : i32 to vector<16xi32>
        %add3A_1063 = arith.addi %mul3A_1061, %add3A_1062 : vector<16xi32>
        %swap3A_1064 = arith.constant 0 : i32
        %swap3A_1065 = arith.index_cast %add3A_944 : i32 to index
        %swap3A_1066 = arith.index_cast %swap3A_1064 : i32 to index
        %swap3A_1067 = arith.constant 96 : index
        %swap3A_1068 = tpu.vector_load %arg6[%swap3A_1065, %swap3A_1066, %swap3A_1067] {strides = array<i32>} : memref<157x2x128xi32, #tpu.memory_space<vmem>>, vector<1x1x16xi32>,
        %swap3A_1069 = vector.shape_cast %swap3A_1068 : vector<1x1x16xi32> to vector<16xi32>
        %swap3A_1070 = vector.shape_cast %add3A_1063 : vector<16xi32> to vector<1x1x16xi32>
        tpu.vector_store %arg6[%swap3A_1065, %swap3A_1066, %swap3A_1067], %swap3A_1070 {strides = array<i32>} : memref<157x2x128xi32, #tpu.memory_space<vmem>>, vector<1x1x16xi32>,
        %get3A_1071 = arith.constant 0 : i32
        %get3A_1072 = arith.index_cast %add3A_944 : i32 to index
        %get3A_1073 = arith.index_cast %get3A_1071 : i32 to index
        %get3A_1074 = arith.constant 112 : index
        %get3A_1075 = tpu.vector_load %arg6[%get3A_1072, %get3A_1073, %get3A_1074] {strides = array<i32>} : memref<157x2x128xi32, #tpu.memory_space<vmem>>, vector<1x1x16xi32>,
        %get3A_1076 = vector.shape_cast %get3A_1075 : vector<1x1x16xi32> to vector<16xi32>
        %mul3A_1077 = arith.constant 2 : i32
        %mul3A_1078 = vector.broadcast %mul3A_1077 : i32 to vector<16xi32>
        %mul3A_1079 = arith.muli %get3A_1076, %mul3A_1078 : vector<16xi32>
        %add3A_1080 = vector.broadcast %arg0 : i32 to vector<16xi32>
        %add3A_1081 = arith.addi %mul3A_1079, %add3A_1080 : vector<16xi32>
        %swap3A_1082 = arith.constant 0 : i32
        %swap3A_1083 = arith.index_cast %add3A_944 : i32 to index
        %swap3A_1084 = arith.index_cast %swap3A_1082 : i32 to index
        %swap3A_1085 = arith.constant 112 : index
        %swap3A_1086 = tpu.vector_load %arg6[%swap3A_1083, %swap3A_1084, %swap3A_1085] {strides = array<i32>} : memref<157x2x128xi32, #tpu.memory_space<vmem>>, vector<1x1x16xi32>,
        %swap3A_1087 = vector.shape_cast %swap3A_1086 : vector<1x1x16xi32> to vector<16xi32>
        %swap3A_1088 = vector.shape_cast %add3A_1081 : vector<16xi32> to vector<1x1x16xi32>
        tpu.vector_store %arg6[%swap3A_1083, %swap3A_1084, %swap3A_1085], %swap3A_1088 {strides = array<i32>} : memref<157x2x128xi32, #tpu.memory_space<vmem>>, vector<1x1x16xi32>,
        %add3A_1089 = arith.constant 3 : i32
        %add3A_1090 = arith.addi %add3A_763, %add3A_1089 : i32
        %dma_wait3A_1091 = arith.constant 3 : i32
        %dma_wait3A_1092 = arith.constant 1 : i32
        %dma_wait3A_1093 = arith.constant 3 : i32
        %dma_wait3A_1094 = arith.constant 0 : i32
        %dma_wait3A_1095 = arith.constant 0 : i32
        %dma_wait3A_1096 = tpu.memref_slice %arg7[%dma_wait3A_1091, %dma_wait3A_1094, %dma_wait3A_1095] : memref<4x128x64xf32, #tpu.memory_space<vmem>> -> memref<1x128x64xf32, #tpu.memory_space<vmem>>
        %dma_wait3A_1097 = tpu.memref_squeeze %dma_wait3A_1096 : memref<1x128x64xf32, #tpu.memory_space<vmem>> -> memref<128x64xf32, #tpu.memory_space<vmem>>
        %dma_wait3A_1098 = arith.constant 0 : i32
        %dma_wait3A_1099 = tpu.memref_slice %arg6[%add3A_1090, %dma_wait3A_1092, %dma_wait3A_1098] : memref<157x2x128xi32, #tpu.memory_space<vmem>> -> memref<1x1x128xi32, #tpu.memory_space<vmem>>
        %dma_wait3A_1100 = tpu.memref_squeeze %dma_wait3A_1099 : memref<1x1x128xi32, #tpu.memory_space<vmem>> -> memref<128xi32, #tpu.memory_space<vmem>>
        %dma_wait3A_1101 = arith.constant 0 : i32
        %dma_wait3A_1102 = arith.constant 0 : i32
        %dma_wait3A_1103 = tpu.memref_slice %arg8[%dma_wait3A_1101, %dma_wait3A_1102] : memref<10240x64xf32, #tpu.memory_space<vmem_shared>> -> memref<10240x64xf32, #tpu.memory_space<vmem_shared>>
        %dma_wait3A_1104 = tpu.memref_slice %arg10[%dma_wait3A_1093] : memref<4x!tpu.dma_semaphore, #tpu.memory_space<semaphore_mem>> -> memref<1x!tpu.dma_semaphore, #tpu.memory_space<semaphore_mem>>
        %dma_wait3A_1105 = tpu.memref_squeeze %dma_wait3A_1104 : memref<1x!tpu.dma_semaphore, #tpu.memory_space<semaphore_mem>> -> memref<!tpu.dma_semaphore, #tpu.memory_space<semaphore_mem>>
        tpu.wait_indirect_dma semaphore(%dma_wait3A_1105 : memref<!tpu.dma_semaphore, #tpu.memory_space<semaphore_mem>>) src(%dma_wait3A_1097 : memref<128x64xf32, #tpu.memory_space<vmem>>) dst(%dma_wait3A_1103 : memref<10240x64xf32, #tpu.memory_space<vmem_shared>>)
        %add3A_1106 = arith.addi %add3A_938, %select_n3A_12 : i32
        %dma_start3A_1107 = arith.constant 0 : i32
        %dma_start3A_1108 = arith.constant 3 : i32
        %dma_start3A_1109 = arith.constant 3 : i32
        %dma_start3A_1110 = arith.constant 0 : i32
        %dma_start3A_1111 = arith.constant 0 : i32
        %dma_start3A_1112 = tpu.memref_slice %arg7[%dma_start3A_1108, %dma_start3A_1110, %dma_start3A_1111] : memref<4x128x64xf32, #tpu.memory_space<vmem>> -> memref<1x128x64xf32, #tpu.memory_space<vmem>>
        %dma_start3A_1113 = tpu.memref_squeeze %dma_start3A_1112 : memref<1x128x64xf32, #tpu.memory_space<vmem>> -> memref<128x64xf32, #tpu.memory_space<vmem>>
        %dma_start3A_1114 = arith.constant 0 : i32
        %dma_start3A_1115 = tpu.memref_slice %arg6[%add3A_1106, %dma_start3A_1107, %dma_start3A_1114] : memref<157x2x128xi32, #tpu.memory_space<vmem>> -> memref<1x1x128xi32, #tpu.memory_space<vmem>>
        %dma_start3A_1116 = tpu.memref_squeeze %dma_start3A_1115 : memref<1x1x128xi32, #tpu.memory_space<vmem>> -> memref<128xi32, #tpu.memory_space<vmem>>
        %dma_start3A_1117 = arith.constant 0 : i32
        %dma_start3A_1118 = arith.constant 0 : i32
        %dma_start3A_1119 = tpu.memref_slice %arg2[%dma_start3A_1117, %dma_start3A_1118] : memref<20000x64xf32, #tpu.memory_space<hbm>> -> memref<20000x64xf32, #tpu.memory_space<hbm>>
        %dma_start3A_1120 = tpu.memref_slice %arg9[%dma_start3A_1109] : memref<4x!tpu.dma_semaphore, #tpu.memory_space<semaphore_mem>> -> memref<1x!tpu.dma_semaphore, #tpu.memory_space<semaphore_mem>>
        %dma_start3A_1121 = tpu.memref_squeeze %dma_start3A_1120 : memref<1x!tpu.dma_semaphore, #tpu.memory_space<semaphore_mem>> -> memref<!tpu.dma_semaphore, #tpu.memory_space<semaphore_mem>>
        tpu.enqueue_indirect_dma source(%dma_start3A_1119 : memref<20000x64xf32, #tpu.memory_space<hbm>>) target(%dma_start3A_1113 : memref<128x64xf32, #tpu.memory_space<vmem>>) offsets(%dma_start3A_1116 : memref<128xi32, #tpu.memory_space<vmem>>) semaphore(%dma_start3A_1121 : memref<!tpu.dma_semaphore, #tpu.memory_space<semaphore_mem>>)
      } else {
      }
    }
    %scan3A_677 = arith.constant 39 : i32
    %add3A_678 = arith.constant 152 : i32
    %add3A_679 = arith.addi %add3A_678, %select_n3A_12 : i32
    %dma_wait3A_680 = arith.constant 0 : i32
    %dma_wait3A_681 = arith.constant 1 : i32
    %dma_wait3A_682 = arith.constant 0 : i32
    %dma_wait3A_683 = arith.constant 0 : i32
    %dma_wait3A_684 = arith.constant 0 : i32
    %dma_wait3A_685 = tpu.memref_slice %arg7[%dma_wait3A_680, %dma_wait3A_683, %dma_wait3A_684] : memref<4x128x64xf32, #tpu.memory_space<vmem>> -> memref<1x128x64xf32, #tpu.memory_space<vmem>>
    %dma_wait3A_686 = tpu.memref_squeeze %dma_wait3A_685 : memref<1x128x64xf32, #tpu.memory_space<vmem>> -> memref<128x64xf32, #tpu.memory_space<vmem>>
    %dma_wait3A_687 = arith.constant 0 : i32
    %dma_wait3A_688 = tpu.memref_slice %arg6[%add3A_679, %dma_wait3A_681, %dma_wait3A_687] : memref<157x2x128xi32, #tpu.memory_space<vmem>> -> memref<1x1x128xi32, #tpu.memory_space<vmem>>
    %dma_wait3A_689 = tpu.memref_squeeze %dma_wait3A_688 : memref<1x1x128xi32, #tpu.memory_space<vmem>> -> memref<128xi32, #tpu.memory_space<vmem>>
    %dma_wait3A_690 = arith.constant 0 : i32
    %dma_wait3A_691 = arith.constant 0 : i32
    %dma_wait3A_692 = tpu.memref_slice %arg8[%dma_wait3A_690, %dma_wait3A_691] : memref<10240x64xf32, #tpu.memory_space<vmem_shared>> -> memref<10240x64xf32, #tpu.memory_space<vmem_shared>>
    %dma_wait3A_693 = tpu.memref_slice %arg10[%dma_wait3A_682] : memref<4x!tpu.dma_semaphore, #tpu.memory_space<semaphore_mem>> -> memref<1x!tpu.dma_semaphore, #tpu.memory_space<semaphore_mem>>
    %dma_wait3A_694 = tpu.memref_squeeze %dma_wait3A_693 : memref<1x!tpu.dma_semaphore, #tpu.memory_space<semaphore_mem>> -> memref<!tpu.dma_semaphore, #tpu.memory_space<semaphore_mem>>
    tpu.wait_indirect_dma semaphore(%dma_wait3A_694 : memref<!tpu.dma_semaphore, #tpu.memory_space<semaphore_mem>>) src(%dma_wait3A_686 : memref<128x64xf32, #tpu.memory_space<vmem>>) dst(%dma_wait3A_692 : memref<10240x64xf32, #tpu.memory_space<vmem_shared>>)
    %add3A_695 = arith.constant 153 : i32
    %add3A_696 = arith.addi %add3A_695, %select_n3A_12 : i32
    %dma_wait3A_697 = arith.constant 1 : i32
    %dma_wait3A_698 = arith.constant 1 : i32
    %dma_wait3A_699 = arith.constant 1 : i32
    %dma_wait3A_700 = arith.constant 0 : i32
    %dma_wait3A_701 = arith.constant 0 : i32
    %dma_wait3A_702 = tpu.memref_slice %arg7[%dma_wait3A_697, %dma_wait3A_700, %dma_wait3A_701] : memref<4x128x64xf32, #tpu.memory_space<vmem>> -> memref<1x128x64xf32, #tpu.memory_space<vmem>>
    %dma_wait3A_703 = tpu.memref_squeeze %dma_wait3A_702 : memref<1x128x64xf32, #tpu.memory_space<vmem>> -> memref<128x64xf32, #tpu.memory_space<vmem>>
    %dma_wait3A_704 = arith.constant 0 : i32
    %dma_wait3A_705 = tpu.memref_slice %arg6[%add3A_696, %dma_wait3A_698, %dma_wait3A_704] : memref<157x2x128xi32, #tpu.memory_space<vmem>> -> memref<1x1x128xi32, #tpu.memory_space<vmem>>
    %dma_wait3A_706 = tpu.memref_squeeze %dma_wait3A_705 : memref<1x1x128xi32, #tpu.memory_space<vmem>> -> memref<128xi32, #tpu.memory_space<vmem>>
    %dma_wait3A_707 = arith.constant 0 : i32
    %dma_wait3A_708 = arith.constant 0 : i32
    %dma_wait3A_709 = tpu.memref_slice %arg8[%dma_wait3A_707, %dma_wait3A_708] : memref<10240x64xf32, #tpu.memory_space<vmem_shared>> -> memref<10240x64xf32, #tpu.memory_space<vmem_shared>>
    %dma_wait3A_710 = tpu.memref_slice %arg10[%dma_wait3A_699] : memref<4x!tpu.dma_semaphore, #tpu.memory_space<semaphore_mem>> -> memref<1x!tpu.dma_semaphore, #tpu.memory_space<semaphore_mem>>
    %dma_wait3A_711 = tpu.memref_squeeze %dma_wait3A_710 : memref<1x!tpu.dma_semaphore, #tpu.memory_space<semaphore_mem>> -> memref<!tpu.dma_semaphore, #tpu.memory_space<semaphore_mem>>
    tpu.wait_indirect_dma semaphore(%dma_wait3A_711 : memref<!tpu.dma_semaphore, #tpu.memory_space<semaphore_mem>>) src(%dma_wait3A_703 : memref<128x64xf32, #tpu.memory_space<vmem>>) dst(%dma_wait3A_709 : memref<10240x64xf32, #tpu.memory_space<vmem_shared>>)
    %add3A_712 = arith.constant 154 : i32
    %add3A_713 = arith.addi %add3A_712, %select_n3A_12 : i32
    %dma_wait3A_714 = arith.constant 2 : i32
    %dma_wait3A_715 = arith.constant 1 : i32
    %dma_wait3A_716 = arith.constant 2 : i32
    %dma_wait3A_717 = arith.constant 0 : i32
    %dma_wait3A_718 = arith.constant 0 : i32
    %dma_wait3A_719 = tpu.memref_slice %arg7[%dma_wait3A_714, %dma_wait3A_717, %dma_wait3A_718] : memref<4x128x64xf32, #tpu.memory_space<vmem>> -> memref<1x128x64xf32, #tpu.memory_space<vmem>>
    %dma_wait3A_720 = tpu.memref_squeeze %dma_wait3A_719 : memref<1x128x64xf32, #tpu.memory_space<vmem>> -> memref<128x64xf32, #tpu.memory_space<vmem>>
    %dma_wait3A_721 = arith.constant 0 : i32
    %dma_wait3A_722 = tpu.memref_slice %arg6[%add3A_713, %dma_wait3A_715, %dma_wait3A_721] : memref<157x2x128xi32, #tpu.memory_space<vmem>> -> memref<1x1x128xi32, #tpu.memory_space<vmem>>
    %dma_wait3A_723 = tpu.memref_squeeze %dma_wait3A_722 : memref<1x1x128xi32, #tpu.memory_space<vmem>> -> memref<128xi32, #tpu.memory_space<vmem>>
    %dma_wait3A_724 = arith.constant 0 : i32
    %dma_wait3A_725 = arith.constant 0 : i32
    %dma_wait3A_726 = tpu.memref_slice %arg8[%dma_wait3A_724, %dma_wait3A_725] : memref<10240x64xf32, #tpu.memory_space<vmem_shared>> -> memref<10240x64xf32, #tpu.memory_space<vmem_shared>>
    %dma_wait3A_727 = tpu.memref_slice %arg10[%dma_wait3A_716] : memref<4x!tpu.dma_semaphore, #tpu.memory_space<semaphore_mem>> -> memref<1x!tpu.dma_semaphore, #tpu.memory_space<semaphore_mem>>
    %dma_wait3A_728 = tpu.memref_squeeze %dma_wait3A_727 : memref<1x!tpu.dma_semaphore, #tpu.memory_space<semaphore_mem>> -> memref<!tpu.dma_semaphore, #tpu.memory_space<semaphore_mem>>
    tpu.wait_indirect_dma semaphore(%dma_wait3A_728 : memref<!tpu.dma_semaphore, #tpu.memory_space<semaphore_mem>>) src(%dma_wait3A_720 : memref<128x64xf32, #tpu.memory_space<vmem>>) dst(%dma_wait3A_726 : memref<10240x64xf32, #tpu.memory_space<vmem_shared>>)
    %add3A_729 = arith.constant 155 : i32
    %add3A_730 = arith.addi %add3A_729, %select_n3A_12 : i32
    %dma_wait3A_731 = arith.constant 3 : i32
    %dma_wait3A_732 = arith.constant 1 : i32
    %dma_wait3A_733 = arith.constant 3 : i32
    %dma_wait3A_734 = arith.constant 0 : i32
    %dma_wait3A_735 = arith.constant 0 : i32
    %dma_wait3A_736 = tpu.memref_slice %arg7[%dma_wait3A_731, %dma_wait3A_734, %dma_wait3A_735] : memref<4x128x64xf32, #tpu.memory_space<vmem>> -> memref<1x128x64xf32, #tpu.memory_space<vmem>>
    %dma_wait3A_737 = tpu.memref_squeeze %dma_wait3A_736 : memref<1x128x64xf32, #tpu.memory_space<vmem>> -> memref<128x64xf32, #tpu.memory_space<vmem>>
    %dma_wait3A_738 = arith.constant 0 : i32
    %dma_wait3A_739 = tpu.memref_slice %arg6[%add3A_730, %dma_wait3A_732, %dma_wait3A_738] : memref<157x2x128xi32, #tpu.memory_space<vmem>> -> memref<1x1x128xi32, #tpu.memory_space<vmem>>
    %dma_wait3A_740 = tpu.memref_squeeze %dma_wait3A_739 : memref<1x1x128xi32, #tpu.memory_space<vmem>> -> memref<128xi32, #tpu.memory_space<vmem>>
    %dma_wait3A_741 = arith.constant 0 : i32
    %dma_wait3A_742 = arith.constant 0 : i32
    %dma_wait3A_743 = tpu.memref_slice %arg8[%dma_wait3A_741, %dma_wait3A_742] : memref<10240x64xf32, #tpu.memory_space<vmem_shared>> -> memref<10240x64xf32, #tpu.memory_space<vmem_shared>>
    %dma_wait3A_744 = tpu.memref_slice %arg10[%dma_wait3A_733] : memref<4x!tpu.dma_semaphore, #tpu.memory_space<semaphore_mem>> -> memref<1x!tpu.dma_semaphore, #tpu.memory_space<semaphore_mem>>
    %dma_wait3A_745 = tpu.memref_squeeze %dma_wait3A_744 : memref<1x!tpu.dma_semaphore, #tpu.memory_space<semaphore_mem>> -> memref<!tpu.dma_semaphore, #tpu.memory_space<semaphore_mem>>
    tpu.wait_indirect_dma semaphore(%dma_wait3A_745 : memref<!tpu.dma_semaphore, #tpu.memory_space<semaphore_mem>>) src(%dma_wait3A_737 : memref<128x64xf32, #tpu.memory_space<vmem>>) dst(%dma_wait3A_743 : memref<10240x64xf32, #tpu.memory_space<vmem_shared>>)
    %lt3A_746 = arith.constant 4 : i32
    %lt3A_747 = arith.cmpi slt, %arg1, %lt3A_746 : i32
    %convert_element_type3A = arith.extui %lt3A_747 : i1 to i32
    %cond3A = arith.constant 0 : i32
    %cond3A_748 = arith.cmpi ne, %convert_element_type3A, %cond3A : i32
    scf.if %cond3A_748 {
      %get3A_760 = arith.constant 156 : i32
      %get3A_761 = arith.constant 0 : i32
      %get3A_762 = arith.index_cast %get3A_760 : i32 to index
      %get3A_763 = arith.index_cast %get3A_761 : i32 to index
      %get3A_764 = arith.constant 0 : index
      %get3A_765 = tpu.vector_load %arg6[%get3A_762, %get3A_763, %get3A_764] {strides = array<i32>} : memref<157x2x128xi32, #tpu.memory_space<vmem>>, vector<1x1x16xi32>,
      %get3A_766 = vector.shape_cast %get3A_765 : vector<1x1x16xi32> to vector<16xi32>
      %mul3A_767 = arith.constant 2 : i32
      %mul3A_768 = vector.broadcast %mul3A_767 : i32 to vector<16xi32>
      %mul3A_769 = arith.muli %get3A_766, %mul3A_768 : vector<16xi32>
      %add3A_770 = vector.broadcast %arg0 : i32 to vector<16xi32>
      %add3A_771 = arith.addi %mul3A_769, %add3A_770 : vector<16xi32>
      %swap3A_772 = arith.constant 156 : i32
      %swap3A_773 = arith.constant 0 : i32
      %swap3A_774 = arith.index_cast %swap3A_772 : i32 to index
      %swap3A_775 = arith.index_cast %swap3A_773 : i32 to index
      %swap3A_776 = arith.constant 0 : index
      %swap3A_777 = tpu.vector_load %arg6[%swap3A_774, %swap3A_775, %swap3A_776] {strides = array<i32>} : memref<157x2x128xi32, #tpu.memory_space<vmem>>, vector<1x1x16xi32>,
      %swap3A_778 = vector.shape_cast %swap3A_777 : vector<1x1x16xi32> to vector<16xi32>
      %swap3A_779 = vector.shape_cast %add3A_771 : vector<16xi32> to vector<1x1x16xi32>
      tpu.vector_store %arg6[%swap3A_774, %swap3A_775, %swap3A_776], %swap3A_779 {strides = array<i32>} : memref<157x2x128xi32, #tpu.memory_space<vmem>>, vector<1x1x16xi32>,
      %get3A_780 = arith.constant 156 : i32
      %get3A_781 = arith.constant 0 : i32
      %get3A_782 = arith.index_cast %get3A_780 : i32 to index
      %get3A_783 = arith.index_cast %get3A_781 : i32 to index
      %get3A_784 = arith.constant 16 : index
      %get3A_785 = tpu.vector_load %arg6[%get3A_782, %get3A_783, %get3A_784] {strides = array<i32>} : memref<157x2x128xi32, #tpu.memory_space<vmem>>, vector<1x1x16xi32>,
      %get3A_786 = vector.shape_cast %get3A_785 : vector<1x1x16xi32> to vector<16xi32>
      %mul3A_787 = arith.constant 2 : i32
      %mul3A_788 = vector.broadcast %mul3A_787 : i32 to vector<16xi32>
      %mul3A_789 = arith.muli %get3A_786, %mul3A_788 : vector<16xi32>
      %add3A_790 = vector.broadcast %arg0 : i32 to vector<16xi32>
      %add3A_791 = arith.addi %mul3A_789, %add3A_790 : vector<16xi32>
      %swap3A_792 = arith.constant 156 : i32
      %swap3A_793 = arith.constant 0 : i32
      %swap3A_794 = arith.index_cast %swap3A_792 : i32 to index
      %swap3A_795 = arith.index_cast %swap3A_793 : i32 to index
      %swap3A_796 = arith.constant 16 : index
      %swap3A_797 = tpu.vector_load %arg6[%swap3A_794, %swap3A_795, %swap3A_796] {strides = array<i32>} : memref<157x2x128xi32, #tpu.memory_space<vmem>>, vector<1x1x16xi32>,
      %swap3A_798 = vector.shape_cast %swap3A_797 : vector<1x1x16xi32> to vector<16xi32>
      %swap3A_799 = vector.shape_cast %add3A_791 : vector<16xi32> to vector<1x1x16xi32>
      tpu.vector_store %arg6[%swap3A_794, %swap3A_795, %swap3A_796], %swap3A_799 {strides = array<i32>} : memref<157x2x128xi32, #tpu.memory_space<vmem>>, vector<1x1x16xi32>,
      %get3A_800 = arith.constant 156 : i32
      %get3A_801 = arith.constant 0 : i32
      %get3A_802 = arith.index_cast %get3A_800 : i32 to index
      %get3A_803 = arith.index_cast %get3A_801 : i32 to index
      %get3A_804 = arith.constant 32 : index
      %get3A_805 = tpu.vector_load %arg6[%get3A_802, %get3A_803, %get3A_804] {strides = array<i32>} : memref<157x2x128xi32, #tpu.memory_space<vmem>>, vector<1x1x16xi32>,
      %get3A_806 = vector.shape_cast %get3A_805 : vector<1x1x16xi32> to vector<16xi32>
      %mul3A_807 = arith.constant 2 : i32
      %mul3A_808 = vector.broadcast %mul3A_807 : i32 to vector<16xi32>
      %mul3A_809 = arith.muli %get3A_806, %mul3A_808 : vector<16xi32>
      %add3A_810 = vector.broadcast %arg0 : i32 to vector<16xi32>
      %add3A_811 = arith.addi %mul3A_809, %add3A_810 : vector<16xi32>
      %swap3A_812 = arith.constant 156 : i32
      %swap3A_813 = arith.constant 0 : i32
      %swap3A_814 = arith.index_cast %swap3A_812 : i32 to index
      %swap3A_815 = arith.index_cast %swap3A_813 : i32 to index
      %swap3A_816 = arith.constant 32 : index
      %swap3A_817 = tpu.vector_load %arg6[%swap3A_814, %swap3A_815, %swap3A_816] {strides = array<i32>} : memref<157x2x128xi32, #tpu.memory_space<vmem>>, vector<1x1x16xi32>,
      %swap3A_818 = vector.shape_cast %swap3A_817 : vector<1x1x16xi32> to vector<16xi32>
      %swap3A_819 = vector.shape_cast %add3A_811 : vector<16xi32> to vector<1x1x16xi32>
      tpu.vector_store %arg6[%swap3A_814, %swap3A_815, %swap3A_816], %swap3A_819 {strides = array<i32>} : memref<157x2x128xi32, #tpu.memory_space<vmem>>, vector<1x1x16xi32>,
      %get3A_820 = arith.constant 156 : i32
      %get3A_821 = arith.constant 0 : i32
      %get3A_822 = arith.index_cast %get3A_820 : i32 to index
      %get3A_823 = arith.index_cast %get3A_821 : i32 to index
      %get3A_824 = arith.constant 48 : index
      %get3A_825 = tpu.vector_load %arg6[%get3A_822, %get3A_823, %get3A_824] {strides = array<i32>} : memref<157x2x128xi32, #tpu.memory_space<vmem>>, vector<1x1x16xi32>,
      %get3A_826 = vector.shape_cast %get3A_825 : vector<1x1x16xi32> to vector<16xi32>
      %mul3A_827 = arith.constant 2 : i32
      %mul3A_828 = vector.broadcast %mul3A_827 : i32 to vector<16xi32>
      %mul3A_829 = arith.muli %get3A_826, %mul3A_828 : vector<16xi32>
      %add3A_830 = vector.broadcast %arg0 : i32 to vector<16xi32>
      %add3A_831 = arith.addi %mul3A_829, %add3A_830 : vector<16xi32>
      %swap3A_832 = arith.constant 156 : i32
      %swap3A_833 = arith.constant 0 : i32
      %swap3A_834 = arith.index_cast %swap3A_832 : i32 to index
      %swap3A_835 = arith.index_cast %swap3A_833 : i32 to index
      %swap3A_836 = arith.constant 48 : index
      %swap3A_837 = tpu.vector_load %arg6[%swap3A_834, %swap3A_835, %swap3A_836] {strides = array<i32>} : memref<157x2x128xi32, #tpu.memory_space<vmem>>, vector<1x1x16xi32>,
      %swap3A_838 = vector.shape_cast %swap3A_837 : vector<1x1x16xi32> to vector<16xi32>
      %swap3A_839 = vector.shape_cast %add3A_831 : vector<16xi32> to vector<1x1x16xi32>
      tpu.vector_store %arg6[%swap3A_834, %swap3A_835, %swap3A_836], %swap3A_839 {strides = array<i32>} : memref<157x2x128xi32, #tpu.memory_space<vmem>>, vector<1x1x16xi32>,
      %get3A_840 = arith.constant 156 : i32
      %get3A_841 = arith.constant 0 : i32
      %get3A_842 = arith.index_cast %get3A_840 : i32 to index
      %get3A_843 = arith.index_cast %get3A_841 : i32 to index
      %get3A_844 = arith.constant 64 : index
      %get3A_845 = tpu.vector_load %arg6[%get3A_842, %get3A_843, %get3A_844] {strides = array<i32>} : memref<157x2x128xi32, #tpu.memory_space<vmem>>, vector<1x1x16xi32>,
      %get3A_846 = vector.shape_cast %get3A_845 : vector<1x1x16xi32> to vector<16xi32>
      %mul3A_847 = arith.constant 2 : i32
      %mul3A_848 = vector.broadcast %mul3A_847 : i32 to vector<16xi32>
      %mul3A_849 = arith.muli %get3A_846, %mul3A_848 : vector<16xi32>
      %add3A_850 = vector.broadcast %arg0 : i32 to vector<16xi32>
      %add3A_851 = arith.addi %mul3A_849, %add3A_850 : vector<16xi32>
      %swap3A_852 = arith.constant 156 : i32
      %swap3A_853 = arith.constant 0 : i32
      %swap3A_854 = arith.index_cast %swap3A_852 : i32 to index
      %swap3A_855 = arith.index_cast %swap3A_853 : i32 to index
      %swap3A_856 = arith.constant 64 : index
      %swap3A_857 = tpu.vector_load %arg6[%swap3A_854, %swap3A_855, %swap3A_856] {strides = array<i32>} : memref<157x2x128xi32, #tpu.memory_space<vmem>>, vector<1x1x16xi32>,
      %swap3A_858 = vector.shape_cast %swap3A_857 : vector<1x1x16xi32> to vector<16xi32>
      %swap3A_859 = vector.shape_cast %add3A_851 : vector<16xi32> to vector<1x1x16xi32>
      tpu.vector_store %arg6[%swap3A_854, %swap3A_855, %swap3A_856], %swap3A_859 {strides = array<i32>} : memref<157x2x128xi32, #tpu.memory_space<vmem>>, vector<1x1x16xi32>,
      %get3A_860 = arith.constant 156 : i32
      %get3A_861 = arith.constant 0 : i32
      %get3A_862 = arith.index_cast %get3A_860 : i32 to index
      %get3A_863 = arith.index_cast %get3A_861 : i32 to index
      %get3A_864 = arith.constant 80 : index
      %get3A_865 = tpu.vector_load %arg6[%get3A_862, %get3A_863, %get3A_864] {strides = array<i32>} : memref<157x2x128xi32, #tpu.memory_space<vmem>>, vector<1x1x16xi32>,
      %get3A_866 = vector.shape_cast %get3A_865 : vector<1x1x16xi32> to vector<16xi32>
      %mul3A_867 = arith.constant 2 : i32
      %mul3A_868 = vector.broadcast %mul3A_867 : i32 to vector<16xi32>
      %mul3A_869 = arith.muli %get3A_866, %mul3A_868 : vector<16xi32>
      %add3A_870 = vector.broadcast %arg0 : i32 to vector<16xi32>
      %add3A_871 = arith.addi %mul3A_869, %add3A_870 : vector<16xi32>
      %swap3A_872 = arith.constant 156 : i32
      %swap3A_873 = arith.constant 0 : i32
      %swap3A_874 = arith.index_cast %swap3A_872 : i32 to index
      %swap3A_875 = arith.index_cast %swap3A_873 : i32 to index
      %swap3A_876 = arith.constant 80 : index
      %swap3A_877 = tpu.vector_load %arg6[%swap3A_874, %swap3A_875, %swap3A_876] {strides = array<i32>} : memref<157x2x128xi32, #tpu.memory_space<vmem>>, vector<1x1x16xi32>,
      %swap3A_878 = vector.shape_cast %swap3A_877 : vector<1x1x16xi32> to vector<16xi32>
      %swap3A_879 = vector.shape_cast %add3A_871 : vector<16xi32> to vector<1x1x16xi32>
      tpu.vector_store %arg6[%swap3A_874, %swap3A_875, %swap3A_876], %swap3A_879 {strides = array<i32>} : memref<157x2x128xi32, #tpu.memory_space<vmem>>, vector<1x1x16xi32>,
      %get3A_880 = arith.constant 156 : i32
      %get3A_881 = arith.constant 0 : i32
      %get3A_882 = arith.index_cast %get3A_880 : i32 to index
      %get3A_883 = arith.index_cast %get3A_881 : i32 to index
      %get3A_884 = arith.constant 96 : index
      %get3A_885 = tpu.vector_load %arg6[%get3A_882, %get3A_883, %get3A_884] {strides = array<i32>} : memref<157x2x128xi32, #tpu.memory_space<vmem>>, vector<1x1x16xi32>,
      %get3A_886 = vector.shape_cast %get3A_885 : vector<1x1x16xi32> to vector<16xi32>
      %mul3A_887 = arith.constant 2 : i32
      %mul3A_888 = vector.broadcast %mul3A_887 : i32 to vector<16xi32>
      %mul3A_889 = arith.muli %get3A_886, %mul3A_888 : vector<16xi32>
      %add3A_890 = vector.broadcast %arg0 : i32 to vector<16xi32>
      %add3A_891 = arith.addi %mul3A_889, %add3A_890 : vector<16xi32>
      %swap3A_892 = arith.constant 156 : i32
      %swap3A_893 = arith.constant 0 : i32
      %swap3A_894 = arith.index_cast %swap3A_892 : i32 to index
      %swap3A_895 = arith.index_cast %swap3A_893 : i32 to index
      %swap3A_896 = arith.constant 96 : index
      %swap3A_897 = tpu.vector_load %arg6[%swap3A_894, %swap3A_895, %swap3A_896] {strides = array<i32>} : memref<157x2x128xi32, #tpu.memory_space<vmem>>, vector<1x1x16xi32>,
      %swap3A_898 = vector.shape_cast %swap3A_897 : vector<1x1x16xi32> to vector<16xi32>
      %swap3A_899 = vector.shape_cast %add3A_891 : vector<16xi32> to vector<1x1x16xi32>
      tpu.vector_store %arg6[%swap3A_894, %swap3A_895, %swap3A_896], %swap3A_899 {strides = array<i32>} : memref<157x2x128xi32, #tpu.memory_space<vmem>>, vector<1x1x16xi32>,
      %get3A_900 = arith.constant 156 : i32
      %get3A_901 = arith.constant 0 : i32
      %get3A_902 = arith.index_cast %get3A_900 : i32 to index
      %get3A_903 = arith.index_cast %get3A_901 : i32 to index
      %get3A_904 = arith.constant 112 : index
      %get3A_905 = tpu.vector_load %arg6[%get3A_902, %get3A_903, %get3A_904] {strides = array<i32>} : memref<157x2x128xi32, #tpu.memory_space<vmem>>, vector<1x1x16xi32>,
      %get3A_906 = vector.shape_cast %get3A_905 : vector<1x1x16xi32> to vector<16xi32>
      %mul3A_907 = arith.constant 2 : i32
      %mul3A_908 = vector.broadcast %mul3A_907 : i32 to vector<16xi32>
      %mul3A_909 = arith.muli %get3A_906, %mul3A_908 : vector<16xi32>
      %add3A_910 = vector.broadcast %arg0 : i32 to vector<16xi32>
      %add3A_911 = arith.addi %mul3A_909, %add3A_910 : vector<16xi32>
      %swap3A_912 = arith.constant 156 : i32
      %swap3A_913 = arith.constant 0 : i32
      %swap3A_914 = arith.index_cast %swap3A_912 : i32 to index
      %swap3A_915 = arith.index_cast %swap3A_913 : i32 to index
      %swap3A_916 = arith.constant 112 : index
      %swap3A_917 = tpu.vector_load %arg6[%swap3A_914, %swap3A_915, %swap3A_916] {strides = array<i32>} : memref<157x2x128xi32, #tpu.memory_space<vmem>>, vector<1x1x16xi32>,
      %swap3A_918 = vector.shape_cast %swap3A_917 : vector<1x1x16xi32> to vector<16xi32>
      %swap3A_919 = vector.shape_cast %add3A_911 : vector<16xi32> to vector<1x1x16xi32>
      tpu.vector_store %arg6[%swap3A_914, %swap3A_915, %swap3A_916], %swap3A_919 {strides = array<i32>} : memref<157x2x128xi32, #tpu.memory_space<vmem>>, vector<1x1x16xi32>,
      %dma_start3A_920 = arith.constant 156 : i32
      %dma_start3A_921 = arith.constant 0 : i32
      %dma_start3A_922 = arith.constant 0 : i32
      %dma_start3A_923 = arith.constant 0 : i32
      %dma_start3A_924 = arith.constant 0 : i32
      %dma_start3A_925 = arith.constant 0 : i32
      %dma_start3A_926 = tpu.memref_slice %arg7[%dma_start3A_922, %dma_start3A_924, %dma_start3A_925] : memref<4x128x64xf32, #tpu.memory_space<vmem>> -> memref<1x128x64xf32, #tpu.memory_space<vmem>>
      %dma_start3A_927 = tpu.memref_squeeze %dma_start3A_926 : memref<1x128x64xf32, #tpu.memory_space<vmem>> -> memref<128x64xf32, #tpu.memory_space<vmem>>
      %dma_start3A_928 = arith.constant 0 : i32
      %dma_start3A_929 = tpu.memref_slice %arg6[%dma_start3A_920, %dma_start3A_921, %dma_start3A_928] : memref<157x2x128xi32, #tpu.memory_space<vmem>> -> memref<1x1x128xi32, #tpu.memory_space<vmem>>
      %dma_start3A_930 = tpu.memref_squeeze %dma_start3A_929 : memref<1x1x128xi32, #tpu.memory_space<vmem>> -> memref<128xi32, #tpu.memory_space<vmem>>
      %dma_start3A_931 = arith.constant 0 : i32
      %dma_start3A_932 = arith.constant 0 : i32
      %dma_start3A_933 = tpu.memref_slice %arg2[%dma_start3A_931, %dma_start3A_932] : memref<20000x64xf32, #tpu.memory_space<hbm>> -> memref<20000x64xf32, #tpu.memory_space<hbm>>
      %dma_start3A_934 = tpu.memref_slice %arg9[%dma_start3A_923] : memref<4x!tpu.dma_semaphore, #tpu.memory_space<semaphore_mem>> -> memref<1x!tpu.dma_semaphore, #tpu.memory_space<semaphore_mem>>
      %dma_start3A_935 = tpu.memref_squeeze %dma_start3A_934 : memref<1x!tpu.dma_semaphore, #tpu.memory_space<semaphore_mem>> -> memref<!tpu.dma_semaphore, #tpu.memory_space<semaphore_mem>>
      tpu.enqueue_indirect_dma source(%dma_start3A_933 : memref<20000x64xf32, #tpu.memory_space<hbm>>) target(%dma_start3A_927 : memref<128x64xf32, #tpu.memory_space<vmem>>) offsets(%dma_start3A_930 : memref<128xi32, #tpu.memory_space<vmem>>) semaphore(%dma_start3A_935 : memref<!tpu.dma_semaphore, #tpu.memory_space<semaphore_mem>>)
      %dma_wait3A_936 = arith.constant 156 : i32
      %dma_wait3A_937 = arith.constant 0 : i32
      %dma_wait3A_938 = arith.constant 0 : i32
      %dma_wait3A_939 = arith.constant 0 : i32
      %dma_wait3A_940 = arith.constant 0 : i32
      %dma_wait3A_941 = arith.constant 0 : i32
      %dma_wait3A_942 = tpu.memref_slice %arg7[%dma_wait3A_938, %dma_wait3A_940, %dma_wait3A_941] : memref<4x128x64xf32, #tpu.memory_space<vmem>> -> memref<1x128x64xf32, #tpu.memory_space<vmem>>
      %dma_wait3A_943 = tpu.memref_squeeze %dma_wait3A_942 : memref<1x128x64xf32, #tpu.memory_space<vmem>> -> memref<128x64xf32, #tpu.memory_space<vmem>>
      %dma_wait3A_944 = arith.constant 0 : i32
      %dma_wait3A_945 = tpu.memref_slice %arg6[%dma_wait3A_936, %dma_wait3A_937, %dma_wait3A_944] : memref<157x2x128xi32, #tpu.memory_space<vmem>> -> memref<1x1x128xi32, #tpu.memory_space<vmem>>
      %dma_wait3A_946 = tpu.memref_squeeze %dma_wait3A_945 : memref<1x1x128xi32, #tpu.memory_space<vmem>> -> memref<128xi32, #tpu.memory_space<vmem>>
      %dma_wait3A_947 = arith.constant 0 : i32
      %dma_wait3A_948 = arith.constant 0 : i32
      %dma_wait3A_949 = tpu.memref_slice %arg2[%dma_wait3A_947, %dma_wait3A_948] : memref<20000x64xf32, #tpu.memory_space<hbm>> -> memref<20000x64xf32, #tpu.memory_space<hbm>>
      %dma_wait3A_950 = tpu.memref_slice %arg9[%dma_wait3A_939] : memref<4x!tpu.dma_semaphore, #tpu.memory_space<semaphore_mem>> -> memref<1x!tpu.dma_semaphore, #tpu.memory_space<semaphore_mem>>
      %dma_wait3A_951 = tpu.memref_squeeze %dma_wait3A_950 : memref<1x!tpu.dma_semaphore, #tpu.memory_space<semaphore_mem>> -> memref<!tpu.dma_semaphore, #tpu.memory_space<semaphore_mem>>
      tpu.wait_indirect_dma semaphore(%dma_wait3A_951 : memref<!tpu.dma_semaphore, #tpu.memory_space<semaphore_mem>>) src(%dma_wait3A_949 : memref<20000x64xf32, #tpu.memory_space<hbm>>) dst(%dma_wait3A_943 : memref<128x64xf32, #tpu.memory_space<vmem>>)
      %run_scoped3A = arith.constant 0 : i32
      %run_scoped3A_952 = arith.constant 156 : i32
      %run_scoped3A_953 = arith.constant 1 : i32
      "tpu.region"() ({
        %run_scoped3A_954 = tpu.sem_alloc : memref<!tpu.dma_semaphore, #tpu.memory_space<semaphore_mem>>
        %dma_start3A_955 = arith.constant 0 : i32
        %dma_start3A_956 = arith.constant 0 : i32
        %dma_start3A_957 = tpu.memref_slice %arg7[%run_scoped3A, %dma_start3A_955, %dma_start3A_956] : memref<4x128x64xf32, #tpu.memory_space<vmem>> -> memref<1x128x64xf32, #tpu.memory_space<vmem>>
        %dma_start3A_958 = tpu.memref_squeeze %dma_start3A_957 : memref<1x128x64xf32, #tpu.memory_space<vmem>> -> memref<128x64xf32, #tpu.memory_space<vmem>>
        %dma_start3A_959 = arith.constant 0 : i32
        %dma_start3A_960 = tpu.memref_slice %arg6[%run_scoped3A_952, %run_scoped3A_953, %dma_start3A_959] : memref<157x2x128xi32, #tpu.memory_space<vmem>> -> memref<1x1x128xi32, #tpu.memory_space<vmem>>
        %dma_start3A_961 = tpu.memref_squeeze %dma_start3A_960 : memref<1x1x128xi32, #tpu.memory_space<vmem>> -> memref<128xi32, #tpu.memory_space<vmem>>
        %dma_start3A_962 = arith.constant 0 : i32
        %dma_start3A_963 = arith.constant 0 : i32
        %dma_start3A_964 = tpu.memref_slice %arg8[%dma_start3A_962, %dma_start3A_963] : memref<10240x64xf32, #tpu.memory_space<vmem_shared>> -> memref<10240x64xf32, #tpu.memory_space<vmem_shared>>
        tpu.enqueue_indirect_dma source(%dma_start3A_958 : memref<128x64xf32, #tpu.memory_space<vmem>>) target(%dma_start3A_964 : memref<10240x64xf32, #tpu.memory_space<vmem_shared>>) offsets(%dma_start3A_961 : memref<128xi32, #tpu.memory_space<vmem>>) semaphore(%run_scoped3A_954 : memref<!tpu.dma_semaphore, #tpu.memory_space<semaphore_mem>>) {add = true}
        %dma_wait3A_965 = arith.constant 0 : i32
        %dma_wait3A_966 = arith.constant 0 : i32
        %dma_wait3A_967 = tpu.memref_slice %arg7[%run_scoped3A, %dma_wait3A_965, %dma_wait3A_966] : memref<4x128x64xf32, #tpu.memory_space<vmem>> -> memref<1x128x64xf32, #tpu.memory_space<vmem>>
        %dma_wait3A_968 = tpu.memref_squeeze %dma_wait3A_967 : memref<1x128x64xf32, #tpu.memory_space<vmem>> -> memref<128x64xf32, #tpu.memory_space<vmem>>
        %dma_wait3A_969 = arith.constant 0 : i32
        %dma_wait3A_970 = tpu.memref_slice %arg6[%run_scoped3A_952, %run_scoped3A_953, %dma_wait3A_969] : memref<157x2x128xi32, #tpu.memory_space<vmem>> -> memref<1x1x128xi32, #tpu.memory_space<vmem>>
        %dma_wait3A_971 = tpu.memref_squeeze %dma_wait3A_970 : memref<1x1x128xi32, #tpu.memory_space<vmem>> -> memref<128xi32, #tpu.memory_space<vmem>>
        %dma_wait3A_972 = arith.constant 0 : i32
        %dma_wait3A_973 = arith.constant 0 : i32
        %dma_wait3A_974 = tpu.memref_slice %arg8[%dma_wait3A_972, %dma_wait3A_973] : memref<10240x64xf32, #tpu.memory_space<vmem_shared>> -> memref<10240x64xf32, #tpu.memory_space<vmem_shared>>
        tpu.wait_indirect_dma semaphore(%run_scoped3A_954 : memref<!tpu.dma_semaphore, #tpu.memory_space<semaphore_mem>>) src(%dma_wait3A_968 : memref<128x64xf32, #tpu.memory_space<vmem>>) dst(%dma_wait3A_974 : memref<10240x64xf32, #tpu.memory_space<vmem_shared>>)
        tpu.yield
      }) : () -> ()
    } else {
    }
    %barrier3A_749 = arith.constant 0 : index
    tpu.barrier barrier_id(%barrier3A_749)
    %lt3A_750 = arith.constant 15 : i32
    %lt3A_751 = arith.cmpi slt, %arg1, %lt3A_750 : i32
    %convert_element_type3A_752 = arith.extui %lt3A_751 : i1 to i32
    %cond3A_753 = arith.constant 0 : i32
    %cond3A_754 = arith.cmpi ne, %convert_element_type3A_752, %cond3A_753 : i32
    scf.if %cond3A_754 {
      %mul3A_760 = arith.constant 640 : i32
      %mul3A_761 = arith.muli %arg1, %mul3A_760 : i32
      %mul3A_762 = arith.constant 640 : i32
      %mul3A_763 = arith.muli %arg1, %mul3A_762 : i32
      %mul3A_764 = arith.constant 64 : i32
      %mul3A_765 = arith.muli %arg0, %mul3A_764 : i32
      "tpu.region"() ({
        %run_scoped3A = tpu.sem_alloc : memref<!tpu.dma_semaphore, #tpu.memory_space<semaphore_mem>>
        %dma_start3A_766 = tpu.memref_slice %arg5[%mul3A_763, %mul3A_765] : memref<10000x128xf32, #tpu.memory_space<hbm>> -> memref<640x64xf32, #tpu.memory_space<hbm>>
        %dma_start3A_767 = arith.constant 0 : i32
        %dma_start3A_768 = tpu.memref_slice %arg8[%mul3A_761, %dma_start3A_767] : memref<10240x64xf32, #tpu.memory_space<vmem_shared>> -> memref<640x64xf32, #tpu.memory_space<vmem_shared>>
        tpu.enqueue_dma source(%dma_start3A_768 : memref<640x64xf32, #tpu.memory_space<vmem_shared>>) target(%dma_start3A_766 : memref<640x64xf32, #tpu.memory_space<hbm>>) target_semaphore(%run_scoped3A : memref<!tpu.dma_semaphore, #tpu.memory_space<semaphore_mem>>)
        %dma_wait3A_769 = tpu.memref_slice %arg5[%mul3A_763, %mul3A_765] : memref<10000x128xf32, #tpu.memory_space<hbm>> -> memref<640x64xf32, #tpu.memory_space<hbm>>
        %dma_wait3A_770 = arith.constant 0 : i32
        %dma_wait3A_771 = tpu.memref_slice %arg8[%mul3A_761, %dma_wait3A_770] : memref<10240x64xf32, #tpu.memory_space<vmem_shared>> -> memref<640x64xf32, #tpu.memory_space<vmem_shared>>
        tpu.wait_dma2 semaphore(%run_scoped3A : memref<!tpu.dma_semaphore, #tpu.memory_space<semaphore_mem>>) src(%dma_wait3A_771 : memref<640x64xf32, #tpu.memory_space<vmem_shared>>) dst(%dma_wait3A_769 : memref<640x64xf32, #tpu.memory_space<hbm>>)
        tpu.yield
      }) : () -> ()
    } else {
    }
    %eq3A_755 = arith.constant 15 : i32
    %eq3A_756 = arith.cmpi eq, %arg1, %eq3A_755 : i32
    %convert_element_type3A_757 = arith.extui %eq3A_756 : i1 to i32
    %cond3A_758 = arith.constant 0 : i32
    %cond3A_759 = arith.cmpi ne, %convert_element_type3A_757, %cond3A_758 : i32
    scf.if %cond3A_759 {
      %mul3A_760 = arith.constant 64 : i32
      %mul3A_761 = arith.muli %arg0, %mul3A_760 : i32
      "tpu.region"() ({
        %run_scoped3A = tpu.sem_alloc : memref<!tpu.dma_semaphore, #tpu.memory_space<semaphore_mem>>
        %dma_start3A_762 = arith.constant 9600 : i32
        %dma_start3A_763 = tpu.memref_slice %arg5[%dma_start3A_762, %mul3A_761] : memref<10000x128xf32, #tpu.memory_space<hbm>> -> memref<400x64xf32, #tpu.memory_space<hbm>>
        %dma_start3A_764 = arith.constant 9600 : i32
        %dma_start3A_765 = arith.constant 0 : i32
        %dma_start3A_766 = tpu.memref_slice %arg8[%dma_start3A_764, %dma_start3A_765] : memref<10240x64xf32, #tpu.memory_space<vmem_shared>> -> memref<400x64xf32, #tpu.memory_space<vmem_shared>>
        tpu.enqueue_dma source(%dma_start3A_766 : memref<400x64xf32, #tpu.memory_space<vmem_shared>>) target(%dma_start3A_763 : memref<400x64xf32, #tpu.memory_space<hbm>>) target_semaphore(%run_scoped3A : memref<!tpu.dma_semaphore, #tpu.memory_space<semaphore_mem>>)
        %dma_wait3A_767 = arith.constant 9600 : i32
        %dma_wait3A_768 = tpu.memref_slice %arg5[%dma_wait3A_767, %mul3A_761] : memref<10000x128xf32, #tpu.memory_space<hbm>> -> memref<400x64xf32, #tpu.memory_space<hbm>>
        %dma_wait3A_769 = arith.constant 9600 : i32
        %dma_wait3A_770 = arith.constant 0 : i32
        %dma_wait3A_771 = tpu.memref_slice %arg8[%dma_wait3A_769, %dma_wait3A_770] : memref<10240x64xf32, #tpu.memory_space<vmem_shared>> -> memref<400x64xf32, #tpu.memory_space<vmem_shared>>
        tpu.wait_dma2 semaphore(%run_scoped3A : memref<!tpu.dma_semaphore, #tpu.memory_space<semaphore_mem>>) src(%dma_wait3A_771 : memref<400x64xf32, #tpu.memory_space<vmem_shared>>) dst(%dma_wait3A_768 : memref<400x64xf32, #tpu.memory_space<hbm>>)
        tpu.yield
      }) : () -> ()
    } else {
    }
    return
  }
}

</mosaic_0001>

<sc_bundles>
// kernel: kernel.3.cloned.1.call-start
scs
__scs_entry_jumppad:
0x0: {  	(pc) =	sbr.rel $0x88, $3  }
0x1: {  	(tag) =	ssettag $0x0;
	lr =	simm.s32 $0x1  }
0x2: {  	[smem:$0x3F9F] =	sst lr;
	_ =	strace $0xD0000000  }
0x3: {  	_ = 	snop  }
0x4: {  	_ = 	snop  }
0x5: {  	_ = 	snop  }
0x6: {  	_ = 	snop  }
0x7: {  	_ = 	snop  }
__scs_overlays_trampoline_lowered:
0x8: {  	[smem:$0x3FAE] =	sst s0  }
0x9: {  	[smem:$0x3FAF] =	sst s1  }
0xa: {  	[smem:$0x3FB0] =	sst s2  }
0xb: {  	[smem:$0x3FB1] =	sst s3  }
0xc: {  	[smem:$0x3FB2] =	sst s4  }
0xd: {  	[smem:$0x3FB3] =	sst s5  }
0xe: {  	[smem:$0x3FB4] =	sst s6  }
0xf: {  	[smem:$0x3FB5] =	sst s7  }
0x10: {  	[smem:$0x3FB6] =	sst s8  }
0x11: {  	[smem:$0x3FB7] =	sst s9;
	s0 =	simm.s32 @!p0 $0x0  }
0x12: {  	s1 =	sld [smem:$0x3F9D];
	s0 =	simm.s32 @p0 $0x1  }
0x13: {  	[smem:$0x3FB8] =	sst s0;
	s0 =	simm.s32 @!p1 $0x0  }
0x14: {  	s2 =	sld [smem:$0x3F9C];
	s0 =	simm.s32 @p1 $0x1  }
0x15: {  	[smem:$0x3FB9] =	sst s0;
	s0 =	simm.s32 @!p2 $0x0  }
0x16: {  	s3 =	sld [smem:$0x3FDB];
	s0 =	simm.s32 @p2 $0x1  }
0x17: {  	s4 =	simm.s32 $0x1BF5;
	[smem:$0x3FBB] =	sst s0  }
0x18: {  	s0 =	sld [smem:$0x3F9E];
	_ =	swait.ge [sflag:s4], $0x0  }
0x19: {  	s7 =	sld [smem:$0x3F9F]  }
0x1a: {  	s8 =	sadd.s32 $0xFFFFE003, lr  }
0x1b: {  	s9 =	sadd.s32 $0xFFFFFEF7, lr;
	s5 =	simm.s32 $0xFFFFFFFF;
	p2 =	slt.u32 s8, $0xFFFFF086  }
0x1c: {  	p1 =	slt.u32 s9, $0xF7A;
	s5 =	simm.s32 @!p2 $0x0  }
0x1d: {  	s5 =	simm.s32 @p1 $0x1;
	p0 =	seq.s32 s7, s2  }
0x1e: {  	s7 =	smul.u32 @!p0 $0xF7A, s2;
	p2 =	seq.s32 @!p0 s5, $0x0  }
0x1f: {  	s9 =	smul.u32 $0xF7A, s1;
	s8 =	simm.s32 @!p0 $0x1BF5;
	p2 =	por !p2, p0  }
0x20: {  	[sflag:s8] =	ssyncset.s32 @!p0 $0xFFFFF086;
	s6 =	sadd.s32 @!p0 s3, s7;
	s7 =	simm.s32 @!p0 $0x108  }
0x21: {  	s3 =	sadd.s32 s3, s9;
	s6 =	sadd.s32 @!p0 $0x88, s6;
	s7 =	simm.s32 @p2 $0x1082  }
0x22: {  	[simem:s7], [sflag:s8] =	dma.local @!p0 [hbm:s6], $0xF7A  }
0x23: {  	s9 =	sor.u32 $0xD0000000, s2;
	s6 =	simm.s32 $0x108;
	_ =	swait.ge @!p0 [sflag:s8], $0x0  }
0x24: {  	s3 =	sadd.s32 $0x88, s3;
	s6 =	simm.s32 @!p1 $0x1082;
	[sflag:s4] =	ssyncset.s32 $0xFFFFF086  }
0x25: {  	[simem:s6], [sflag:s4] =	dma.local [hbm:s3], $0xF7A  }
0x26: {  	[smem:$0x3F9F] =	sst s1;
	(tag) =	ssettag s2;
	_ =	strace s9  }
0x27: {  	s1 =	sld [smem:$0x3FAF]  }
0x28: {  	s2 =	sld [smem:$0x3FB0]  }
0x29: {  	s4 =	sld [smem:$0x3FB2]  }
0x2a: {  	p0 =	seq.s32 s5, $0x0;
	s5 =	sld [smem:$0x3FB3]  }
0x2b: {  	s6 =	sld [smem:$0x3FB4]  }
0x2c: {  	s7 =	sld [smem:$0x3FB5]  }
0x2d: {  	s3 =	simm.s32 $0x108;
	s8 =	sld [smem:$0x3FB6]  }
0x2e: {  	s3 =	simm.s32 @!p0 $0x1082;
	s9 =	sld [smem:$0x3FB7]  }
0x2f: {  	lr =	sadd.s32 s0, s3;
	s0 =	sld [smem:$0x3FAE]  }
0x30: {  	s3 =	sld [smem:$0x3FB1]  }
0x31: {  	[smem:$0x3FBA] =	sst s10  }
0x32: {  	s10 =	sld [smem:$0x3FB8];
	_ =	sdelay $0x3  }
0x33: {  	p0 =	seq.s32 s10, $0x1;
	s10 =	sld [smem:$0x3FBA];
	_ =	sdelay $0x3  }
0x34: {  	[smem:$0x3FBA] =	sst s10  }
0x35: {  	s10 =	sld [smem:$0x3FB9];
	_ =	sdelay $0x3  }
0x36: {  	p1 =	seq.s32 s10, $0x1;
	s10 =	sld [smem:$0x3FBA];
	_ =	sdelay $0x3  }
0x37: {  	[smem:$0x3FBA] =	sst s10  }
0x38: {  	s10 =	sld [smem:$0x3FBB]  }
0x39: {  	_ = 	snop;
	(pc) =	sbr.ind lr, $3  }
0x3a: {  	_ = 	snop  }
0x3b: {  	_ = 	snop  }
0x3c: {  	p2 =	seq.s32 s10, $0x1;
	s10 =	sld [smem:$0x3FBA]  }
0x3d: {  	_ =	shalt  }
0x3e: {  	_ =	shalt  }
0x3f: {  	_ =	shalt  }
0x40: {  	_ =	shalt  }
0x41: {  	_ =	shalt  }
0x42: {  	_ =	shalt  }
0x43: {  	_ =	shalt  }
0x44: {  	_ =	shalt  }
0x45: {  	_ =	shalt  }
0x46: {  	_ =	shalt  }
0x47: {  	_ =	shalt  }
0x48: {  	_ =	shalt  }
0x49: {  	_ =	shalt  }
0x4a: {  	_ =	shalt  }
0x4b: {  	_ =	shalt  }
0x4c: {  	_ =	shalt  }
0x4d: {  	_ =	shalt  }
0x4e: {  	_ =	shalt  }
0x4f: {  	_ =	shalt  }
0x50: {  	_ =	shalt  }
0x51: {  	_ =	shalt  }
0x52: {  	_ =	shalt  }
0x53: {  	_ =	shalt  }
0x54: {  	_ =	shalt  }
0x55: {  	_ =	shalt  }
0x56: {  	_ =	shalt  }
0x57: {  	_ =	shalt  }
0x58: {  	_ =	shalt  }
0x59: {  	_ =	shalt  }
0x5a: {  	_ =	shalt  }
0x5b: {  	_ =	shalt  }
0x5c: {  	_ =	shalt  }
0x5d: {  	_ =	shalt  }
0x5e: {  	_ =	shalt  }
0x5f: {  	_ =	shalt  }
0x60: {  	_ =	shalt  }
0x61: {  	_ =	shalt  }
0x62: {  	_ =	shalt  }
0x63: {  	_ =	shalt  }
0x64: {  	_ =	shalt  }
0x65: {  	_ =	shalt  }
0x66: {  	_ =	shalt  }
0x67: {  	_ =	shalt  }
0x68: {  	_ =	shalt  }
0x69: {  	_ =	shalt  }
0x6a: {  	_ =	shalt  }
0x6b: {  	_ =	shalt  }
0x6c: {  	_ =	shalt  }
0x6d: {  	_ =	shalt  }
0x6e: {  	_ =	shalt  }
0x6f: {  	_ =	shalt  }
0x70: {  	_ =	shalt  }
0x71: {  	_ =	shalt  }
0x72: {  	_ =	shalt  }
0x73: {  	_ =	shalt  }
0x74: {  	_ =	shalt  }
0x75: {  	_ =	shalt  }
0x76: {  	_ =	shalt  }
0x77: {  	_ =	shalt  }
0x78: {  	_ =	shalt  }
0x79: {  	_ =	shalt  }
0x7a: {  	_ =	shalt  }
0x7b: {  	_ =	shalt  }
0x7c: {  	_ =	shalt  }
0x7d: {  	_ =	shalt  }
0x7e: {  	_ =	shalt  }
0x7f: {  	_ =	shalt  }
0x80: {  	_ =	shalt  }
0x81: {  	_ =	shalt  }
0x82: {  	_ =	shalt  }
0x83: {  	_ =	shalt  }
0x84: {  	_ =	shalt  }
0x85: {  	_ =	shalt  }
0x86: {  	_ =	shalt  }
0x87: {  	_ =	shalt  }
.Lfunc_end0:
.L_simem_size_0:
called_computation_lowered:
.L_overlay_start_0:
0x88: {  	s2 =	sld [smem:$0x3FD9]  }
0x89: {  	s3 =	sld [smem:$0x3FFE];
	_ =	sdelay $0x1  }
0x8a: {  	s1 =	srdreg.scid  }
0x8b: {  	s0 =	sand.u32 $0x1, s1  }
0x8c: {  	s17 =	sshll.u32 s0, $0xA;
	s2 =	sadd.s32 s3, s2  }
0x8d: {  	s2 =	sadd.s32 s2, s17  }
0x8e: {  	[smem:$0x3FC6] =	sst s2  }
0x8f: {  	_ = 	snop  }
0x90: {  	s2 =	sld [smem:$0x3FC9]  }
0x91: {  	s18 =	sld [smem:$0x3FC8]  }
0x92: {  	s4 =	sld [smem:$0x3FD0];
	(tm) =	ssettm $0x1  }
0x93: {  	s5 =	sld [smem:$0x3FFB];
	_ =	sdelay $0x3  }
0x94: {  	_ =	strace s5  }
0x95: {  	s5 =	sld [smem:$0x3FFC];
	_ =	sdelay $0x3  }
0x96: {  	_ =	strace s5  }
0x97: {  	s5 =	sld [smem:$0x3FFD];
	_ =	sdelay $0x3  }
0x98: {  	_ =	strace s5  }
0x99: {  	_ =	strace $0x8FFFFFFF  }
0x9a: {  	s19 =	sld [smem:$0x3FDB];
	_ =	sdelay $0x1  }
0x9b: {  	s6 =	simm.s32 $_scs_section_size  }
0x9c: {  	s7 =	simm.s32 $_size__tile_overlayer_lowered;
	s8 =	simm.s32 $_tile_overlayer_lowered  }
0x9d: {  	s22 =	simm.s32 $0x1BFF;
	s21 =	sshll.u32 s8, $0x1;
	s5 =	sadd.s32 s6, s19  }
0x9e: {  	s9 =	simm.s32 $0x0;
	s20 =	sshll.u32 s7, $0x1;
	s7 =	sadd.s32 s21, s5  }
0x9f: {  	[timem:s9], [sflag:s22] =	dma.local [hbm:s7], s20  }
0xa0: {  	_ =	swait.ge [sflag:s22], s20  }
0xa1: {  	s6 =	ssub.s32 $0x0, s20;
	[sflag:s22] =	ssyncset.done $0x0  }
0xa2: {  	[sflag:s22] =	ssyncadd.s32 s6;
	_ =	sdelay $0x1  }
0xa3: {  	s23 =	simm.s32 $0x1B8B  }
0xa4: {  	_ =	swait.ge [sflag:s23], $0x1  }
0xa5: {  	[sflag:s23] =	ssyncset.done $0x0  }
0xa6: {  	s25 =	simm.s32 $0x1B8E;
	s24 =	sld [smem:$0x3FFE];
	[sflag:s23] =	ssyncadd.s32 $0xFFFFFFFF  }
0xa7: {  	s26 =	simm.s32 $execute0_lowered;
	[smem:$0x3FD2] =	sst s25  }
0xa8: {  	s7 =	sshll.u32 s26, $0x1;
	_ =	strace $0x80000046;
	[dreg:$0x1] =	wrdreg $0xFFFFFFFF  }
0xa9: {  	s28 =	simm.s32 $_size_execute0_lowered;
	s5 =	sadd.s32 s5, s7;
	[dreg:$0x0] =	wrdreg $0x0  }
0xaa: {  	s7 =	sshll.u32 s28, $0x1;
	[dreg:$0x2] =	wrdreg s5  }
0xab: {  	[dreg:$0x3] =	wrdreg s7  }
0xac: {  	[dreg:$0x4] =	wrdreg $0xC0  }
0xad: {  	_ =	task [dreg:s9], $0x5FFFF  }
0xae: {  	[dreg:$0x1] =	wrdreg $0xFFFFFFFF  }
0xaf: {  	[dreg:$0x0] =	wrdreg $0x60  }
0xb0: {  	[dreg:$0x2] =	wrdreg s2  }
0xb1: {  	[dreg:$0x3] =	wrdreg s18  }
0xb2: {  	[dreg:$0x4] =	wrdreg s24  }
0xb3: {  	[dreg:$0x5] =	wrdreg s4  }
0xb4: {  	[dreg:$0x6] =	wrdreg $0x11D000  }
0xb5: {  	[dreg:$0x7] =	wrdreg $0x9  }
0xb6: {  	_ =	task.clear_ibuf [dreg:s9], $0x8FFFF;
	_ =	strace $0x90000046  }
0xb7: {  	s29 =	simm.s32 $0x9;
	_ =	strace $0x80000048  }
0xb8: {  	_ =	swait.ge [sflag:s29], $0x1  }
0xb9: {  	[sflag:s29] =	ssyncadd.s32 $0xFFFFFFFF  }
0xba: {  	_ =	strace $0x90000048  }
0xbb: {  	_ =	sfence  }
0xbc: {  	s30 =	sld [smem:$0x0];
	_ =	sdelay $0x2  }
0xbd: {  	s31 =	sshll.u32 s1, $0xD;
	s1 =	sshrl.u32 s1, $0x2  }
0xbe: {  	s3 =	sand.u32 $0x4000, s31;
	s1 =	sadd.s32 s1, s30  }
0xbf: {  	s0 =	sor.u32 s3, s0;
	s1 =	sshll.u32 s1, $0x11  }
0xc0: {  	s0 =	sor.u32 s1, s0  }
0xc1: {  	s0 =	sadd.s32 $0x8F2B, s0  }
0xc2: {  	[sflag:s0] =	ssyncadd.remote.s32 $0x1  }
0xc3: {  	_ =	sfence.sel $0xFFFF  }
0xc4: {  	[dreg:$0x0] =	wrdreg $0xFFFFFFFF;
	(pc) =	sbr.abs _section_cstart, $3  }
0xc5: {  	[dreg:$0x1] =	wrdreg $0xFFFFFFFF  }
0xc6: {  	_ =	task.clear_ibuf [dreg:s9], $0x2FFFF;
	_ =	strace $0x9FFFFFFF  }
0xc7: {  	(tm) =	ssettm $0x7FFFFFFF  }
tec
execute0_lowered:
.L_overlay_start_1:
0x0: {  	(tag) =	ssettag $0x1  }
0x1: {  	s1 =	rddreg [dreg:$0x0]  }
0x2: {  	s0 =	rddreg [dreg:$0x1]  }
0x3: {  	s2 =	rddreg [dreg:$0x2]  }
0x4: {  	s4 =	rddreg [dreg:$0x3]  }
0x5: {  	s3 =	rddreg [dreg:$0x4];
	s6 =	simm.s32 $0x0;
	s5 =	srdreg.scid  }
0x6: {  	s21 =	stileid.u32;
	s16 =	simm.s32 $0x1;
	s10 =	simm.s32 $0x300  }
0x7: {  	s11 =	simm.s32 $0x400;
	s12 =	simm.s32 $0x500;
	s13 =	simm.s32 $0x700  }
0x8: {  	s14 =	simm.s32 $0x600;
	s15 =	simm.s32 $0x800;
	s28 =	simm.s32 $0xBD00  }
0x9: {  	s29 =	simm.s32 $0xDD00;
	s30 =	simm.s32 $0xFD00;
	s18 =	smul.u32 $0x9C, s21  }
0xa: {  	s31 =	simm.s32 $0x5;
	[smem:$0x7FF] =	sst s6;
	s8 =	smul.u32 $0x9D, s21  }
0xb: {  	s5 =	sand.u32 $0x1, s5;
	p0 =	slt.u32 s21, $0x4;
	s20 =	smul.u32 $0x28000, s21  }
0xc: {  	s2 =	sadd.s32 $0x400, s2;
	s23 =	smul.u32 $0x14000, s21;
	s24 =	sadd.s32 $0x96000, s3  }
0xd: {  	s25 =	sshll.u32 s21, $0x6;
	p1 =	sgt.u32 s21, $0x3;
	_ =	strace $0x80000047  }
0xe: {  	s7 =	ssub.s32 $0x2, s5;
	[dreg:$0x6] =	wrdreg s2;
	s17 =	sshll.u32 s5, $0x3  }
0xf: {  	[dreg:$0xb] =	wrdreg s25;
	s26 =	sshrl.u32 s24, $0x3;
	s24 =	simm.s32 $0x6  }
0x10: {  	s9 =	sshrl.u32 s7, $0x1;
	s6 =	sadd.s32 $0x4, s18;
	s22 =	sshrl.u32 s20, $0x2  }
0x11: {  	s18 =	sshll.u32 s5, $0x6;
	s17 =	sadd.s32 s17, s4;
	s20 =	simm.s32 $0x9  }
0x12: {  	[dreg:$0xd] =	wrdreg s26;
	s26 =	simm.s32 $0x9D00;
	s19 =	ssub.s32 s7, s9  }
0x13: {  	s6 =	smov.u32 @p0 s8;
	p0 =	seq.s32 s21, $0xF;
	s8 =	simm.s32 $0x100  }
0x14: {  	s9 =	simm.s32 $0x200;
	s17 =	sadd.s32 $0x25800, s17;
	s21 =	simm.s32 $0x0  }
0x15: {  	s7 =	sshll.u32 s6, $0x5;
	s6 =	simm.s32 $0x1;
	s16 =	simm.s32 @!p0 $0x0  }
0x16: {  	s8 =	simm.s32 @!p0 $0x0;
	s9 =	simm.s32 @!p0 $0x100;
	s10 =	simm.s32 @!p0 $0x200  }
0x17: {  	s11 =	simm.s32 @!p0 $0x300;
	s12 =	simm.s32 @!p0 $0x400;
	s13 =	simm.s32 @!p0 $0x600  }
0x18: {  	s14 =	simm.s32 @!p0 $0x500;
	s15 =	simm.s32 @!p0 $0x700;
	[dreg:$0x8] =	wrdreg s17  }
0x19: {  	s2 =	smax.u32 s19, $0x1;
	s17 =	simm.s32 $0x8;
	s7 =	simm.s32 @p0 $0x124E0  }
0x1a: {  	[dreg:$0xa] =	wrdreg s2;
	s19 =	sshll.u32 s16, $0x8;
	s2 =	sor.u32 $0x1C05, s25  }
.Ltmp0:
0x1b: {  	s25 =	simm.s32 $0x80;
	s16 =	simm.s32 $0x4;
	(pc) =	sbr.rel .LBB2_1-.Ltmp0, $4  }
0x1c: {  	s0 =	sadd.s32 s0, s7;
	s7 =	sor.u32 s18, s23;
	[dreg:$0xc] =	wrdreg s2  }
0x1d: {  	[dreg:$0x7] =	wrdreg s0;
	s0 =	sadd.s32 s22, s3;
	s7 =	sshrl.u32 s7, $0x3  }
0x1e: {  	v0 =	vmov s5;
	v1 =	vmov s12;
	s2 =	simm.s32 $0x3;
	s4 =	sadd.s32 s4, s7;
	s23 =	sshrl.u32 s0, $0x3  }
0x1f: {  	v2 =	vmov s14;
	v3 =	vmov s13;
	v4 =	vmov s15;
	s0 =	simm.s32 $0x2;
	[dreg:$0x9] =	wrdreg s4;
	s4 =	simm.s32 $0x7  }
.LBB2_8:
0x20: {  	s5 =	rddreg [dreg:$0x8]  }
0x21: {  	s7 =	rddreg [dreg:$0xd];
	s18 =	simm.s32 $0x10;
	s22 =	simm.s32 $0x1FC9  }
0x22: {  	[hbm:s5@s18], [sflag:s22] =	dma.strided [spmem:s7@s17], $0xC80, s6, $0x8   }
0x23: {  	_ =	swait.ge [sflag:s20], $0xC80  }
0x24: {  	[sflag:s20] =	ssyncset.done $0x0  }
0x25: {  	[sflag:s20] =	ssyncadd.s32 $0xFFFFF380  }
.LBB2_9:
0x26: {  	s21 =	sadd.s32 $0x1, s21;
	s5 =	rddreg [dreg:$0xa]  }
0x27: {  	p2 =	sne.s32 s21, s5  }
.Ltmp1:
0x28: {  	_ = 	snop;
	(pc) =	sbr.rel @!p2 .LBB2_10-.Ltmp1, $1  }
0x29: {  	_ =	sdelay $0x3  }
.LBB2_1:
0x2a: {  	s5 =	simm.s32 $0x0;
	s7 =	rddreg [dreg:$0x7]  }
0x2b: {  	[tilespmem:s5], [sflag:$0x9] =	stream.linear.gather [hbm4b:s7+s5], $0x9D00, $0x38;
	[tilespmem:$0x1BD00] =	vst v63  }
0x2c: {  	_ =	swait.ge [sflag:s20], $0x9D00  }
0x2d: {  	[sflag:s20] =	ssyncset.done $0x0;
	s18 =	rddreg [dreg:$0x6]  }
0x2e: {  	s22 =	rddreg [dreg:$0xc];
	[sflag:s20] =	ssyncadd.s32 $0xFFFF6300  }
0x2f: {  	[spmem:s23], [sflag:s22] =	dma.local [hbm:s18], $0x1400  }
0x30: {  	v5 =	vld [tilespmem:s8+$0x0];
	_ =	sdelay $0x4  }
0x31: {  	v5 =	vshll.u32 v5, $0x1  }
0x32: {  	v5 =	vor.u32 v0, v5  }
0x33: {  	[tilespmem:s8+$0x0] =	vst v5;
	v5 =	vld [tilespmem:s8+$0x10];
	_ =	sdelay $0x4  }
0x34: {  	v5 =	vshll.u32 v5, $0x1  }
0x35: {  	v5 =	vor.u32 v0, v5  }
0x36: {  	[tilespmem:s8+$0x10] =	vst v5;
	v5 =	vld [tilespmem:s8+$0x20];
	_ =	sdelay $0x4  }
0x37: {  	v5 =	vshll.u32 v5, $0x1  }
0x38: {  	v5 =	vor.u32 v0, v5  }
0x39: {  	[tilespmem:s8+$0x20] =	vst v5;
	v5 =	vld [tilespmem:s8+$0x30];
	_ =	sdelay $0x4  }
0x3a: {  	v5 =	vshll.u32 v5, $0x1  }
0x3b: {  	v5 =	vor.u32 v0, v5  }
0x3c: {  	[tilespmem:s8+$0x30] =	vst v5;
	v5 =	vld [tilespmem:s8+$0x40];
	_ =	sdelay $0x4  }
0x3d: {  	v5 =	vshll.u32 v5, $0x1  }
0x3e: {  	v5 =	vor.u32 v0, v5  }
0x3f: {  	[tilespmem:s8+$0x40] =	vst v5;
	v5 =	vld [tilespmem:s8+$0x50];
	_ =	sdelay $0x4  }
0x40: {  	v5 =	vshll.u32 v5, $0x1  }
0x41: {  	v5 =	vor.u32 v0, v5  }
0x42: {  	[tilespmem:s8+$0x50] =	vst v5;
	v5 =	vld [tilespmem:s8+$0x60];
	_ =	sdelay $0x4  }
0x43: {  	v5 =	vshll.u32 v5, $0x1  }
0x44: {  	v5 =	vor.u32 v0, v5  }
0x45: {  	[tilespmem:s8+$0x60] =	vst v5;
	v5 =	vld [tilespmem:s8+$0x70];
	_ =	sdelay $0x4  }
0x46: {  	v5 =	vshll.u32 v5, $0x1  }
0x47: {  	v5 =	vor.u32 v0, v5  }
0x48: {  	[tilespmem:s8+$0x70] =	vst v5  }
0x49: {  	[tilespmem:s26], [sflag:$0x1] =	stream.indirect.gather [hbm4b:s1+s25], $0x40, s8, s25, $0xb8;
	[tilespmem:$0x1BD00] =	vst v63  }
0x4a: {  	v5 =	vld [tilespmem:s9+$0x0];
	_ =	sdelay $0x4  }
0x4b: {  	v5 =	vshll.u32 v5, $0x1  }
0x4c: {  	v5 =	vor.u32 v0, v5  }
0x4d: {  	[tilespmem:s9+$0x0] =	vst v5;
	v5 =	vld [tilespmem:s9+$0x10];
	_ =	sdelay $0x4  }
0x4e: {  	v5 =	vshll.u32 v5, $0x1  }
0x4f: {  	v5 =	vor.u32 v0, v5  }
0x50: {  	[tilespmem:s9+$0x10] =	vst v5;
	v5 =	vld [tilespmem:s9+$0x20];
	_ =	sdelay $0x4  }
0x51: {  	v5 =	vshll.u32 v5, $0x1  }
0x52: {  	v5 =	vor.u32 v0, v5  }
0x53: {  	[tilespmem:s9+$0x20] =	vst v5;
	v5 =	vld [tilespmem:s9+$0x30];
	_ =	sdelay $0x4  }
0x54: {  	v5 =	vshll.u32 v5, $0x1  }
0x55: {  	v5 =	vor.u32 v0, v5  }
0x56: {  	[tilespmem:s9+$0x30] =	vst v5;
	v5 =	vld [tilespmem:s9+$0x40];
	_ =	sdelay $0x4  }
0x57: {  	v5 =	vshll.u32 v5, $0x1  }
0x58: {  	v5 =	vor.u32 v0, v5  }
0x59: {  	[tilespmem:s9+$0x40] =	vst v5;
	v5 =	vld [tilespmem:s9+$0x50];
	_ =	sdelay $0x4  }
0x5a: {  	v5 =	vshll.u32 v5, $0x1  }
0x5b: {  	v5 =	vor.u32 v0, v5  }
0x5c: {  	[tilespmem:s9+$0x50] =	vst v5;
	v5 =	vld [tilespmem:s9+$0x60];
	_ =	sdelay $0x4  }
0x5d: {  	v5 =	vshll.u32 v5, $0x1  }
0x5e: {  	v5 =	vor.u32 v0, v5  }
0x5f: {  	[tilespmem:s9+$0x60] =	vst v5;
	v5 =	vld [tilespmem:s9+$0x70];
	_ =	sdelay $0x4  }
0x60: {  	v5 =	vshll.u32 v5, $0x1  }
0x61: {  	v5 =	vor.u32 v0, v5  }
0x62: {  	[tilespmem:s9+$0x70] =	vst v5  }
0x63: {  	[tilespmem:s28], [sflag:$0x2] =	stream.indirect.gather [hbm4b:s1+s25], $0x40, s9, s25, $0xb8;
	[tilespmem:$0x1BD00] =	vst v63  }
0x64: {  	v5 =	vld [tilespmem:s10+$0x0];
	_ =	sdelay $0x4  }
0x65: {  	v5 =	vshll.u32 v5, $0x1  }
0x66: {  	v5 =	vor.u32 v0, v5  }
0x67: {  	[tilespmem:s10+$0x0] =	vst v5;
	v5 =	vld [tilespmem:s10+$0x10];
	_ =	sdelay $0x4  }
0x68: {  	v5 =	vshll.u32 v5, $0x1  }
0x69: {  	v5 =	vor.u32 v0, v5  }
0x6a: {  	[tilespmem:s10+$0x10] =	vst v5;
	v5 =	vld [tilespmem:s10+$0x20];
	_ =	sdelay $0x4  }
0x6b: {  	v5 =	vshll.u32 v5, $0x1  }
0x6c: {  	v5 =	vor.u32 v0, v5  }
0x6d: {  	[tilespmem:s10+$0x20] =	vst v5;
	v5 =	vld [tilespmem:s10+$0x30];
	_ =	sdelay $0x4  }
0x6e: {  	v5 =	vshll.u32 v5, $0x1  }
0x6f: {  	v5 =	vor.u32 v0, v5  }
0x70: {  	[tilespmem:s10+$0x30] =	vst v5;
	v5 =	vld [tilespmem:s10+$0x40];
	_ =	sdelay $0x4  }
0x71: {  	v5 =	vshll.u32 v5, $0x1  }
0x72: {  	v5 =	vor.u32 v0, v5  }
0x73: {  	[tilespmem:s10+$0x40] =	vst v5;
	v5 =	vld [tilespmem:s10+$0x50];
	_ =	sdelay $0x4  }
0x74: {  	v5 =	vshll.u32 v5, $0x1  }
0x75: {  	v5 =	vor.u32 v0, v5  }
0x76: {  	[tilespmem:s10+$0x50] =	vst v5;
	v5 =	vld [tilespmem:s10+$0x60];
	_ =	sdelay $0x4  }
0x77: {  	v5 =	vshll.u32 v5, $0x1  }
0x78: {  	v5 =	vor.u32 v0, v5  }
0x79: {  	[tilespmem:s10+$0x60] =	vst v5;
	v5 =	vld [tilespmem:s10+$0x70];
	_ =	sdelay $0x4  }
0x7a: {  	v5 =	vshll.u32 v5, $0x1  }
0x7b: {  	v5 =	vor.u32 v0, v5  }
0x7c: {  	[tilespmem:s10+$0x70] =	vst v5  }
0x7d: {  	[tilespmem:s29], [sflag:$0x3] =	stream.indirect.gather [hbm4b:s1+s25], $0x40, s10, s25, $0xb8;
	[tilespmem:$0x1BD00] =	vst v63  }
0x7e: {  	v5 =	vld [tilespmem:s11+$0x0];
	_ =	sdelay $0x4  }
0x7f: {  	v5 =	vshll.u32 v5, $0x1  }
0x80: {  	v5 =	vor.u32 v0, v5  }
0x81: {  	[tilespmem:s11+$0x0] =	vst v5;
	v5 =	vld [tilespmem:s11+$0x10];
	_ =	sdelay $0x4  }
0x82: {  	v5 =	vshll.u32 v5, $0x1  }
0x83: {  	v5 =	vor.u32 v0, v5  }
0x84: {  	[tilespmem:s11+$0x10] =	vst v5;
	v5 =	vld [tilespmem:s11+$0x20];
	_ =	sdelay $0x4  }
0x85: {  	v5 =	vshll.u32 v5, $0x1  }
0x86: {  	v5 =	vor.u32 v0, v5  }
0x87: {  	[tilespmem:s11+$0x20] =	vst v5;
	v5 =	vld [tilespmem:s11+$0x30];
	_ =	sdelay $0x4  }
0x88: {  	v5 =	vshll.u32 v5, $0x1  }
0x89: {  	v5 =	vor.u32 v0, v5  }
0x8a: {  	[tilespmem:s11+$0x30] =	vst v5;
	v5 =	vld [tilespmem:s11+$0x40];
	_ =	sdelay $0x4  }
0x8b: {  	v5 =	vshll.u32 v5, $0x1  }
0x8c: {  	v5 =	vor.u32 v0, v5  }
0x8d: {  	[tilespmem:s11+$0x40] =	vst v5;
	v5 =	vld [tilespmem:s11+$0x50];
	_ =	sdelay $0x4  }
0x8e: {  	v5 =	vshll.u32 v5, $0x1  }
0x8f: {  	v5 =	vor.u32 v0, v5  }
0x90: {  	[tilespmem:s11+$0x50] =	vst v5;
	v5 =	vld [tilespmem:s11+$0x60];
	_ =	sdelay $0x4  }
0x91: {  	v5 =	vshll.u32 v5, $0x1  }
0x92: {  	v5 =	vor.u32 v0, v5  }
0x93: {  	[tilespmem:s11+$0x60] =	vst v5;
	v5 =	vld [tilespmem:s11+$0x70];
	_ =	sdelay $0x4  }
0x94: {  	v5 =	vshll.u32 v5, $0x1  }
0x95: {  	v5 =	vor.u32 v0, v5  }
0x96: {  	[tilespmem:s11+$0x70] =	vst v5  }
0x97: {  	[tilespmem:s30], [sflag:$0x4] =	stream.indirect.gather [hbm4b:s1+s25], $0x40, s11, s25, $0xb8;
	[tilespmem:$0x1BD00] =	vst v63  }
0x98: {  	_ =	swait.ge [sflag:s31], $0x1400  }
0x99: {  	[sflag:s31] =	ssyncset.done $0x0  }
0x9a: {  	[sflag:s31] =	ssyncadd.s32 $0xFFFFEC00  }
0x9b: {  	s5 =	simm.s32 $0x0;
	[bflag:$0x0] =	sbarrier.arrive $0xFFFF  }
.LBB2_2:
0x9c: {  	_ =	swait.ge [sflag:s6], $0x2000;
	s7 =	sshra.s32 s5, $0x2  }
0x9d: {  	[sflag:s6] =	ssyncset.done $0x0;
	s18 =	sadd.s32 s7, s19  }
0x9e: {  	[sflag:s6] =	ssyncadd.s32 $0xFFFFE000;
	s22 =	sadd.s32 $0x80, s18  }
0x9f: {  	[spmem:s3] =	stream.indirect.scatter.add.f32 [tilespmem:s26], [sflag:$0x5], $0x40, s22, s25, $0xb8;
	[tilespmem:$0x1BD00] =	vst v63  }
0xa0: {  	_ =	swait.ge [sflag:s0], $0x2000  }
0xa1: {  	[sflag:s0] =	ssyncset.done $0x0  }
0xa2: {  	s22 =	sadd.s32 $0x180, s18;
	[sflag:s0] =	ssyncadd.s32 $0xFFFFE000  }
0xa3: {  	[spmem:s3] =	stream.indirect.scatter.add.f32 [tilespmem:s28], [sflag:$0x6], $0x40, s22, s25, $0xb8;
	[tilespmem:$0x1BD00] =	vst v63  }
0xa4: {  	_ =	swait.ge [sflag:s2], $0x2000  }
0xa5: {  	[sflag:s2] =	ssyncset.done $0x0  }
0xa6: {  	p2 =	seq.s32 s5, $0x26000;
	s22 =	sadd.s32 $0x280, s18;
	[sflag:s2] =	ssyncadd.s32 $0xFFFFE000  }
0xa7: {  	[spmem:s3] =	stream.indirect.scatter.add.f32 [tilespmem:s29], [sflag:$0x7], $0x40, s22, s25, $0xb8;
	[tilespmem:$0x1BD00] =	vst v63  }
.Ltmp2:
0xa8: {  	_ = 	snop;
	(pc) =	sbr.rel @p2 .LBB2_4-.Ltmp2, $4  }
0xa9: {  	_ =	swait.ge [sflag:s16], $0x2000  }
0xaa: {  	[sflag:s16] =	ssyncset.done $0x0  }
0xab: {  	s18 =	sadd.s32 $0x380, s18;
	[sflag:s16] =	ssyncadd.s32 $0xFFFFE000  }
0xac: {  	[spmem:s3] =	stream.indirect.scatter.add.f32 [tilespmem:s30], [sflag:$0x8], $0x40, s18, s25, $0xb8;
	[tilespmem:$0x1BD00] =	vst v63  }
0xad: {  	_ =	sdelay $0x3  }
0xae: {  	v5 =	vld.idx.msk [tilespmem:v1+s7+$0x0 ss:$0x1], $0xffff;
	_ =	sdelay $0x4  }
0xaf: {  	v5 =	vshll.u32 v5, $0x1  }
0xb0: {  	v5 =	vor.u32 v0, v5  }
0xb1: {  	[tilespmem:v1+s7+$0x0 ss:$0x1] =	vst.idx.msk $0xffff, v5  }
0xb2: {  	v5 =	vld.idx.msk [tilespmem:v1+s7+$0x10 ss:$0x1], $0xffff;
	_ =	sdelay $0x4  }
0xb3: {  	v5 =	vshll.u32 v5, $0x1  }
0xb4: {  	v5 =	vor.u32 v0, v5  }
0xb5: {  	[tilespmem:v1+s7+$0x10 ss:$0x1] =	vst.idx.msk $0xffff, v5  }
0xb6: {  	v5 =	vld.idx.msk [tilespmem:v1+s7+$0x20 ss:$0x1], $0xffff;
	_ =	sdelay $0x4  }
0xb7: {  	v5 =	vshll.u32 v5, $0x1  }
0xb8: {  	v5 =	vor.u32 v0, v5  }
0xb9: {  	[tilespmem:v1+s7+$0x20 ss:$0x1] =	vst.idx.msk $0xffff, v5  }
0xba: {  	v5 =	vld.idx.msk [tilespmem:v1+s7+$0x30 ss:$0x1], $0xffff;
	_ =	sdelay $0x4  }
0xbb: {  	v5 =	vshll.u32 v5, $0x1  }
0xbc: {  	v5 =	vor.u32 v0, v5  }
0xbd: {  	[tilespmem:v1+s7+$0x30 ss:$0x1] =	vst.idx.msk $0xffff, v5  }
0xbe: {  	v5 =	vld.idx.msk [tilespmem:v1+s7+$0x40 ss:$0x1], $0xffff;
	_ =	sdelay $0x4  }
0xbf: {  	v5 =	vshll.u32 v5, $0x1  }
0xc0: {  	v5 =	vor.u32 v0, v5  }
0xc1: {  	[tilespmem:v1+s7+$0x40 ss:$0x1] =	vst.idx.msk $0xffff, v5  }
0xc2: {  	v5 =	vld.idx.msk [tilespmem:v1+s7+$0x50 ss:$0x1], $0xffff;
	_ =	sdelay $0x4  }
0xc3: {  	v5 =	vshll.u32 v5, $0x1  }
0xc4: {  	v5 =	vor.u32 v0, v5  }
0xc5: {  	[tilespmem:v1+s7+$0x50 ss:$0x1] =	vst.idx.msk $0xffff, v5  }
0xc6: {  	v5 =	vld.idx.msk [tilespmem:v1+s7+$0x60 ss:$0x1], $0xffff;
	_ =	sdelay $0x4  }
0xc7: {  	v5 =	vshll.u32 v5, $0x1  }
0xc8: {  	v5 =	vor.u32 v0, v5  }
0xc9: {  	[tilespmem:v1+s7+$0x60 ss:$0x1] =	vst.idx.msk $0xffff, v5  }
0xca: {  	v5 =	vld.idx.msk [tilespmem:v1+s7+$0x70 ss:$0x1], $0xffff;
	_ =	sdelay $0x4  }
0xcb: {  	v5 =	vshll.u32 v5, $0x1  }
0xcc: {  	v5 =	vor.u32 v0, v5  }
0xcd: {  	[tilespmem:v1+s7+$0x70 ss:$0x1] =	vst.idx.msk $0xffff, v5  }
0xce: {  	_ =	swait.ge [sflag:s31], $0x2000  }
0xcf: {  	[sflag:s31] =	ssyncset.done $0x0  }
0xd0: {  	s18 =	sadd.s32 s7, s12;
	[sflag:s31] =	ssyncadd.s32 $0xFFFFE000  }
0xd1: {  	[tilespmem:s26], [sflag:$0x1] =	stream.indirect.gather [hbm4b:s1+s25], $0x40, s18, s25, $0xb8;
	[tilespmem:$0x1BD00] =	vst v63  }
0xd2: {  	v5 =	vld.idx.msk [tilespmem:v2+s7+$0x0 ss:$0x1], $0xffff;
	_ =	sdelay $0x4  }
0xd3: {  	v5 =	vshll.u32 v5, $0x1  }
0xd4: {  	v5 =	vor.u32 v0, v5  }
0xd5: {  	[tilespmem:v2+s7+$0x0 ss:$0x1] =	vst.idx.msk $0xffff, v5  }
0xd6: {  	v5 =	vld.idx.msk [tilespmem:v2+s7+$0x10 ss:$0x1], $0xffff;
	_ =	sdelay $0x4  }
0xd7: {  	v5 =	vshll.u32 v5, $0x1  }
0xd8: {  	v5 =	vor.u32 v0, v5  }
0xd9: {  	[tilespmem:v2+s7+$0x10 ss:$0x1] =	vst.idx.msk $0xffff, v5  }
0xda: {  	v5 =	vld.idx.msk [tilespmem:v2+s7+$0x20 ss:$0x1], $0xffff;
	_ =	sdelay $0x4  }
0xdb: {  	v5 =	vshll.u32 v5, $0x1  }
0xdc: {  	v5 =	vor.u32 v0, v5  }
0xdd: {  	[tilespmem:v2+s7+$0x20 ss:$0x1] =	vst.idx.msk $0xffff, v5  }
0xde: {  	v5 =	vld.idx.msk [tilespmem:v2+s7+$0x30 ss:$0x1], $0xffff;
	_ =	sdelay $0x4  }
0xdf: {  	v5 =	vshll.u32 v5, $0x1  }
0xe0: {  	v5 =	vor.u32 v0, v5  }
0xe1: {  	[tilespmem:v2+s7+$0x30 ss:$0x1] =	vst.idx.msk $0xffff, v5  }
0xe2: {  	v5 =	vld.idx.msk [tilespmem:v2+s7+$0x40 ss:$0x1], $0xffff;
	_ =	sdelay $0x4  }
0xe3: {  	v5 =	vshll.u32 v5, $0x1  }
0xe4: {  	v5 =	vor.u32 v0, v5  }
0xe5: {  	[tilespmem:v2+s7+$0x40 ss:$0x1] =	vst.idx.msk $0xffff, v5  }
0xe6: {  	v5 =	vld.idx.msk [tilespmem:v2+s7+$0x50 ss:$0x1], $0xffff;
	_ =	sdelay $0x4  }
0xe7: {  	v5 =	vshll.u32 v5, $0x1  }
0xe8: {  	v5 =	vor.u32 v0, v5  }
0xe9: {  	[tilespmem:v2+s7+$0x50 ss:$0x1] =	vst.idx.msk $0xffff, v5  }
0xea: {  	v5 =	vld.idx.msk [tilespmem:v2+s7+$0x60 ss:$0x1], $0xffff;
	_ =	sdelay $0x4  }
0xeb: {  	v5 =	vshll.u32 v5, $0x1  }
0xec: {  	v5 =	vor.u32 v0, v5  }
0xed: {  	[tilespmem:v2+s7+$0x60 ss:$0x1] =	vst.idx.msk $0xffff, v5  }
0xee: {  	v5 =	vld.idx.msk [tilespmem:v2+s7+$0x70 ss:$0x1], $0xffff;
	_ =	sdelay $0x4  }
0xef: {  	v5 =	vshll.u32 v5, $0x1  }
0xf0: {  	v5 =	vor.u32 v0, v5  }
0xf1: {  	[tilespmem:v2+s7+$0x70 ss:$0x1] =	vst.idx.msk $0xffff, v5  }
0xf2: {  	_ =	swait.ge [sflag:s24], $0x2000  }
0xf3: {  	[sflag:s24] =	ssyncset.done $0x0  }
0xf4: {  	s22 =	sadd.s32 s7, s14;
	[sflag:s24] =	ssyncadd.s32 $0xFFFFE000  }
0xf5: {  	[tilespmem:s28], [sflag:$0x2] =	stream.indirect.gather [hbm4b:s1+s25], $0x40, s22, s25, $0xb8;
	[tilespmem:$0x1BD00] =	vst v63  }
0xf6: {  	v5 =	vld.idx.msk [tilespmem:v3+s7+$0x0 ss:$0x1], $0xffff;
	_ =	sdelay $0x4  }
0xf7: {  	v5 =	vshll.u32 v5, $0x1  }
0xf8: {  	v5 =	vor.u32 v0, v5  }
0xf9: {  	[tilespmem:v3+s7+$0x0 ss:$0x1] =	vst.idx.msk $0xffff, v5  }
0xfa: {  	v5 =	vld.idx.msk [tilespmem:v3+s7+$0x10 ss:$0x1], $0xffff;
	_ =	sdelay $0x4  }
0xfb: {  	v5 =	vshll.u32 v5, $0x1  }
0xfc: {  	v5 =	vor.u32 v0, v5  }
0xfd: {  	[tilespmem:v3+s7+$0x10 ss:$0x1] =	vst.idx.msk $0xffff, v5  }
0xfe: {  	v5 =	vld.idx.msk [tilespmem:v3+s7+$0x20 ss:$0x1], $0xffff;
	_ =	sdelay $0x4  }
0xff: {  	v5 =	vshll.u32 v5, $0x1  }
0x100: {  	v5 =	vor.u32 v0, v5  }
0x101: {  	[tilespmem:v3+s7+$0x20 ss:$0x1] =	vst.idx.msk $0xffff, v5  }
0x102: {  	v5 =	vld.idx.msk [tilespmem:v3+s7+$0x30 ss:$0x1], $0xffff;
	_ =	sdelay $0x4  }
0x103: {  	v5 =	vshll.u32 v5, $0x1  }
0x104: {  	v5 =	vor.u32 v0, v5  }
0x105: {  	[tilespmem:v3+s7+$0x30 ss:$0x1] =	vst.idx.msk $0xffff, v5  }
0x106: {  	v5 =	vld.idx.msk [tilespmem:v3+s7+$0x40 ss:$0x1], $0xffff;
	_ =	sdelay $0x4  }
0x107: {  	v5 =	vshll.u32 v5, $0x1  }
0x108: {  	v5 =	vor.u32 v0, v5  }
0x109: {  	[tilespmem:v3+s7+$0x40 ss:$0x1] =	vst.idx.msk $0xffff, v5  }
0x10a: {  	v5 =	vld.idx.msk [tilespmem:v3+s7+$0x50 ss:$0x1], $0xffff;
	_ =	sdelay $0x4  }
0x10b: {  	v5 =	vshll.u32 v5, $0x1  }
0x10c: {  	v5 =	vor.u32 v0, v5  }
0x10d: {  	[tilespmem:v3+s7+$0x50 ss:$0x1] =	vst.idx.msk $0xffff, v5  }
0x10e: {  	v5 =	vld.idx.msk [tilespmem:v3+s7+$0x60 ss:$0x1], $0xffff;
	_ =	sdelay $0x4  }
0x10f: {  	v5 =	vshll.u32 v5, $0x1  }
0x110: {  	v5 =	vor.u32 v0, v5  }
0x111: {  	[tilespmem:v3+s7+$0x60 ss:$0x1] =	vst.idx.msk $0xffff, v5  }
0x112: {  	v5 =	vld.idx.msk [tilespmem:v3+s7+$0x70 ss:$0x1], $0xffff;
	_ =	sdelay $0x4  }
0x113: {  	v5 =	vshll.u32 v5, $0x1  }
0x114: {  	v5 =	vor.u32 v0, v5  }
0x115: {  	[tilespmem:v3+s7+$0x70 ss:$0x1] =	vst.idx.msk $0xffff, v5  }
0x116: {  	_ =	swait.ge [sflag:s4], $0x2000  }
0x117: {  	[sflag:s4] =	ssyncset.done $0x0  }
0x118: {  	s22 =	sadd.s32 s7, s13;
	[sflag:s4] =	ssyncadd.s32 $0xFFFFE000  }
0x119: {  	[tilespmem:s29], [sflag:$0x3] =	stream.indirect.gather [hbm4b:s1+s25], $0x40, s22, s25, $0xb8;
	[tilespmem:$0x1BD00] =	vst v63  }
0x11a: {  	v5 =	vld.idx.msk [tilespmem:v4+s7+$0x0 ss:$0x1], $0xffff;
	_ =	sdelay $0x4  }
0x11b: {  	v5 =	vshll.u32 v5, $0x1  }
0x11c: {  	v5 =	vor.u32 v0, v5  }
0x11d: {  	[tilespmem:v4+s7+$0x0 ss:$0x1] =	vst.idx.msk $0xffff, v5  }
0x11e: {  	v5 =	vld.idx.msk [tilespmem:v4+s7+$0x10 ss:$0x1], $0xffff;
	_ =	sdelay $0x4  }
0x11f: {  	v5 =	vshll.u32 v5, $0x1  }
0x120: {  	v5 =	vor.u32 v0, v5  }
0x121: {  	[tilespmem:v4+s7+$0x10 ss:$0x1] =	vst.idx.msk $0xffff, v5  }
0x122: {  	v5 =	vld.idx.msk [tilespmem:v4+s7+$0x20 ss:$0x1], $0xffff;
	_ =	sdelay $0x4  }
0x123: {  	v5 =	vshll.u32 v5, $0x1  }
0x124: {  	v5 =	vor.u32 v0, v5  }
0x125: {  	[tilespmem:v4+s7+$0x20 ss:$0x1] =	vst.idx.msk $0xffff, v5  }
0x126: {  	v5 =	vld.idx.msk [tilespmem:v4+s7+$0x30 ss:$0x1], $0xffff;
	_ =	sdelay $0x4  }
0x127: {  	v5 =	vshll.u32 v5, $0x1  }
0x128: {  	v5 =	vor.u32 v0, v5  }
0x129: {  	[tilespmem:v4+s7+$0x30 ss:$0x1] =	vst.idx.msk $0xffff, v5  }
0x12a: {  	v5 =	vld.idx.msk [tilespmem:v4+s7+$0x40 ss:$0x1], $0xffff;
	_ =	sdelay $0x4  }
0x12b: {  	v5 =	vshll.u32 v5, $0x1  }
0x12c: {  	v5 =	vor.u32 v0, v5  }
0x12d: {  	[tilespmem:v4+s7+$0x40 ss:$0x1] =	vst.idx.msk $0xffff, v5  }
0x12e: {  	v5 =	vld.idx.msk [tilespmem:v4+s7+$0x50 ss:$0x1], $0xffff;
	_ =	sdelay $0x4  }
0x12f: {  	v5 =	vshll.u32 v5, $0x1  }
0x130: {  	v5 =	vor.u32 v0, v5  }
0x131: {  	[tilespmem:v4+s7+$0x50 ss:$0x1] =	vst.idx.msk $0xffff, v5  }
0x132: {  	v5 =	vld.idx.msk [tilespmem:v4+s7+$0x60 ss:$0x1], $0xffff;
	_ =	sdelay $0x4  }
0x133: {  	v5 =	vshll.u32 v5, $0x1  }
0x134: {  	v5 =	vor.u32 v0, v5  }
0x135: {  	[tilespmem:v4+s7+$0x60 ss:$0x1] =	vst.idx.msk $0xffff, v5  }
0x136: {  	v5 =	vld.idx.msk [tilespmem:v4+s7+$0x70 ss:$0x1], $0xffff;
	_ =	sdelay $0x4  }
0x137: {  	v5 =	vshll.u32 v5, $0x1  }
0x138: {  	v5 =	vor.u32 v0, v5  }
.Ltmp3:
0x139: {  	[tilespmem:v4+s7+$0x70 ss:$0x1] =	vst.idx.msk $0xffff, v5;
	(pc) =	sbr.rel .LBB2_2-.Ltmp3, $4  }
0x13a: {  	_ =	swait.ge [sflag:s17], $0x2000  }
0x13b: {  	[sflag:s17] =	ssyncset.done $0x0  }
0x13c: {  	s5 =	sadd.s32 $0x1000, s5;
	s22 =	sadd.s32 s7, s15;
	[sflag:s17] =	ssyncadd.s32 $0xFFFFE000  }
0x13d: {  	[tilespmem:s30], [sflag:$0x4] =	stream.indirect.gather [hbm4b:s1+s25], $0x40, s22, s25, $0xb8;
	[tilespmem:$0x1BD00] =	vst v63  }
.LBB2_4:
0x13e: {  	_ =	swait.ge [sflag:s31], $0x2000  }
0x13f: {  	[sflag:s31] =	ssyncset.done $0x0  }
0x140: {  	[sflag:s31] =	ssyncadd.s32 $0xFFFFE000  }
0x141: {  	_ =	swait.ge [sflag:s24], $0x2000  }
0x142: {  	[sflag:s24] =	ssyncset.done $0x0  }
0x143: {  	[sflag:s24] =	ssyncadd.s32 $0xFFFFE000  }
0x144: {  	_ =	swait.ge [sflag:s4], $0x2000  }
.Ltmp4:
0x145: {  	[sflag:s4] =	ssyncset.done $0x0;
	(pc) =	sbr.rel @p1 .LBB2_6-.Ltmp4, $4  }
0x146: {  	[sflag:s4] =	ssyncadd.s32 $0xFFFFE000  }
0x147: {  	_ =	swait.ge [sflag:s17], $0x2000  }
0x148: {  	[sflag:s17] =	ssyncset.done $0x0  }
0x149: {  	[sflag:s17] =	ssyncadd.s32 $0xFFFFE000  }
0x14a: {  	v5 =	vld [tilespmem:$0x9C00]  }
0x14b: {  	v6 =	vld [tilespmem:$0x9C10]  }
0x14c: {  	v7 =	vld [tilespmem:$0x9C20]  }
0x14d: {  	v8 =	vld [tilespmem:$0x9C30]  }
0x14e: {  	v9 =	vld [tilespmem:$0x9C40]  }
0x14f: {  	v10 =	vld [tilespmem:$0x9C50];
	v5 =	vshll.u32 v5, $0x1  }
0x150: {  	v11 =	vld [tilespmem:$0x9C60];
	v6 =	vshll.u32 v6, $0x1;
	v5 =	vor.u32 v0, v5  }
0x151: {  	[tilespmem:$0x9C00] =	vst v5;
	v5 =	vor.u32 v0, v6;
	v6 =	vshll.u32 v7, $0x1;
	v7 =	vld [tilespmem:$0x9C70]  }
0x152: {  	[tilespmem:$0x9C10] =	vst v5;
	v5 =	vor.u32 v0, v6;
	v6 =	vshll.u32 v8, $0x1  }
0x153: {  	[tilespmem:$0x9C20] =	vst v5;
	v5 =	vor.u32 v0, v6;
	v6 =	vshll.u32 v9, $0x1  }
0x154: {  	[tilespmem:$0x9C30] =	vst v5;
	v5 =	vor.u32 v0, v6;
	v6 =	vshll.u32 v10, $0x1  }
0x155: {  	[tilespmem:$0x9C40] =	vst v5;
	v5 =	vor.u32 v0, v6;
	v6 =	vshll.u32 v11, $0x1  }
0x156: {  	[tilespmem:$0x9C50] =	vst v5;
	v5 =	vor.u32 v0, v6;
	v6 =	vshll.u32 v7, $0x1  }
0x157: {  	[tilespmem:$0x9C60] =	vst v5;
	v5 =	vor.u32 v0, v6  }
0x158: {  	s5 =	simm.s32 $0x9C00;
	[tilespmem:$0x9C70] =	vst v5  }
0x159: {  	[tilespmem:s26], [sflag:$0x1] =	stream.indirect.gather [hbm4b:s1+s25], $0x40, s5, s25, $0xb8;
	[tilespmem:$0x1BD00] =	vst v63  }
0x15a: {  	_ =	swait.ge [sflag:s6], $0x2000  }
0x15b: {  	[sflag:s6] =	ssyncset.done $0x0  }
0x15c: {  	s22 =	simm.s32 $0x9C80;
	[sflag:s6] =	ssyncadd.s32 $0xFFFFE000  }
0x15d: {  	[spmem:s3] =	stream.indirect.scatter.add.f32 [tilespmem:s26], [sflag:$0x9], $0x40, s22, s25, $0xb8;
	[tilespmem:$0x1BD00] =	vst v63  }
.Ltmp5:
0x15e: {  	_ =	swait.ge [sflag:s20], $0x2000;
	(pc) =	sbr.rel .LBB2_7-.Ltmp5, $3  }
0x15f: {  	[sflag:s20] =	ssyncset.done $0x0  }
0x160: {  	[sflag:s20] =	ssyncadd.s32 $0xFFFFE000  }
0x161: {  	[bflag:$0x0] =	sbarrier.arrive $0xFFFF;
	_ =	sdelay $0x1  }
.LBB2_6:
.Ltmp6:
0x162: {  	(pc) =	sbr.rel @p0 .LBB2_8-.Ltmp6, $2  }
0x163: {  	_ =	sdelay $0x1  }
0x164: {  	[bflag:$0x0] =	sbarrier.arrive $0xFFFF;
	_ =	sdelay $0x1  }
.LBB2_7:
0x165: {  	s5 =	rddreg [dreg:$0xb]  }
0x166: {  	s7 =	rddreg [dreg:$0x9]  }
.Ltmp7:
0x167: {  	s18 =	simm.s32 $0x10;
	s5 =	sor.u32 $0x1C09, s5;
	(pc) =	sbr.rel .LBB2_9-.Ltmp7, $4  }
0x168: {  	[hbm:s7@s18], [sflag:s5] =	dma.strided [spmem:s23@s17], $0x1400, s6, $0x8   }
0x169: {  	_ =	swait.ge [sflag:s20], $0x1400  }
0x16a: {  	[sflag:s20] =	ssyncset.done $0x0  }
0x16b: {  	[sflag:s20] =	ssyncadd.s32 $0xFFFFEC00  }
.LBB2_10:
0x16c: {  	_ =	sfence.sel $0x180000  }
0x16d: {  	[bflag:$0x0] =	sbarrier.arrive $0xFFFF  }
0x16e: {  	_ =	strace $0x90000047  }
0x16f: {  	s0 =	stileid.u32;
	[bflag:$0x2] =	sbarrier.arrive $0xFFFF  }
0x170: {  	p0 =	sne.s32 s0, $0x0;
	s0 =	rddreg [dreg:$0x5]  }
0x171: {  	s0 =	sadd.s32 @!p0 $0x100000, s0  }
0x172: {  	[sflag:s0] =	ssyncadd.tile.s32 @!p0 $0x1;
	_ =	shalt  }
.Lfunc_end2:
_tile_overlayer_lowered:
.L_overlay_start_2:
0x173: {  	(tag) =	ssettag $0x2  }
0x174: {  	s0 =	rddreg [dreg:$0x0];
	s2 =	stileid.u32  }
0x175: {  	s1 =	rddreg [dreg:$0x1];
	p0 =	sne.s32 s2, $0x0  }
0x176: {  	s3 =	rddreg [dreg:$0x2];
	[bflag:$0x3] =	sbarrier.arrive $0xFFFF;
	s2 =	simm.s32 @!p0 $0x1C09  }
0x177: {  	[timem:s3], [sflag:s2] =	dma.local @!p0 [hbm:s0], s1  }
0x178: {  	s0 =	simm.s32 @!p0 $0x9  }
0x179: {  	_ =	swait.ge @!p0 [sflag:s0], s1  }
0x17a: {  	s1 =	ssub.s32 @!p0 $0x0, s1;
	[sflag:s0] =	ssyncset.done @!p0 $0x0  }
0x17b: {  	[sflag:s0] =	ssyncadd.s32 @!p0 s1  }
0x17c: {  	[bflag:$0x3] =	sbarrier.arrive $0xFFFF  }
0x17d: {  	_ =	shalt  }

</sc_bundles>
